<compile_context>
chip_gen: v7x
topology: tpu7x:2x2x1
jax: 0.10.2.dev20260603
libtpu: 0.0.44.dev20260713+nightly
codegen_flags: <defaults>
</compile_context>

<pallas_src>
import jax
import jax.numpy as jnp
from jax import lax
from jax.experimental import pallas as pl
from jax.experimental.pallas import tpu as pltpu
from jax.experimental.pallas import tpu_sc as plsc

N = 10000
E = 320000
D = 128
D_EDGE = 16

NC = 2
NS = 16
NW = NC * NS
EPW = E // NW
B = 80
NB = EPW // B
N_PAD = 10240
RPS = N_PAD // NS
CR = N_PAD // D
NPAIR = (NB - 1) // 2

_LEAKY = 0.01


def _leaky(v):
    return jnp.where(v >= 0.0, v, v * _LEAKY)



def _proj_body(x_ref, ws_ref, wd_ref, xs_ref, xd_ref):
    xb = x_ref[...]
    xs_ref[...] = jnp.dot(xb, ws_ref[...], preferred_element_type=jnp.float32)
    xd_ref[...] = jnp.dot(xb, wd_ref[...], preferred_element_type=jnp.float32)


def _proj(x, w_s, w_d):
    nb = 25
    bn = N // nb
    return pl.pallas_call(
        _proj_body,
        grid=(nb,),
        in_specs=[
            pl.BlockSpec((bn, D), lambda i: (i, 0)),
            pl.BlockSpec((D, D), lambda i: (0, 0)),
            pl.BlockSpec((D, D), lambda i: (0, 0)),
        ],
        out_specs=[pl.BlockSpec((bn, D), lambda i: (i, 0))] * 2,
        out_shape=[jax.ShapeDtypeStruct((N, D), jnp.float32)] * 2,
    )(x, w_s, w_d)



def _ea_body(e_ref, w_ref, o_ref):
    o_ref[...] = jnp.dot(e_ref[...], w_ref[...], preferred_element_type=jnp.float32)


def _ea_proj(edge_attr, w_e):
    nb = 40
    be = E // nb
    return pl.pallas_call(
        _ea_body,
        grid=(nb,),
        in_specs=[
            pl.BlockSpec((be, D_EDGE), lambda i: (i, 0)),
            pl.BlockSpec((D_EDGE, D), lambda i: (0, 0)),
        ],
        out_specs=pl.BlockSpec((be, D), lambda i: (i, 0)),
        out_shape=jax.ShapeDtypeStruct((E, D), jnp.float32),
    )(edge_attr, w_e)



def _edge_kernel(src_hbm, dst_hbm, xs_hbm, xd_hbm, ea_hbm,
                 out_msg, out_cnt,
                 si_a, di_a, si_b, di_b, xs_v, xd_v, msg_v, cnt_v,
                 acc_sh, sem_i, sem_g1, sem_g2, sem_ea, sem_sc):
    c = lax.axis_index("c")
    s = lax.axis_index("s")
    wid = c * NS + s

    def _zero_cnt(i, carry):
        for j in range(D // 16):
            cnt_v[i, pl.ds(j * 16, 16)] = jnp.zeros((16,), jnp.float32)
        return carry
    lax.fori_loop(0, CR, _zero_cnt, 0)

    def _zero_xs(i, carry):
        for j in range(D // 16):
            xs_v[i, pl.ds(j * 16, 16)] = jnp.zeros((16,), jnp.float32)
        return carry
    lax.fori_loop(0, B, _zero_xs, 0)

    def _zinit(k, carry):
        pltpu.sync_copy(xs_v, acc_sh.at[pl.ds(s * RPS + k * B, B)])
        return carry
    lax.fori_loop(0, RPS // B, _zinit, 0)

    base0 = wid * EPW
    plsc.subcore_barrier()

    ones16 = jnp.ones((16,), jnp.float32)

    def _wait_gathers():
        pltpu.make_async_copy(xs_hbm.at[si_a], xs_v, sem_g1).wait()
        pltpu.make_async_copy(xd_hbm.at[di_a], xd_v, sem_g2).wait()
        pltpu.make_async_copy(ea_hbm.at[pl.ds(0, B)], msg_v, sem_ea).wait()

    def _wait_idx(si, di):
        pltpu.make_async_copy(src_hbm.at[pl.ds(0, B)], si, sem_i).wait()
        pltpu.make_async_copy(dst_hbm.at[pl.ds(0, B)], di, sem_i).wait()

    def _compute():
        def _row(i2, carry2):
            for r in range(2):
                i = 2 * i2 + r
                for j in range(D // 16):
                    sl = pl.ds(j * 16, 16)
                    v = xs_v[i, sl] + xd_v[i, sl] + msg_v[i, sl]
                    msg_v[i, sl] = jnp.maximum(v, v * _LEAKY)
            return carry2
        lax.fori_loop(0, B // 2, _row, 0)

    def _counts(di):
        for kk in range(B // 16):
            idx = di[pl.ds(kk * 16, 16)]
            hi = lax.shift_right_logical(idx, 7)
            lo = lax.bitwise_and(idx, 127)
            plsc.addupdate_scatter(cnt_v, (hi, lo), ones16)

    def _half(k, si_p, di_p, si_q, di_q, gate_next, gate_idx2,
              gate_widx=True):
        _wait_gathers()

        @pl.when(gate_widx)
        def _widx():
            _wait_idx(si_q, di_q)
        _compute()

        @pl.when(gate_next)
        def _pref():
            pltpu.async_copy(xs_hbm.at[si_q], xs_v, sem_g1)
            pltpu.async_copy(xd_hbm.at[di_q], xd_v, sem_g2)

        sc_cp = pltpu.async_copy(msg_v, acc_sh.at[di_p], sem_sc, add=True)
        _counts(di_p)
        sc_cp.wait()
        @pl.when(gate_idx2)
        def _idx2():
            eb2 = base0 + (k + 2) * B
            pltpu.async_copy(src_hbm.at[pl.ds(eb2, B)], si_p, sem_i)
            pltpu.async_copy(dst_hbm.at[pl.ds(eb2, B)], di_p, sem_i)

        @pl.when(gate_next)
        def _pref_ea():
            pltpu.async_copy(ea_hbm.at[pl.ds(base0 + (k + 1) * B, B)],
                             msg_v, sem_ea)

    pltpu.sync_copy(src_hbm.at[pl.ds(base0, B)], si_a)
    pltpu.sync_copy(dst_hbm.at[pl.ds(base0, B)], di_a)
    pltpu.async_copy(xs_hbm.at[si_a], xs_v, sem_g1)
    pltpu.async_copy(xd_hbm.at[di_a], xd_v, sem_g2)
    pltpu.async_copy(ea_hbm.at[pl.ds(base0, B)], msg_v, sem_ea)
    pltpu.async_copy(src_hbm.at[pl.ds(base0 + B, B)], si_b, sem_i)
    pltpu.async_copy(dst_hbm.at[pl.ds(base0 + B, B)], di_b, sem_i)

    _half(jnp.int32(0), si_a, di_a, si_b, di_b, True, True)

    def _pair(t, carry):
        k1 = 2 * t + 1
        _half(k1, si_b, di_b, si_a, di_a, True, t < NPAIR - 1)
        _half(k1 + 1, si_a, di_a, si_b, di_b, t < NPAIR - 1, t < NPAIR - 1,
              gate_widx=t < NPAIR - 1)
        return carry
    lax.fori_loop(0, NPAIR, _pair, 0)

    plsc.subcore_barrier()

    def _wout(k, carry):
        row = s * RPS + k * B
        pltpu.sync_copy(acc_sh.at[pl.ds(row, B)], xs_v)
        pltpu.sync_copy(xs_v, out_msg.at[c, pl.ds(row, B)])
        return carry
    lax.fori_loop(0, RPS // B, _wout, 0)
    pltpu.sync_copy(cnt_v.at[pl.ds(0, CR)], out_cnt.at[wid])


_edge_call = pl.kernel(
    _edge_kernel,
    out_type=(jax.ShapeDtypeStruct((NC, N_PAD, D), jnp.float32),
              jax.ShapeDtypeStruct((NW, CR, D), jnp.float32)),
    mesh=plsc.VectorSubcoreMesh(core_axis_name="c", subcore_axis_name="s"),
    compiler_params=pltpu.CompilerParams(needs_layout_passes=False),
    scratch_types=[
        pltpu.VMEM((B,), jnp.int32),
        pltpu.VMEM((B,), jnp.int32),
        pltpu.VMEM((B,), jnp.int32),
        pltpu.VMEM((B,), jnp.int32),
        pltpu.VMEM((B, D), jnp.float32),
        pltpu.VMEM((B, D), jnp.float32),
        pltpu.VMEM((B, D), jnp.float32),
        pltpu.VMEM((CR, D), jnp.float32),
        pltpu.VMEM_SHARED((N_PAD, D), jnp.float32),
        pltpu.SemaphoreType.DMA,
        pltpu.SemaphoreType.DMA,
        pltpu.SemaphoreType.DMA,
        pltpu.SemaphoreType.DMA,
        pltpu.SemaphoreType.DMA,
    ],
)



def _fin_body(x_ref, mp_ref, cp_ref, wux_ref, wun_ref, o_ref):
    ssum = mp_ref[0] + mp_ref[1]
    cnt = jnp.sum(cp_ref[...], axis=0)[:, None]
    h = ssum / jnp.maximum(cnt, 1.0)
    y = (jnp.dot(x_ref[...], wux_ref[...], preferred_element_type=jnp.float32)
         + jnp.dot(h, wun_ref[...], preferred_element_type=jnp.float32))
    o_ref[...] = _leaky(y)


def _final(x_pad, msg_p, cnt_r, wu_x, wu_n):
    nb = 20
    bn = N_PAD // nb
    return pl.pallas_call(
        _fin_body,
        grid=(nb,),
        in_specs=[
            pl.BlockSpec((bn, D), lambda i: (i, 0)),
            pl.BlockSpec((NC, bn, D), lambda i: (0, i, 0)),
            pl.BlockSpec((NW, bn), lambda i: (0, i)),
            pl.BlockSpec((D, D), lambda i: (0, 0)),
            pl.BlockSpec((D, D), lambda i: (0, 0)),
        ],
        out_specs=pl.BlockSpec((bn, D), lambda i: (i, 0)),
        out_shape=jax.ShapeDtypeStruct((N_PAD, D), jnp.float32),
    )(x_pad, msg_p, cnt_r, wu_x, wu_n)


def kernel(x, edge_index, edge_attr, W_M, W_U):
    src = edge_index[0]
    dst = edge_index[1]
    w_s = W_M[:D]
    w_d = W_M[D:2 * D]
    w_e = W_M[2 * D:]
    wu_x = W_U[:D]
    wu_n = W_U[D:]

    xs, xd = _proj(x, w_s, w_d)
    ea = _ea_proj(edge_attr, w_e)

    msg_p, cnt_p = _edge_call(src, dst, xs, xd, ea)
    cnt_r = cnt_p.reshape(NW, N_PAD)

    x_pad = jnp.pad(x, ((0, N_PAD - N), (0, 0)))
    out = _final(x_pad, msg_p, cnt_r, wu_x, wu_n)
    return out[:N]

# --- scband reference (transcript-rebuilt; emitter-appended) ---
"""Pipeline reference for scband-mpnn-70626442215972 (READ-ONLY COPY).

The authoritative reference and input builder live on the scoring server;
editing this copy changes nothing except your own understanding.
"""

import jax, jax.numpy as jnp
import numpy as np

N = 10000
E = 320000
D_FEAT = 128
D_EDGE = 16
D_OUT = 128


def setup_inputs(seed: int = 0) -> dict:
    key = jax.random.key(seed)
    k1, k2, k3, k4, k5 = jax.random.split(key, 5)
    x = jax.random.normal(k1, (N, D_FEAT), dtype=jnp.float32)
    edge_index = jax.random.randint(k2, (2, E), 0, N, dtype=jnp.int32)
    edge_attr = jax.random.normal(k3, (E, D_EDGE), dtype=jnp.float32)
    # Linear weights stored as [in, out] so forward is x @ W (no bias)
    fan_m = 2 * D_FEAT + D_EDGE
    fan_u = 2 * D_FEAT
    W_M = jax.random.uniform(k4, (fan_m, D_OUT), dtype=jnp.float32,
                             minval=-1.0 / np.sqrt(fan_m), maxval=1.0 / np.sqrt(fan_m))
    W_U = jax.random.uniform(k5, (fan_u, D_OUT), dtype=jnp.float32,
                             minval=-1.0 / np.sqrt(fan_u), maxval=1.0 / np.sqrt(fan_u))
    return {"x": x, "edge_index": edge_index, "edge_attr": edge_attr, "W_M": W_M, "W_U": W_U}


def reference(x, edge_index, edge_attr, W_M, W_U):
    src = edge_index[0]
    dst = edge_index[1]
    # message: M(cat(h_src, h_dst, e)) with LeakyReLU (slope 0.01, torch default)
    m_in = jnp.concatenate([jnp.take(x, src, axis=0), jnp.take(x, dst, axis=0), edge_attr], axis=1)
    m = jax.nn.leaky_relu(m_in @ W_M, negative_slope=0.01)
    # reduce: mean of incoming messages per destination node (0 if no in-edges, matching DGL)
    summed = jax.ops.segment_sum(m, dst, num_segments=N)
    count = jax.ops.segment_sum(jnp.ones((E, 1), dtype=m.dtype), dst, num_segments=N)
    h_N = summed / jnp.maximum(count, 1.0)
    # update: U(cat(h, h_N)) with LeakyReLU
    h_total = jnp.concatenate([x, h_N], axis=1)
    return jax.nn.leaky_relu(h_total @ W_U, negative_slope=0.01)

if __name__ == "__main__":
    import jax
    _d = setup_inputs()
    print(jax.jit(kernel)(*tuple(_d.values())))

</pallas_src>

<mosaic_0001>
#map = affine_map<(d0, d1) -> (0)>
#map1 = affine_map<(d0, d1) -> (0, 0)>
#map2 = affine_map<(d0, d1) -> (0, 0, 0)>
module attributes {stable_mosaic.version = 14 : i64} {
  func.func @_edge_kernel(%arg0: i32, %arg1: i32, %arg2: memref<320000xi32, #tpu.memory_space<hbm>>, %arg3: memref<320000xi32, #tpu.memory_space<hbm>>, %arg4: memref<10000x128xf32, #tpu.memory_space<hbm>>, %arg5: memref<10000x128xf32, #tpu.memory_space<hbm>>, %arg6: memref<320000x128xf32, #tpu.memory_space<hbm>>, %arg7: memref<2x10240x128xf32, #tpu.memory_space<hbm>>, %arg8: memref<32x80x128xf32, #tpu.memory_space<hbm>>, %arg9: memref<80xi32, #tpu.memory_space<vmem>>, %arg10: memref<80xi32, #tpu.memory_space<vmem>>, %arg11: memref<80xi32, #tpu.memory_space<vmem>>, %arg12: memref<80xi32, #tpu.memory_space<vmem>>, %arg13: memref<80x128xf32, #tpu.memory_space<vmem>>, %arg14: memref<80x128xf32, #tpu.memory_space<vmem>>, %arg15: memref<80x128xf32, #tpu.memory_space<vmem>>, %arg16: memref<80x128xf32, #tpu.memory_space<vmem>>, %arg17: memref<10240x128xf32, #tpu.memory_space<vmem_shared>>, %arg18: memref<!tpu.dma_semaphore, #tpu.memory_space<semaphore_mem>>, %arg19: memref<!tpu.dma_semaphore, #tpu.memory_space<semaphore_mem>>, %arg20: memref<!tpu.dma_semaphore, #tpu.memory_space<semaphore_mem>>, %arg21: memref<!tpu.dma_semaphore, #tpu.memory_space<semaphore_mem>>, %arg22: memref<!tpu.dma_semaphore, #tpu.memory_space<semaphore_mem>>) attributes {dimension_semantics = [#tpu.dimension_semantics<core_parallel>, #tpu.dimension_semantics<subcore_parallel>], iteration_bounds = array<i64: 2, 16>, scalar_prefetch = 0 : i64, scratch_operands = 14 : i64, tpu.core_type = #tpu.core_type<sc_vector_subcore>, window_params = [{transform_indices = #map}, {transform_indices = #map}, {transform_indices = #map1}, {transform_indices = #map1}, {transform_indices = #map1}, {transform_indices = #map2}, {transform_indices = #map2}]} {
    %mul3A = arith.constant 16 : i32
    %mul3A_0 = arith.muli %arg0, %mul3A : i32
    %add3A = arith.addi %mul3A_0, %arg1 : i32
    %scan3A = arith.constant 0 : i32
    %scan3A_1 = arith.constant 0 : i32
    %scan3A_2 = arith.constant 80 : i32
    %scan3A_3 = arith.addi %scan3A_1, %scan3A_2 : i32
    %scan3A_4 = arith.constant 1 : i32
    scf.for %scan3A_145 = %scan3A_1 to %scan3A_3 step %scan3A_4  : i32 {
      %broadcast_in_dim3A_146 = arith.constant 0.000000e+00 : f32
      %broadcast_in_dim3A_147 = vector.broadcast %broadcast_in_dim3A_146 : f32 to vector<16xf32>
      %swap3A = arith.index_cast %scan3A_145 : i32 to index
      %swap3A_148 = arith.constant 0 : index
      %swap3A_149 = tpu.vector_load %arg16[%swap3A, %swap3A_148] {strides = array<i32>} : memref<80x128xf32, #tpu.memory_space<vmem>>, vector<16xf32>,
      tpu.vector_store %arg16[%swap3A, %swap3A_148], %broadcast_in_dim3A_147 {strides = array<i32>} : memref<80x128xf32, #tpu.memory_space<vmem>>, vector<16xf32>,
      %broadcast_in_dim3A_150 = arith.constant 0.000000e+00 : f32
      %broadcast_in_dim3A_151 = vector.broadcast %broadcast_in_dim3A_150 : f32 to vector<16xf32>
      %swap3A_152 = arith.index_cast %scan3A_145 : i32 to index
      %swap3A_153 = arith.constant 16 : index
      %swap3A_154 = tpu.vector_load %arg16[%swap3A_152, %swap3A_153] {strides = array<i32>} : memref<80x128xf32, #tpu.memory_space<vmem>>, vector<16xf32>,
      tpu.vector_store %arg16[%swap3A_152, %swap3A_153], %broadcast_in_dim3A_151 {strides = array<i32>} : memref<80x128xf32, #tpu.memory_space<vmem>>, vector<16xf32>,
      %broadcast_in_dim3A_155 = arith.constant 0.000000e+00 : f32
      %broadcast_in_dim3A_156 = vector.broadcast %broadcast_in_dim3A_155 : f32 to vector<16xf32>
      %swap3A_157 = arith.index_cast %scan3A_145 : i32 to index
      %swap3A_158 = arith.constant 32 : index
      %swap3A_159 = tpu.vector_load %arg16[%swap3A_157, %swap3A_158] {strides = array<i32>} : memref<80x128xf32, #tpu.memory_space<vmem>>, vector<16xf32>,
      tpu.vector_store %arg16[%swap3A_157, %swap3A_158], %broadcast_in_dim3A_156 {strides = array<i32>} : memref<80x128xf32, #tpu.memory_space<vmem>>, vector<16xf32>,
      %broadcast_in_dim3A_160 = arith.constant 0.000000e+00 : f32
      %broadcast_in_dim3A_161 = vector.broadcast %broadcast_in_dim3A_160 : f32 to vector<16xf32>
      %swap3A_162 = arith.index_cast %scan3A_145 : i32 to index
      %swap3A_163 = arith.constant 48 : index
      %swap3A_164 = tpu.vector_load %arg16[%swap3A_162, %swap3A_163] {strides = array<i32>} : memref<80x128xf32, #tpu.memory_space<vmem>>, vector<16xf32>,
      tpu.vector_store %arg16[%swap3A_162, %swap3A_163], %broadcast_in_dim3A_161 {strides = array<i32>} : memref<80x128xf32, #tpu.memory_space<vmem>>, vector<16xf32>,
      %broadcast_in_dim3A_165 = arith.constant 0.000000e+00 : f32
      %broadcast_in_dim3A_166 = vector.broadcast %broadcast_in_dim3A_165 : f32 to vector<16xf32>
      %swap3A_167 = arith.index_cast %scan3A_145 : i32 to index
      %swap3A_168 = arith.constant 64 : index
      %swap3A_169 = tpu.vector_load %arg16[%swap3A_167, %swap3A_168] {strides = array<i32>} : memref<80x128xf32, #tpu.memory_space<vmem>>, vector<16xf32>,
      tpu.vector_store %arg16[%swap3A_167, %swap3A_168], %broadcast_in_dim3A_166 {strides = array<i32>} : memref<80x128xf32, #tpu.memory_space<vmem>>, vector<16xf32>,
      %broadcast_in_dim3A_170 = arith.constant 0.000000e+00 : f32
      %broadcast_in_dim3A_171 = vector.broadcast %broadcast_in_dim3A_170 : f32 to vector<16xf32>
      %swap3A_172 = arith.index_cast %scan3A_145 : i32 to index
      %swap3A_173 = arith.constant 80 : index
      %swap3A_174 = tpu.vector_load %arg16[%swap3A_172, %swap3A_173] {strides = array<i32>} : memref<80x128xf32, #tpu.memory_space<vmem>>, vector<16xf32>,
      tpu.vector_store %arg16[%swap3A_172, %swap3A_173], %broadcast_in_dim3A_171 {strides = array<i32>} : memref<80x128xf32, #tpu.memory_space<vmem>>, vector<16xf32>,
      %broadcast_in_dim3A_175 = arith.constant 0.000000e+00 : f32
      %broadcast_in_dim3A_176 = vector.broadcast %broadcast_in_dim3A_175 : f32 to vector<16xf32>
      %swap3A_177 = arith.index_cast %scan3A_145 : i32 to index
      %swap3A_178 = arith.constant 96 : index
      %swap3A_179 = tpu.vector_load %arg16[%swap3A_177, %swap3A_178] {strides = array<i32>} : memref<80x128xf32, #tpu.memory_space<vmem>>, vector<16xf32>,
      tpu.vector_store %arg16[%swap3A_177, %swap3A_178], %broadcast_in_dim3A_176 {strides = array<i32>} : memref<80x128xf32, #tpu.memory_space<vmem>>, vector<16xf32>,
      %broadcast_in_dim3A_180 = arith.constant 0.000000e+00 : f32
      %broadcast_in_dim3A_181 = vector.broadcast %broadcast_in_dim3A_180 : f32 to vector<16xf32>
      %swap3A_182 = arith.index_cast %scan3A_145 : i32 to index
      %swap3A_183 = arith.constant 112 : index
      %swap3A_184 = tpu.vector_load %arg16[%swap3A_182, %swap3A_183] {strides = array<i32>} : memref<80x128xf32, #tpu.memory_space<vmem>>, vector<16xf32>,
      tpu.vector_store %arg16[%swap3A_182, %swap3A_183], %broadcast_in_dim3A_181 {strides = array<i32>} : memref<80x128xf32, #tpu.memory_space<vmem>>, vector<16xf32>,
    }
    %scan3A_5 = arith.constant 80 : i32
    %scan3A_6 = arith.constant 0 : i32
    %scan3A_7 = arith.constant 0 : i32
    %scan3A_8 = arith.constant 80 : i32
    %scan3A_9 = arith.addi %scan3A_7, %scan3A_8 : i32
    %scan3A_10 = arith.constant 1 : i32
    scf.for %scan3A_145 = %scan3A_7 to %scan3A_9 step %scan3A_10  : i32 {
      %broadcast_in_dim3A_146 = arith.constant 0.000000e+00 : f32
      %broadcast_in_dim3A_147 = vector.broadcast %broadcast_in_dim3A_146 : f32 to vector<16xf32>
      %swap3A = arith.index_cast %scan3A_145 : i32 to index
      %swap3A_148 = arith.constant 0 : index
      %swap3A_149 = tpu.vector_load %arg13[%swap3A, %swap3A_148] {strides = array<i32>} : memref<80x128xf32, #tpu.memory_space<vmem>>, vector<16xf32>,
      tpu.vector_store %arg13[%swap3A, %swap3A_148], %broadcast_in_dim3A_147 {strides = array<i32>} : memref<80x128xf32, #tpu.memory_space<vmem>>, vector<16xf32>,
      %broadcast_in_dim3A_150 = arith.constant 0.000000e+00 : f32
      %broadcast_in_dim3A_151 = vector.broadcast %broadcast_in_dim3A_150 : f32 to vector<16xf32>
      %swap3A_152 = arith.index_cast %scan3A_145 : i32 to index
      %swap3A_153 = arith.constant 16 : index
      %swap3A_154 = tpu.vector_load %arg13[%swap3A_152, %swap3A_153] {strides = array<i32>} : memref<80x128xf32, #tpu.memory_space<vmem>>, vector<16xf32>,
      tpu.vector_store %arg13[%swap3A_152, %swap3A_153], %broadcast_in_dim3A_151 {strides = array<i32>} : memref<80x128xf32, #tpu.memory_space<vmem>>, vector<16xf32>,
      %broadcast_in_dim3A_155 = arith.constant 0.000000e+00 : f32
      %broadcast_in_dim3A_156 = vector.broadcast %broadcast_in_dim3A_155 : f32 to vector<16xf32>
      %swap3A_157 = arith.index_cast %scan3A_145 : i32 to index
      %swap3A_158 = arith.constant 32 : index
      %swap3A_159 = tpu.vector_load %arg13[%swap3A_157, %swap3A_158] {strides = array<i32>} : memref<80x128xf32, #tpu.memory_space<vmem>>, vector<16xf32>,
      tpu.vector_store %arg13[%swap3A_157, %swap3A_158], %broadcast_in_dim3A_156 {strides = array<i32>} : memref<80x128xf32, #tpu.memory_space<vmem>>, vector<16xf32>,
      %broadcast_in_dim3A_160 = arith.constant 0.000000e+00 : f32
      %broadcast_in_dim3A_161 = vector.broadcast %broadcast_in_dim3A_160 : f32 to vector<16xf32>
      %swap3A_162 = arith.index_cast %scan3A_145 : i32 to index
      %swap3A_163 = arith.constant 48 : index
      %swap3A_164 = tpu.vector_load %arg13[%swap3A_162, %swap3A_163] {strides = array<i32>} : memref<80x128xf32, #tpu.memory_space<vmem>>, vector<16xf32>,
      tpu.vector_store %arg13[%swap3A_162, %swap3A_163], %broadcast_in_dim3A_161 {strides = array<i32>} : memref<80x128xf32, #tpu.memory_space<vmem>>, vector<16xf32>,
      %broadcast_in_dim3A_165 = arith.constant 0.000000e+00 : f32
      %broadcast_in_dim3A_166 = vector.broadcast %broadcast_in_dim3A_165 : f32 to vector<16xf32>
      %swap3A_167 = arith.index_cast %scan3A_145 : i32 to index
      %swap3A_168 = arith.constant 64 : index
      %swap3A_169 = tpu.vector_load %arg13[%swap3A_167, %swap3A_168] {strides = array<i32>} : memref<80x128xf32, #tpu.memory_space<vmem>>, vector<16xf32>,
      tpu.vector_store %arg13[%swap3A_167, %swap3A_168], %broadcast_in_dim3A_166 {strides = array<i32>} : memref<80x128xf32, #tpu.memory_space<vmem>>, vector<16xf32>,
      %broadcast_in_dim3A_170 = arith.constant 0.000000e+00 : f32
      %broadcast_in_dim3A_171 = vector.broadcast %broadcast_in_dim3A_170 : f32 to vector<16xf32>
      %swap3A_172 = arith.index_cast %scan3A_145 : i32 to index
      %swap3A_173 = arith.constant 80 : index
      %swap3A_174 = tpu.vector_load %arg13[%swap3A_172, %swap3A_173] {strides = array<i32>} : memref<80x128xf32, #tpu.memory_space<vmem>>, vector<16xf32>,
      tpu.vector_store %arg13[%swap3A_172, %swap3A_173], %broadcast_in_dim3A_171 {strides = array<i32>} : memref<80x128xf32, #tpu.memory_space<vmem>>, vector<16xf32>,
      %broadcast_in_dim3A_175 = arith.constant 0.000000e+00 : f32
      %broadcast_in_dim3A_176 = vector.broadcast %broadcast_in_dim3A_175 : f32 to vector<16xf32>
      %swap3A_177 = arith.index_cast %scan3A_145 : i32 to index
      %swap3A_178 = arith.constant 96 : index
      %swap3A_179 = tpu.vector_load %arg13[%swap3A_177, %swap3A_178] {strides = array<i32>} : memref<80x128xf32, #tpu.memory_space<vmem>>, vector<16xf32>,
      tpu.vector_store %arg13[%swap3A_177, %swap3A_178], %broadcast_in_dim3A_176 {strides = array<i32>} : memref<80x128xf32, #tpu.memory_space<vmem>>, vector<16xf32>,
      %broadcast_in_dim3A_180 = arith.constant 0.000000e+00 : f32
      %broadcast_in_dim3A_181 = vector.broadcast %broadcast_in_dim3A_180 : f32 to vector<16xf32>
      %swap3A_182 = arith.index_cast %scan3A_145 : i32 to index
      %swap3A_183 = arith.constant 112 : index
      %swap3A_184 = tpu.vector_load %arg13[%swap3A_182, %swap3A_183] {strides = array<i32>} : memref<80x128xf32, #tpu.memory_space<vmem>>, vector<16xf32>,
      tpu.vector_store %arg13[%swap3A_182, %swap3A_183], %broadcast_in_dim3A_181 {strides = array<i32>} : memref<80x128xf32, #tpu.memory_space<vmem>>, vector<16xf32>,
    }
    %scan3A_11 = arith.constant 80 : i32
    %scan3A_12 = arith.constant 0 : i32
    %scan3A_13 = arith.constant 0 : i32
    %scan3A_14 = arith.constant 8 : i32
    %scan3A_15 = arith.addi %scan3A_13, %scan3A_14 : i32
    %scan3A_16 = arith.constant 1 : i32
    scf.for %scan3A_145 = %scan3A_13 to %scan3A_15 step %scan3A_16  : i32 {
      %mul3A_146 = arith.constant 640 : i32
      %mul3A_147 = arith.muli %arg1, %mul3A_146 : i32
      %mul3A_148 = arith.constant 80 : i32
      %mul3A_149 = arith.muli %scan3A_145, %mul3A_148 : i32
      %add3A_150 = arith.addi %mul3A_147, %mul3A_149 : i32
      "tpu.region"() ({
        %run_scoped3A = tpu.sem_alloc : memref<!tpu.dma_semaphore, #tpu.memory_space<semaphore_mem>>
        %dma_start3A_151 = arith.constant 0 : i32
        %dma_start3A_152 = tpu.memref_slice %arg17[%add3A_150, %dma_start3A_151] : memref<10240x128xf32, #tpu.memory_space<vmem_shared>> -> memref<80x128xf32, #tpu.memory_space<vmem_shared>>
        %dma_start3A_153 = arith.constant 0 : i32
        %dma_start3A_154 = tpu.memref_slice %arg17[%add3A_150, %dma_start3A_153] : memref<10240x128xf32, #tpu.memory_space<vmem_shared>> -> memref<80x128xf32, #tpu.memory_space<vmem_shared>>
        tpu.enqueue_dma source(%arg13 : memref<80x128xf32, #tpu.memory_space<vmem>>) target(%dma_start3A_154 : memref<80x128xf32, #tpu.memory_space<vmem_shared>>) target_semaphore(%run_scoped3A : memref<!tpu.dma_semaphore, #tpu.memory_space<semaphore_mem>>)
        %dma_wait3A_155 = arith.constant 0 : i32
        %dma_wait3A_156 = tpu.memref_slice %arg17[%add3A_150, %dma_wait3A_155] : memref<10240x128xf32, #tpu.memory_space<vmem_shared>> -> memref<80x128xf32, #tpu.memory_space<vmem_shared>>
        %dma_wait3A_157 = arith.constant 0 : i32
        %dma_wait3A_158 = tpu.memref_slice %arg17[%add3A_150, %dma_wait3A_157] : memref<10240x128xf32, #tpu.memory_space<vmem_shared>> -> memref<80x128xf32, #tpu.memory_space<vmem_shared>>
        tpu.wait_dma2 semaphore(%run_scoped3A : memref<!tpu.dma_semaphore, #tpu.memory_space<semaphore_mem>>) src(%arg13 : memref<80x128xf32, #tpu.memory_space<vmem>>) dst(%dma_wait3A_158 : memref<80x128xf32, #tpu.memory_space<vmem_shared>>)
        tpu.yield
      }) : () -> ()
    }
    %scan3A_17 = arith.constant 8 : i32
    %mul3A_18 = arith.constant 10000 : i32
    %mul3A_19 = arith.muli %add3A, %mul3A_18 : i32
    %barrier3A = arith.constant 0 : index
    tpu.barrier barrier_id(%barrier3A)
    %broadcast_in_dim3A = arith.constant 1.000000e+00 : f32
    %broadcast_in_dim3A_20 = vector.broadcast %broadcast_in_dim3A : f32 to vector<16xf32>
    "tpu.region"() ({
      %run_scoped3A = tpu.sem_alloc : memref<!tpu.dma_semaphore, #tpu.memory_space<semaphore_mem>>
      %dma_start3A_145 = tpu.memref_slice %arg2[%mul3A_19] : memref<320000xi32, #tpu.memory_space<hbm>> -> memref<80xi32, #tpu.memory_space<hbm>>
      %dma_start3A_146 = tpu.memref_slice %arg2[%mul3A_19] : memref<320000xi32, #tpu.memory_space<hbm>> -> memref<80xi32, #tpu.memory_space<hbm>>
      tpu.enqueue_dma source(%dma_start3A_146 : memref<80xi32, #tpu.memory_space<hbm>>) target(%arg9 : memref<80xi32, #tpu.memory_space<vmem>>) target_semaphore(%run_scoped3A : memref<!tpu.dma_semaphore, #tpu.memory_space<semaphore_mem>>)
      %dma_wait3A_147 = tpu.memref_slice %arg2[%mul3A_19] : memref<320000xi32, #tpu.memory_space<hbm>> -> memref<80xi32, #tpu.memory_space<hbm>>
      %dma_wait3A_148 = tpu.memref_slice %arg2[%mul3A_19] : memref<320000xi32, #tpu.memory_space<hbm>> -> memref<80xi32, #tpu.memory_space<hbm>>
      tpu.wait_dma2 semaphore(%run_scoped3A : memref<!tpu.dma_semaphore, #tpu.memory_space<semaphore_mem>>) src(%dma_wait3A_148 : memref<80xi32, #tpu.memory_space<hbm>>) dst(%arg9 : memref<80xi32, #tpu.memory_space<vmem>>)
      tpu.yield
    }) : () -> ()
    "tpu.region"() ({
      %run_scoped3A = tpu.sem_alloc : memref<!tpu.dma_semaphore, #tpu.memory_space<semaphore_mem>>
      %dma_start3A_145 = tpu.memref_slice %arg3[%mul3A_19] : memref<320000xi32, #tpu.memory_space<hbm>> -> memref<80xi32, #tpu.memory_space<hbm>>
      %dma_start3A_146 = tpu.memref_slice %arg3[%mul3A_19] : memref<320000xi32, #tpu.memory_space<hbm>> -> memref<80xi32, #tpu.memory_space<hbm>>
      tpu.enqueue_dma source(%dma_start3A_146 : memref<80xi32, #tpu.memory_space<hbm>>) target(%arg10 : memref<80xi32, #tpu.memory_space<vmem>>) target_semaphore(%run_scoped3A : memref<!tpu.dma_semaphore, #tpu.memory_space<semaphore_mem>>)
      %dma_wait3A_147 = tpu.memref_slice %arg3[%mul3A_19] : memref<320000xi32, #tpu.memory_space<hbm>> -> memref<80xi32, #tpu.memory_space<hbm>>
      %dma_wait3A_148 = tpu.memref_slice %arg3[%mul3A_19] : memref<320000xi32, #tpu.memory_space<hbm>> -> memref<80xi32, #tpu.memory_space<hbm>>
      tpu.wait_dma2 semaphore(%run_scoped3A : memref<!tpu.dma_semaphore, #tpu.memory_space<semaphore_mem>>) src(%dma_wait3A_148 : memref<80xi32, #tpu.memory_space<hbm>>) dst(%arg10 : memref<80xi32, #tpu.memory_space<vmem>>)
      tpu.yield
    }) : () -> ()
    %dma_start3A = arith.constant 0 : i32
    %dma_start3A_21 = arith.constant 0 : i32
    %dma_start3A_22 = tpu.memref_slice %arg4[%dma_start3A, %dma_start3A_21] : memref<10000x128xf32, #tpu.memory_space<hbm>> -> memref<10000x128xf32, #tpu.memory_space<hbm>>
    tpu.enqueue_indirect_dma source(%dma_start3A_22 : memref<10000x128xf32, #tpu.memory_space<hbm>>) target(%arg13 : memref<80x128xf32, #tpu.memory_space<vmem>>) offsets(%arg9 : memref<80xi32, #tpu.memory_space<vmem>>) semaphore(%arg19 : memref<!tpu.dma_semaphore, #tpu.memory_space<semaphore_mem>>)
    %dma_start3A_23 = arith.constant 0 : i32
    %dma_start3A_24 = arith.constant 0 : i32
    %dma_start3A_25 = tpu.memref_slice %arg5[%dma_start3A_23, %dma_start3A_24] : memref<10000x128xf32, #tpu.memory_space<hbm>> -> memref<10000x128xf32, #tpu.memory_space<hbm>>
    tpu.enqueue_indirect_dma source(%dma_start3A_25 : memref<10000x128xf32, #tpu.memory_space<hbm>>) target(%arg14 : memref<80x128xf32, #tpu.memory_space<vmem>>) offsets(%arg10 : memref<80xi32, #tpu.memory_space<vmem>>) semaphore(%arg20 : memref<!tpu.dma_semaphore, #tpu.memory_space<semaphore_mem>>)
    %dma_start3A_26 = arith.constant 0 : i32
    %dma_start3A_27 = tpu.memref_slice %arg6[%mul3A_19, %dma_start3A_26] : memref<320000x128xf32, #tpu.memory_space<hbm>> -> memref<80x128xf32, #tpu.memory_space<hbm>>
    %dma_start3A_28 = arith.constant 0 : i32
    %dma_start3A_29 = tpu.memref_slice %arg6[%mul3A_19, %dma_start3A_28] : memref<320000x128xf32, #tpu.memory_space<hbm>> -> memref<80x128xf32, #tpu.memory_space<hbm>>
    tpu.enqueue_dma source(%dma_start3A_29 : memref<80x128xf32, #tpu.memory_space<hbm>>) target(%arg15 : memref<80x128xf32, #tpu.memory_space<vmem>>) target_semaphore(%arg21 : memref<!tpu.dma_semaphore, #tpu.memory_space<semaphore_mem>>)
    %add3A_30 = arith.constant 80 : i32
    %add3A_31 = arith.addi %mul3A_19, %add3A_30 : i32
    %dma_start3A_32 = tpu.memref_slice %arg2[%add3A_31] : memref<320000xi32, #tpu.memory_space<hbm>> -> memref<80xi32, #tpu.memory_space<hbm>>
    %dma_start3A_33 = tpu.memref_slice %arg2[%add3A_31] : memref<320000xi32, #tpu.memory_space<hbm>> -> memref<80xi32, #tpu.memory_space<hbm>>
    tpu.enqueue_dma source(%dma_start3A_33 : memref<80xi32, #tpu.memory_space<hbm>>) target(%arg11 : memref<80xi32, #tpu.memory_space<vmem>>) target_semaphore(%arg18 : memref<!tpu.dma_semaphore, #tpu.memory_space<semaphore_mem>>)
    %add3A_34 = arith.constant 80 : i32
    %add3A_35 = arith.addi %mul3A_19, %add3A_34 : i32
    %dma_start3A_36 = tpu.memref_slice %arg3[%add3A_35] : memref<320000xi32, #tpu.memory_space<hbm>> -> memref<80xi32, #tpu.memory_space<hbm>>
    %dma_start3A_37 = tpu.memref_slice %arg3[%add3A_35] : memref<320000xi32, #tpu.memory_space<hbm>> -> memref<80xi32, #tpu.memory_space<hbm>>
    tpu.enqueue_dma source(%dma_start3A_37 : memref<80xi32, #tpu.memory_space<hbm>>) target(%arg12 : memref<80xi32, #tpu.memory_space<vmem>>) target_semaphore(%arg18 : memref<!tpu.dma_semaphore, #tpu.memory_space<semaphore_mem>>)
    %dma_wait3A = arith.constant 0 : i32
    %dma_wait3A_38 = arith.constant 0 : i32
    %dma_wait3A_39 = tpu.memref_slice %arg4[%dma_wait3A, %dma_wait3A_38] : memref<10000x128xf32, #tpu.memory_space<hbm>> -> memref<10000x128xf32, #tpu.memory_space<hbm>>
    tpu.wait_indirect_dma semaphore(%arg19 : memref<!tpu.dma_semaphore, #tpu.memory_space<semaphore_mem>>) src(%dma_wait3A_39 : memref<10000x128xf32, #tpu.memory_space<hbm>>) dst(%arg13 : memref<80x128xf32, #tpu.memory_space<vmem>>)
    %dma_wait3A_40 = arith.constant 0 : i32
    %dma_wait3A_41 = arith.constant 0 : i32
    %dma_wait3A_42 = tpu.memref_slice %arg5[%dma_wait3A_40, %dma_wait3A_41] : memref<10000x128xf32, #tpu.memory_space<hbm>> -> memref<10000x128xf32, #tpu.memory_space<hbm>>
    tpu.wait_indirect_dma semaphore(%arg20 : memref<!tpu.dma_semaphore, #tpu.memory_space<semaphore_mem>>) src(%dma_wait3A_42 : memref<10000x128xf32, #tpu.memory_space<hbm>>) dst(%arg14 : memref<80x128xf32, #tpu.memory_space<vmem>>)
    %dma_wait3A_43 = arith.constant 0 : i32
    %dma_wait3A_44 = arith.constant 0 : i32
    %dma_wait3A_45 = tpu.memref_slice %arg6[%dma_wait3A_43, %dma_wait3A_44] : memref<320000x128xf32, #tpu.memory_space<hbm>> -> memref<80x128xf32, #tpu.memory_space<hbm>>
    %dma_wait3A_46 = arith.constant 0 : i32
    %dma_wait3A_47 = arith.constant 0 : i32
    %dma_wait3A_48 = tpu.memref_slice %arg6[%dma_wait3A_46, %dma_wait3A_47] : memref<320000x128xf32, #tpu.memory_space<hbm>> -> memref<80x128xf32, #tpu.memory_space<hbm>>
    tpu.wait_dma2 semaphore(%arg21 : memref<!tpu.dma_semaphore, #tpu.memory_space<semaphore_mem>>) src(%dma_wait3A_48 : memref<80x128xf32, #tpu.memory_space<hbm>>) dst(%arg15 : memref<80x128xf32, #tpu.memory_space<vmem>>)
    %dma_wait3A_49 = arith.constant 0 : i32
    %dma_wait3A_50 = tpu.memref_slice %arg2[%dma_wait3A_49] : memref<320000xi32, #tpu.memory_space<hbm>> -> memref<80xi32, #tpu.memory_space<hbm>>
    %dma_wait3A_51 = arith.constant 0 : i32
    %dma_wait3A_52 = tpu.memref_slice %arg2[%dma_wait3A_51] : memref<320000xi32, #tpu.memory_space<hbm>> -> memref<80xi32, #tpu.memory_space<hbm>>
    tpu.wait_dma2 semaphore(%arg18 : memref<!tpu.dma_semaphore, #tpu.memory_space<semaphore_mem>>) src(%dma_wait3A_52 : memref<80xi32, #tpu.memory_space<hbm>>) dst(%arg11 : memref<80xi32, #tpu.memory_space<vmem>>)
    %dma_wait3A_53 = arith.constant 0 : i32
    %dma_wait3A_54 = tpu.memref_slice %arg3[%dma_wait3A_53] : memref<320000xi32, #tpu.memory_space<hbm>> -> memref<80xi32, #tpu.memory_space<hbm>>
    %dma_wait3A_55 = arith.constant 0 : i32
    %dma_wait3A_56 = tpu.memref_slice %arg3[%dma_wait3A_55] : memref<320000xi32, #tpu.memory_space<hbm>> -> memref<80xi32, #tpu.memory_space<hbm>>
    tpu.wait_dma2 semaphore(%arg18 : memref<!tpu.dma_semaphore, #tpu.memory_space<semaphore_mem>>) src(%dma_wait3A_56 : memref<80xi32, #tpu.memory_space<hbm>>) dst(%arg12 : memref<80xi32, #tpu.memory_space<vmem>>)
    %scan3A_57 = arith.constant 0 : i32
    %scan3A_58 = arith.constant 0 : i32
    %scan3A_59 = arith.constant 40 : i32
    %scan3A_60 = arith.addi %scan3A_58, %scan3A_59 : i32
    %scan3A_61 = arith.constant 1 : i32
    scf.for %scan3A_145 = %scan3A_58 to %scan3A_60 step %scan3A_61  : i32 {
      %mul3A_146 = arith.constant 2 : i32
      %mul3A_147 = arith.muli %mul3A_146, %scan3A_145 : i32
      %add3A_148 = arith.constant 0 : i32
      %add3A_149 = arith.addi %mul3A_147, %add3A_148 : i32
      %get3A_150 = arith.index_cast %add3A_149 : i32 to index
      %get3A_151 = arith.constant 0 : index
      %get3A_152 = tpu.vector_load %arg13[%get3A_150, %get3A_151] {strides = array<i32>} : memref<80x128xf32, #tpu.memory_space<vmem>>, vector<16xf32>,
      %get3A_153 = arith.index_cast %add3A_149 : i32 to index
      %get3A_154 = arith.constant 0 : index
      %get3A_155 = tpu.vector_load %arg14[%get3A_153, %get3A_154] {strides = array<i32>} : memref<80x128xf32, #tpu.memory_space<vmem>>, vector<16xf32>,
      %add3A_156 = arith.addf %get3A_152, %get3A_155 : vector<16xf32>
      %get3A_157 = arith.index_cast %add3A_149 : i32 to index
      %get3A_158 = arith.constant 0 : index
      %get3A_159 = tpu.vector_load %arg15[%get3A_157, %get3A_158] {strides = array<i32>} : memref<80x128xf32, #tpu.memory_space<vmem>>, vector<16xf32>,
      %add3A_160 = arith.addf %add3A_156, %get3A_159 : vector<16xf32>
      %mul3A_161 = arith.constant 0.00999999977 : f32
      %mul3A_162 = vector.broadcast %mul3A_161 : f32 to vector<16xf32>
      %mul3A_163 = arith.mulf %add3A_160, %mul3A_162 : vector<16xf32>
      %max3A = arith.maximumf %add3A_160, %mul3A_163 : vector<16xf32>
      %swap3A = arith.index_cast %add3A_149 : i32 to index
      %swap3A_164 = arith.constant 0 : index
      %swap3A_165 = tpu.vector_load %arg15[%swap3A, %swap3A_164] {strides = array<i32>} : memref<80x128xf32, #tpu.memory_space<vmem>>, vector<16xf32>,
      tpu.vector_store %arg15[%swap3A, %swap3A_164], %max3A {strides = array<i32>} : memref<80x128xf32, #tpu.memory_space<vmem>>, vector<16xf32>,
      %get3A_166 = arith.index_cast %add3A_149 : i32 to index
      %get3A_167 = arith.constant 16 : index
      %get3A_168 = tpu.vector_load %arg13[%get3A_166, %get3A_167] {strides = array<i32>} : memref<80x128xf32, #tpu.memory_space<vmem>>, vector<16xf32>,
      %get3A_169 = arith.index_cast %add3A_149 : i32 to index
      %get3A_170 = arith.constant 16 : index
      %get3A_171 = tpu.vector_load %arg14[%get3A_169, %get3A_170] {strides = array<i32>} : memref<80x128xf32, #tpu.memory_space<vmem>>, vector<16xf32>,
      %add3A_172 = arith.addf %get3A_168, %get3A_171 : vector<16xf32>
      %get3A_173 = arith.index_cast %add3A_149 : i32 to index
      %get3A_174 = arith.constant 16 : index
      %get3A_175 = tpu.vector_load %arg15[%get3A_173, %get3A_174] {strides = array<i32>} : memref<80x128xf32, #tpu.memory_space<vmem>>, vector<16xf32>,
      %add3A_176 = arith.addf %add3A_172, %get3A_175 : vector<16xf32>
      %mul3A_177 = arith.constant 0.00999999977 : f32
      %mul3A_178 = vector.broadcast %mul3A_177 : f32 to vector<16xf32>
      %mul3A_179 = arith.mulf %add3A_176, %mul3A_178 : vector<16xf32>
      %max3A_180 = arith.maximumf %add3A_176, %mul3A_179 : vector<16xf32>
      %swap3A_181 = arith.index_cast %add3A_149 : i32 to index
      %swap3A_182 = arith.constant 16 : index
      %swap3A_183 = tpu.vector_load %arg15[%swap3A_181, %swap3A_182] {strides = array<i32>} : memref<80x128xf32, #tpu.memory_space<vmem>>, vector<16xf32>,
      tpu.vector_store %arg15[%swap3A_181, %swap3A_182], %max3A_180 {strides = array<i32>} : memref<80x128xf32, #tpu.memory_space<vmem>>, vector<16xf32>,
      %get3A_184 = arith.index_cast %add3A_149 : i32 to index
      %get3A_185 = arith.constant 32 : index
      %get3A_186 = tpu.vector_load %arg13[%get3A_184, %get3A_185] {strides = array<i32>} : memref<80x128xf32, #tpu.memory_space<vmem>>, vector<16xf32>,
      %get3A_187 = arith.index_cast %add3A_149 : i32 to index
      %get3A_188 = arith.constant 32 : index
      %get3A_189 = tpu.vector_load %arg14[%get3A_187, %get3A_188] {strides = array<i32>} : memref<80x128xf32, #tpu.memory_space<vmem>>, vector<16xf32>,
      %add3A_190 = arith.addf %get3A_186, %get3A_189 : vector<16xf32>
      %get3A_191 = arith.index_cast %add3A_149 : i32 to index
      %get3A_192 = arith.constant 32 : index
      %get3A_193 = tpu.vector_load %arg15[%get3A_191, %get3A_192] {strides = array<i32>} : memref<80x128xf32, #tpu.memory_space<vmem>>, vector<16xf32>,
      %add3A_194 = arith.addf %add3A_190, %get3A_193 : vector<16xf32>
      %mul3A_195 = arith.constant 0.00999999977 : f32
      %mul3A_196 = vector.broadcast %mul3A_195 : f32 to vector<16xf32>
      %mul3A_197 = arith.mulf %add3A_194, %mul3A_196 : vector<16xf32>
      %max3A_198 = arith.maximumf %add3A_194, %mul3A_197 : vector<16xf32>
      %swap3A_199 = arith.index_cast %add3A_149 : i32 to index
      %swap3A_200 = arith.constant 32 : index
      %swap3A_201 = tpu.vector_load %arg15[%swap3A_199, %swap3A_200] {strides = array<i32>} : memref<80x128xf32, #tpu.memory_space<vmem>>, vector<16xf32>,
      tpu.vector_store %arg15[%swap3A_199, %swap3A_200], %max3A_198 {strides = array<i32>} : memref<80x128xf32, #tpu.memory_space<vmem>>, vector<16xf32>,
      %get3A_202 = arith.index_cast %add3A_149 : i32 to index
      %get3A_203 = arith.constant 48 : index
      %get3A_204 = tpu.vector_load %arg13[%get3A_202, %get3A_203] {strides = array<i32>} : memref<80x128xf32, #tpu.memory_space<vmem>>, vector<16xf32>,
      %get3A_205 = arith.index_cast %add3A_149 : i32 to index
      %get3A_206 = arith.constant 48 : index
      %get3A_207 = tpu.vector_load %arg14[%get3A_205, %get3A_206] {strides = array<i32>} : memref<80x128xf32, #tpu.memory_space<vmem>>, vector<16xf32>,
      %add3A_208 = arith.addf %get3A_204, %get3A_207 : vector<16xf32>
      %get3A_209 = arith.index_cast %add3A_149 : i32 to index
      %get3A_210 = arith.constant 48 : index
      %get3A_211 = tpu.vector_load %arg15[%get3A_209, %get3A_210] {strides = array<i32>} : memref<80x128xf32, #tpu.memory_space<vmem>>, vector<16xf32>,
      %add3A_212 = arith.addf %add3A_208, %get3A_211 : vector<16xf32>
      %mul3A_213 = arith.constant 0.00999999977 : f32
      %mul3A_214 = vector.broadcast %mul3A_213 : f32 to vector<16xf32>
      %mul3A_215 = arith.mulf %add3A_212, %mul3A_214 : vector<16xf32>
      %max3A_216 = arith.maximumf %add3A_212, %mul3A_215 : vector<16xf32>
      %swap3A_217 = arith.index_cast %add3A_149 : i32 to index
      %swap3A_218 = arith.constant 48 : index
      %swap3A_219 = tpu.vector_load %arg15[%swap3A_217, %swap3A_218] {strides = array<i32>} : memref<80x128xf32, #tpu.memory_space<vmem>>, vector<16xf32>,
      tpu.vector_store %arg15[%swap3A_217, %swap3A_218], %max3A_216 {strides = array<i32>} : memref<80x128xf32, #tpu.memory_space<vmem>>, vector<16xf32>,
      %get3A_220 = arith.index_cast %add3A_149 : i32 to index
      %get3A_221 = arith.constant 64 : index
      %get3A_222 = tpu.vector_load %arg13[%get3A_220, %get3A_221] {strides = array<i32>} : memref<80x128xf32, #tpu.memory_space<vmem>>, vector<16xf32>,
      %get3A_223 = arith.index_cast %add3A_149 : i32 to index
      %get3A_224 = arith.constant 64 : index
      %get3A_225 = tpu.vector_load %arg14[%get3A_223, %get3A_224] {strides = array<i32>} : memref<80x128xf32, #tpu.memory_space<vmem>>, vector<16xf32>,
      %add3A_226 = arith.addf %get3A_222, %get3A_225 : vector<16xf32>
      %get3A_227 = arith.index_cast %add3A_149 : i32 to index
      %get3A_228 = arith.constant 64 : index
      %get3A_229 = tpu.vector_load %arg15[%get3A_227, %get3A_228] {strides = array<i32>} : memref<80x128xf32, #tpu.memory_space<vmem>>, vector<16xf32>,
      %add3A_230 = arith.addf %add3A_226, %get3A_229 : vector<16xf32>
      %mul3A_231 = arith.constant 0.00999999977 : f32
      %mul3A_232 = vector.broadcast %mul3A_231 : f32 to vector<16xf32>
      %mul3A_233 = arith.mulf %add3A_230, %mul3A_232 : vector<16xf32>
      %max3A_234 = arith.maximumf %add3A_230, %mul3A_233 : vector<16xf32>
      %swap3A_235 = arith.index_cast %add3A_149 : i32 to index
      %swap3A_236 = arith.constant 64 : index
      %swap3A_237 = tpu.vector_load %arg15[%swap3A_235, %swap3A_236] {strides = array<i32>} : memref<80x128xf32, #tpu.memory_space<vmem>>, vector<16xf32>,
      tpu.vector_store %arg15[%swap3A_235, %swap3A_236], %max3A_234 {strides = array<i32>} : memref<80x128xf32, #tpu.memory_space<vmem>>, vector<16xf32>,
      %get3A_238 = arith.index_cast %add3A_149 : i32 to index
      %get3A_239 = arith.constant 80 : index
      %get3A_240 = tpu.vector_load %arg13[%get3A_238, %get3A_239] {strides = array<i32>} : memref<80x128xf32, #tpu.memory_space<vmem>>, vector<16xf32>,
      %get3A_241 = arith.index_cast %add3A_149 : i32 to index
      %get3A_242 = arith.constant 80 : index
      %get3A_243 = tpu.vector_load %arg14[%get3A_241, %get3A_242] {strides = array<i32>} : memref<80x128xf32, #tpu.memory_space<vmem>>, vector<16xf32>,
      %add3A_244 = arith.addf %get3A_240, %get3A_243 : vector<16xf32>
      %get3A_245 = arith.index_cast %add3A_149 : i32 to index
      %get3A_246 = arith.constant 80 : index
      %get3A_247 = tpu.vector_load %arg15[%get3A_245, %get3A_246] {strides = array<i32>} : memref<80x128xf32, #tpu.memory_space<vmem>>, vector<16xf32>,
      %add3A_248 = arith.addf %add3A_244, %get3A_247 : vector<16xf32>
      %mul3A_249 = arith.constant 0.00999999977 : f32
      %mul3A_250 = vector.broadcast %mul3A_249 : f32 to vector<16xf32>
      %mul3A_251 = arith.mulf %add3A_248, %mul3A_250 : vector<16xf32>
      %max3A_252 = arith.maximumf %add3A_248, %mul3A_251 : vector<16xf32>
      %swap3A_253 = arith.index_cast %add3A_149 : i32 to index
      %swap3A_254 = arith.constant 80 : index
      %swap3A_255 = tpu.vector_load %arg15[%swap3A_253, %swap3A_254] {strides = array<i32>} : memref<80x128xf32, #tpu.memory_space<vmem>>, vector<16xf32>,
      tpu.vector_store %arg15[%swap3A_253, %swap3A_254], %max3A_252 {strides = array<i32>} : memref<80x128xf32, #tpu.memory_space<vmem>>, vector<16xf32>,
      %get3A_256 = arith.index_cast %add3A_149 : i32 to index
      %get3A_257 = arith.constant 96 : index
      %get3A_258 = tpu.vector_load %arg13[%get3A_256, %get3A_257] {strides = array<i32>} : memref<80x128xf32, #tpu.memory_space<vmem>>, vector<16xf32>,
      %get3A_259 = arith.index_cast %add3A_149 : i32 to index
      %get3A_260 = arith.constant 96 : index
      %get3A_261 = tpu.vector_load %arg14[%get3A_259, %get3A_260] {strides = array<i32>} : memref<80x128xf32, #tpu.memory_space<vmem>>, vector<16xf32>,
      %add3A_262 = arith.addf %get3A_258, %get3A_261 : vector<16xf32>
      %get3A_263 = arith.index_cast %add3A_149 : i32 to index
      %get3A_264 = arith.constant 96 : index
      %get3A_265 = tpu.vector_load %arg15[%get3A_263, %get3A_264] {strides = array<i32>} : memref<80x128xf32, #tpu.memory_space<vmem>>, vector<16xf32>,
      %add3A_266 = arith.addf %add3A_262, %get3A_265 : vector<16xf32>
      %mul3A_267 = arith.constant 0.00999999977 : f32
      %mul3A_268 = vector.broadcast %mul3A_267 : f32 to vector<16xf32>
      %mul3A_269 = arith.mulf %add3A_266, %mul3A_268 : vector<16xf32>
      %max3A_270 = arith.maximumf %add3A_266, %mul3A_269 : vector<16xf32>
      %swap3A_271 = arith.index_cast %add3A_149 : i32 to index
      %swap3A_272 = arith.constant 96 : index
      %swap3A_273 = tpu.vector_load %arg15[%swap3A_271, %swap3A_272] {strides = array<i32>} : memref<80x128xf32, #tpu.memory_space<vmem>>, vector<16xf32>,
      tpu.vector_store %arg15[%swap3A_271, %swap3A_272], %max3A_270 {strides = array<i32>} : memref<80x128xf32, #tpu.memory_space<vmem>>, vector<16xf32>,
      %get3A_274 = arith.index_cast %add3A_149 : i32 to index
      %get3A_275 = arith.constant 112 : index
      %get3A_276 = tpu.vector_load %arg13[%get3A_274, %get3A_275] {strides = array<i32>} : memref<80x128xf32, #tpu.memory_space<vmem>>, vector<16xf32>,
      %get3A_277 = arith.index_cast %add3A_149 : i32 to index
      %get3A_278 = arith.constant 112 : index
      %get3A_279 = tpu.vector_load %arg14[%get3A_277, %get3A_278] {strides = array<i32>} : memref<80x128xf32, #tpu.memory_space<vmem>>, vector<16xf32>,
      %add3A_280 = arith.addf %get3A_276, %get3A_279 : vector<16xf32>
      %get3A_281 = arith.index_cast %add3A_149 : i32 to index
      %get3A_282 = arith.constant 112 : index
      %get3A_283 = tpu.vector_load %arg15[%get3A_281, %get3A_282] {strides = array<i32>} : memref<80x128xf32, #tpu.memory_space<vmem>>, vector<16xf32>,
      %add3A_284 = arith.addf %add3A_280, %get3A_283 : vector<16xf32>
      %mul3A_285 = arith.constant 0.00999999977 : f32
      %mul3A_286 = vector.broadcast %mul3A_285 : f32 to vector<16xf32>
      %mul3A_287 = arith.mulf %add3A_284, %mul3A_286 : vector<16xf32>
      %max3A_288 = arith.maximumf %add3A_284, %mul3A_287 : vector<16xf32>
      %swap3A_289 = arith.index_cast %add3A_149 : i32 to index
      %swap3A_290 = arith.constant 112 : index
      %swap3A_291 = tpu.vector_load %arg15[%swap3A_289, %swap3A_290] {strides = array<i32>} : memref<80x128xf32, #tpu.memory_space<vmem>>, vector<16xf32>,
      tpu.vector_store %arg15[%swap3A_289, %swap3A_290], %max3A_288 {strides = array<i32>} : memref<80x128xf32, #tpu.memory_space<vmem>>, vector<16xf32>,
      %mul3A_292 = arith.constant 2 : i32
      %mul3A_293 = arith.muli %mul3A_292, %scan3A_145 : i32
      %add3A_294 = arith.constant 1 : i32
      %add3A_295 = arith.addi %mul3A_293, %add3A_294 : i32
      %get3A_296 = arith.index_cast %add3A_295 : i32 to index
      %get3A_297 = arith.constant 0 : index
      %get3A_298 = tpu.vector_load %arg13[%get3A_296, %get3A_297] {strides = array<i32>} : memref<80x128xf32, #tpu.memory_space<vmem>>, vector<16xf32>,
      %get3A_299 = arith.index_cast %add3A_295 : i32 to index
      %get3A_300 = arith.constant 0 : index
      %get3A_301 = tpu.vector_load %arg14[%get3A_299, %get3A_300] {strides = array<i32>} : memref<80x128xf32, #tpu.memory_space<vmem>>, vector<16xf32>,
      %add3A_302 = arith.addf %get3A_298, %get3A_301 : vector<16xf32>
      %get3A_303 = arith.index_cast %add3A_295 : i32 to index
      %get3A_304 = arith.constant 0 : index
      %get3A_305 = tpu.vector_load %arg15[%get3A_303, %get3A_304] {strides = array<i32>} : memref<80x128xf32, #tpu.memory_space<vmem>>, vector<16xf32>,
      %add3A_306 = arith.addf %add3A_302, %get3A_305 : vector<16xf32>
      %mul3A_307 = arith.constant 0.00999999977 : f32
      %mul3A_308 = vector.broadcast %mul3A_307 : f32 to vector<16xf32>
      %mul3A_309 = arith.mulf %add3A_306, %mul3A_308 : vector<16xf32>
      %max3A_310 = arith.maximumf %add3A_306, %mul3A_309 : vector<16xf32>
      %swap3A_311 = arith.index_cast %add3A_295 : i32 to index
      %swap3A_312 = arith.constant 0 : index
      %swap3A_313 = tpu.vector_load %arg15[%swap3A_311, %swap3A_312] {strides = array<i32>} : memref<80x128xf32, #tpu.memory_space<vmem>>, vector<16xf32>,
      tpu.vector_store %arg15[%swap3A_311, %swap3A_312], %max3A_310 {strides = array<i32>} : memref<80x128xf32, #tpu.memory_space<vmem>>, vector<16xf32>,
      %get3A_314 = arith.index_cast %add3A_295 : i32 to index
      %get3A_315 = arith.constant 16 : index
      %get3A_316 = tpu.vector_load %arg13[%get3A_314, %get3A_315] {strides = array<i32>} : memref<80x128xf32, #tpu.memory_space<vmem>>, vector<16xf32>,
      %get3A_317 = arith.index_cast %add3A_295 : i32 to index
      %get3A_318 = arith.constant 16 : index
      %get3A_319 = tpu.vector_load %arg14[%get3A_317, %get3A_318] {strides = array<i32>} : memref<80x128xf32, #tpu.memory_space<vmem>>, vector<16xf32>,
      %add3A_320 = arith.addf %get3A_316, %get3A_319 : vector<16xf32>
      %get3A_321 = arith.index_cast %add3A_295 : i32 to index
      %get3A_322 = arith.constant 16 : index
      %get3A_323 = tpu.vector_load %arg15[%get3A_321, %get3A_322] {strides = array<i32>} : memref<80x128xf32, #tpu.memory_space<vmem>>, vector<16xf32>,
      %add3A_324 = arith.addf %add3A_320, %get3A_323 : vector<16xf32>
      %mul3A_325 = arith.constant 0.00999999977 : f32
      %mul3A_326 = vector.broadcast %mul3A_325 : f32 to vector<16xf32>
      %mul3A_327 = arith.mulf %add3A_324, %mul3A_326 : vector<16xf32>
      %max3A_328 = arith.maximumf %add3A_324, %mul3A_327 : vector<16xf32>
      %swap3A_329 = arith.index_cast %add3A_295 : i32 to index
      %swap3A_330 = arith.constant 16 : index
      %swap3A_331 = tpu.vector_load %arg15[%swap3A_329, %swap3A_330] {strides = array<i32>} : memref<80x128xf32, #tpu.memory_space<vmem>>, vector<16xf32>,
      tpu.vector_store %arg15[%swap3A_329, %swap3A_330], %max3A_328 {strides = array<i32>} : memref<80x128xf32, #tpu.memory_space<vmem>>, vector<16xf32>,
      %get3A_332 = arith.index_cast %add3A_295 : i32 to index
      %get3A_333 = arith.constant 32 : index
      %get3A_334 = tpu.vector_load %arg13[%get3A_332, %get3A_333] {strides = array<i32>} : memref<80x128xf32, #tpu.memory_space<vmem>>, vector<16xf32>,
      %get3A_335 = arith.index_cast %add3A_295 : i32 to index
      %get3A_336 = arith.constant 32 : index
      %get3A_337 = tpu.vector_load %arg14[%get3A_335, %get3A_336] {strides = array<i32>} : memref<80x128xf32, #tpu.memory_space<vmem>>, vector<16xf32>,
      %add3A_338 = arith.addf %get3A_334, %get3A_337 : vector<16xf32>
      %get3A_339 = arith.index_cast %add3A_295 : i32 to index
      %get3A_340 = arith.constant 32 : index
      %get3A_341 = tpu.vector_load %arg15[%get3A_339, %get3A_340] {strides = array<i32>} : memref<80x128xf32, #tpu.memory_space<vmem>>, vector<16xf32>,
      %add3A_342 = arith.addf %add3A_338, %get3A_341 : vector<16xf32>
      %mul3A_343 = arith.constant 0.00999999977 : f32
      %mul3A_344 = vector.broadcast %mul3A_343 : f32 to vector<16xf32>
      %mul3A_345 = arith.mulf %add3A_342, %mul3A_344 : vector<16xf32>
      %max3A_346 = arith.maximumf %add3A_342, %mul3A_345 : vector<16xf32>
      %swap3A_347 = arith.index_cast %add3A_295 : i32 to index
      %swap3A_348 = arith.constant 32 : index
      %swap3A_349 = tpu.vector_load %arg15[%swap3A_347, %swap3A_348] {strides = array<i32>} : memref<80x128xf32, #tpu.memory_space<vmem>>, vector<16xf32>,
      tpu.vector_store %arg15[%swap3A_347, %swap3A_348], %max3A_346 {strides = array<i32>} : memref<80x128xf32, #tpu.memory_space<vmem>>, vector<16xf32>,
      %get3A_350 = arith.index_cast %add3A_295 : i32 to index
      %get3A_351 = arith.constant 48 : index
      %get3A_352 = tpu.vector_load %arg13[%get3A_350, %get3A_351] {strides = array<i32>} : memref<80x128xf32, #tpu.memory_space<vmem>>, vector<16xf32>,
      %get3A_353 = arith.index_cast %add3A_295 : i32 to index
      %get3A_354 = arith.constant 48 : index
      %get3A_355 = tpu.vector_load %arg14[%get3A_353, %get3A_354] {strides = array<i32>} : memref<80x128xf32, #tpu.memory_space<vmem>>, vector<16xf32>,
      %add3A_356 = arith.addf %get3A_352, %get3A_355 : vector<16xf32>
      %get3A_357 = arith.index_cast %add3A_295 : i32 to index
      %get3A_358 = arith.constant 48 : index
      %get3A_359 = tpu.vector_load %arg15[%get3A_357, %get3A_358] {strides = array<i32>} : memref<80x128xf32, #tpu.memory_space<vmem>>, vector<16xf32>,
      %add3A_360 = arith.addf %add3A_356, %get3A_359 : vector<16xf32>
      %mul3A_361 = arith.constant 0.00999999977 : f32
      %mul3A_362 = vector.broadcast %mul3A_361 : f32 to vector<16xf32>
      %mul3A_363 = arith.mulf %add3A_360, %mul3A_362 : vector<16xf32>
      %max3A_364 = arith.maximumf %add3A_360, %mul3A_363 : vector<16xf32>
      %swap3A_365 = arith.index_cast %add3A_295 : i32 to index
      %swap3A_366 = arith.constant 48 : index
      %swap3A_367 = tpu.vector_load %arg15[%swap3A_365, %swap3A_366] {strides = array<i32>} : memref<80x128xf32, #tpu.memory_space<vmem>>, vector<16xf32>,
      tpu.vector_store %arg15[%swap3A_365, %swap3A_366], %max3A_364 {strides = array<i32>} : memref<80x128xf32, #tpu.memory_space<vmem>>, vector<16xf32>,
      %get3A_368 = arith.index_cast %add3A_295 : i32 to index
      %get3A_369 = arith.constant 64 : index
      %get3A_370 = tpu.vector_load %arg13[%get3A_368, %get3A_369] {strides = array<i32>} : memref<80x128xf32, #tpu.memory_space<vmem>>, vector<16xf32>,
      %get3A_371 = arith.index_cast %add3A_295 : i32 to index
      %get3A_372 = arith.constant 64 : index
      %get3A_373 = tpu.vector_load %arg14[%get3A_371, %get3A_372] {strides = array<i32>} : memref<80x128xf32, #tpu.memory_space<vmem>>, vector<16xf32>,
      %add3A_374 = arith.addf %get3A_370, %get3A_373 : vector<16xf32>
      %get3A_375 = arith.index_cast %add3A_295 : i32 to index
      %get3A_376 = arith.constant 64 : index
      %get3A_377 = tpu.vector_load %arg15[%get3A_375, %get3A_376] {strides = array<i32>} : memref<80x128xf32, #tpu.memory_space<vmem>>, vector<16xf32>,
      %add3A_378 = arith.addf %add3A_374, %get3A_377 : vector<16xf32>
      %mul3A_379 = arith.constant 0.00999999977 : f32
      %mul3A_380 = vector.broadcast %mul3A_379 : f32 to vector<16xf32>
      %mul3A_381 = arith.mulf %add3A_378, %mul3A_380 : vector<16xf32>
      %max3A_382 = arith.maximumf %add3A_378, %mul3A_381 : vector<16xf32>
      %swap3A_383 = arith.index_cast %add3A_295 : i32 to index
      %swap3A_384 = arith.constant 64 : index
      %swap3A_385 = tpu.vector_load %arg15[%swap3A_383, %swap3A_384] {strides = array<i32>} : memref<80x128xf32, #tpu.memory_space<vmem>>, vector<16xf32>,
      tpu.vector_store %arg15[%swap3A_383, %swap3A_384], %max3A_382 {strides = array<i32>} : memref<80x128xf32, #tpu.memory_space<vmem>>, vector<16xf32>,
      %get3A_386 = arith.index_cast %add3A_295 : i32 to index
      %get3A_387 = arith.constant 80 : index
      %get3A_388 = tpu.vector_load %arg13[%get3A_386, %get3A_387] {strides = array<i32>} : memref<80x128xf32, #tpu.memory_space<vmem>>, vector<16xf32>,
      %get3A_389 = arith.index_cast %add3A_295 : i32 to index
      %get3A_390 = arith.constant 80 : index
      %get3A_391 = tpu.vector_load %arg14[%get3A_389, %get3A_390] {strides = array<i32>} : memref<80x128xf32, #tpu.memory_space<vmem>>, vector<16xf32>,
      %add3A_392 = arith.addf %get3A_388, %get3A_391 : vector<16xf32>
      %get3A_393 = arith.index_cast %add3A_295 : i32 to index
      %get3A_394 = arith.constant 80 : index
      %get3A_395 = tpu.vector_load %arg15[%get3A_393, %get3A_394] {strides = array<i32>} : memref<80x128xf32, #tpu.memory_space<vmem>>, vector<16xf32>,
      %add3A_396 = arith.addf %add3A_392, %get3A_395 : vector<16xf32>
      %mul3A_397 = arith.constant 0.00999999977 : f32
      %mul3A_398 = vector.broadcast %mul3A_397 : f32 to vector<16xf32>
      %mul3A_399 = arith.mulf %add3A_396, %mul3A_398 : vector<16xf32>
      %max3A_400 = arith.maximumf %add3A_396, %mul3A_399 : vector<16xf32>
      %swap3A_401 = arith.index_cast %add3A_295 : i32 to index
      %swap3A_402 = arith.constant 80 : index
      %swap3A_403 = tpu.vector_load %arg15[%swap3A_401, %swap3A_402] {strides = array<i32>} : memref<80x128xf32, #tpu.memory_space<vmem>>, vector<16xf32>,
      tpu.vector_store %arg15[%swap3A_401, %swap3A_402], %max3A_400 {strides = array<i32>} : memref<80x128xf32, #tpu.memory_space<vmem>>, vector<16xf32>,
      %get3A_404 = arith.index_cast %add3A_295 : i32 to index
      %get3A_405 = arith.constant 96 : index
      %get3A_406 = tpu.vector_load %arg13[%get3A_404, %get3A_405] {strides = array<i32>} : memref<80x128xf32, #tpu.memory_space<vmem>>, vector<16xf32>,
      %get3A_407 = arith.index_cast %add3A_295 : i32 to index
      %get3A_408 = arith.constant 96 : index
      %get3A_409 = tpu.vector_load %arg14[%get3A_407, %get3A_408] {strides = array<i32>} : memref<80x128xf32, #tpu.memory_space<vmem>>, vector<16xf32>,
      %add3A_410 = arith.addf %get3A_406, %get3A_409 : vector<16xf32>
      %get3A_411 = arith.index_cast %add3A_295 : i32 to index
      %get3A_412 = arith.constant 96 : index
      %get3A_413 = tpu.vector_load %arg15[%get3A_411, %get3A_412] {strides = array<i32>} : memref<80x128xf32, #tpu.memory_space<vmem>>, vector<16xf32>,
      %add3A_414 = arith.addf %add3A_410, %get3A_413 : vector<16xf32>
      %mul3A_415 = arith.constant 0.00999999977 : f32
      %mul3A_416 = vector.broadcast %mul3A_415 : f32 to vector<16xf32>
      %mul3A_417 = arith.mulf %add3A_414, %mul3A_416 : vector<16xf32>
      %max3A_418 = arith.maximumf %add3A_414, %mul3A_417 : vector<16xf32>
      %swap3A_419 = arith.index_cast %add3A_295 : i32 to index
      %swap3A_420 = arith.constant 96 : index
      %swap3A_421 = tpu.vector_load %arg15[%swap3A_419, %swap3A_420] {strides = array<i32>} : memref<80x128xf32, #tpu.memory_space<vmem>>, vector<16xf32>,
      tpu.vector_store %arg15[%swap3A_419, %swap3A_420], %max3A_418 {strides = array<i32>} : memref<80x128xf32, #tpu.memory_space<vmem>>, vector<16xf32>,
      %get3A_422 = arith.index_cast %add3A_295 : i32 to index
      %get3A_423 = arith.constant 112 : index
      %get3A_424 = tpu.vector_load %arg13[%get3A_422, %get3A_423] {strides = array<i32>} : memref<80x128xf32, #tpu.memory_space<vmem>>, vector<16xf32>,
      %get3A_425 = arith.index_cast %add3A_295 : i32 to index
      %get3A_426 = arith.constant 112 : index
      %get3A_427 = tpu.vector_load %arg14[%get3A_425, %get3A_426] {strides = array<i32>} : memref<80x128xf32, #tpu.memory_space<vmem>>, vector<16xf32>,
      %add3A_428 = arith.addf %get3A_424, %get3A_427 : vector<16xf32>
      %get3A_429 = arith.index_cast %add3A_295 : i32 to index
      %get3A_430 = arith.constant 112 : index
      %get3A_431 = tpu.vector_load %arg15[%get3A_429, %get3A_430] {strides = array<i32>} : memref<80x128xf32, #tpu.memory_space<vmem>>, vector<16xf32>,
      %add3A_432 = arith.addf %add3A_428, %get3A_431 : vector<16xf32>
      %mul3A_433 = arith.constant 0.00999999977 : f32
      %mul3A_434 = vector.broadcast %mul3A_433 : f32 to vector<16xf32>
      %mul3A_435 = arith.mulf %add3A_432, %mul3A_434 : vector<16xf32>
      %max3A_436 = arith.maximumf %add3A_432, %mul3A_435 : vector<16xf32>
      %swap3A_437 = arith.index_cast %add3A_295 : i32 to index
      %swap3A_438 = arith.constant 112 : index
      %swap3A_439 = tpu.vector_load %arg15[%swap3A_437, %swap3A_438] {strides = array<i32>} : memref<80x128xf32, #tpu.memory_space<vmem>>, vector<16xf32>,
      tpu.vector_store %arg15[%swap3A_437, %swap3A_438], %max3A_436 {strides = array<i32>} : memref<80x128xf32, #tpu.memory_space<vmem>>, vector<16xf32>,
    }
    %scan3A_62 = arith.constant 40 : i32
    %dma_start3A_63 = arith.constant 0 : i32
    %dma_start3A_64 = arith.constant 0 : i32
    %dma_start3A_65 = tpu.memref_slice %arg4[%dma_start3A_63, %dma_start3A_64] : memref<10000x128xf32, #tpu.memory_space<hbm>> -> memref<10000x128xf32, #tpu.memory_space<hbm>>
    tpu.enqueue_indirect_dma source(%dma_start3A_65 : memref<10000x128xf32, #tpu.memory_space<hbm>>) target(%arg13 : memref<80x128xf32, #tpu.memory_space<vmem>>) offsets(%arg11 : memref<80xi32, #tpu.memory_space<vmem>>) semaphore(%arg19 : memref<!tpu.dma_semaphore, #tpu.memory_space<semaphore_mem>>)
    %dma_start3A_66 = arith.constant 0 : i32
    %dma_start3A_67 = arith.constant 0 : i32
    %dma_start3A_68 = tpu.memref_slice %arg5[%dma_start3A_66, %dma_start3A_67] : memref<10000x128xf32, #tpu.memory_space<hbm>> -> memref<10000x128xf32, #tpu.memory_space<hbm>>
    tpu.enqueue_indirect_dma source(%dma_start3A_68 : memref<10000x128xf32, #tpu.memory_space<hbm>>) target(%arg14 : memref<80x128xf32, #tpu.memory_space<vmem>>) offsets(%arg12 : memref<80xi32, #tpu.memory_space<vmem>>) semaphore(%arg20 : memref<!tpu.dma_semaphore, #tpu.memory_space<semaphore_mem>>)
    %dma_start3A_69 = arith.constant 0 : i32
    %dma_start3A_70 = arith.constant 0 : i32
    %dma_start3A_71 = tpu.memref_slice %arg17[%dma_start3A_69, %dma_start3A_70] : memref<10240x128xf32, #tpu.memory_space<vmem_shared>> -> memref<10240x128xf32, #tpu.memory_space<vmem_shared>>
    tpu.enqueue_indirect_dma source(%arg15 : memref<80x128xf32, #tpu.memory_space<vmem>>) target(%dma_start3A_71 : memref<10240x128xf32, #tpu.memory_space<vmem_shared>>) offsets(%arg10 : memref<80xi32, #tpu.memory_space<vmem>>) semaphore(%arg22 : memref<!tpu.dma_semaphore, #tpu.memory_space<semaphore_mem>>) {add = true}
    %get3A = arith.constant 0 : index
    %get3A_72 = tpu.vector_load %arg10[%get3A] {strides = array<i32>} : memref<80xi32, #tpu.memory_space<vmem>>, vector<16xi32>,
    %shift_right_logical3A = arith.constant 7 : i32
    %shift_right_logical3A_73 = vector.broadcast %shift_right_logical3A : i32 to vector<16xi32>
    %shift_right_logical3A_74 = arith.shrui %get3A_72, %shift_right_logical3A_73 : vector<16xi32>
    %and3A = arith.constant 127 : i32
    %and3A_75 = vector.broadcast %and3A : i32 to vector<16xi32>
    %and3A_76 = arith.andi %get3A_72, %and3A_75 : vector<16xi32>
    tpu.vector_store_idx %arg16[%shift_right_logical3A_74, %and3A_76], %broadcast_in_dim3A_20 {add = true} : memref<80x128xf32, #tpu.memory_space<vmem>>[vector<16xi32>, vector<16xi32>], vector<16xf32>,
    %get3A_77 = arith.constant 16 : index
    %get3A_78 = tpu.vector_load %arg10[%get3A_77] {strides = array<i32>} : memref<80xi32, #tpu.memory_space<vmem>>, vector<16xi32>,
    %shift_right_logical3A_79 = arith.constant 7 : i32
    %shift_right_logical3A_80 = vector.broadcast %shift_right_logical3A_79 : i32 to vector<16xi32>
    %shift_right_logical3A_81 = arith.shrui %get3A_78, %shift_right_logical3A_80 : vector<16xi32>
    %and3A_82 = arith.constant 127 : i32
    %and3A_83 = vector.broadcast %and3A_82 : i32 to vector<16xi32>
    %and3A_84 = arith.andi %get3A_78, %and3A_83 : vector<16xi32>
    tpu.vector_store_idx %arg16[%shift_right_logical3A_81, %and3A_84], %broadcast_in_dim3A_20 {add = true} : memref<80x128xf32, #tpu.memory_space<vmem>>[vector<16xi32>, vector<16xi32>], vector<16xf32>,
    %get3A_85 = arith.constant 32 : index
    %get3A_86 = tpu.vector_load %arg10[%get3A_85] {strides = array<i32>} : memref<80xi32, #tpu.memory_space<vmem>>, vector<16xi32>,
    %shift_right_logical3A_87 = arith.constant 7 : i32
    %shift_right_logical3A_88 = vector.broadcast %shift_right_logical3A_87 : i32 to vector<16xi32>
    %shift_right_logical3A_89 = arith.shrui %get3A_86, %shift_right_logical3A_88 : vector<16xi32>
    %and3A_90 = arith.constant 127 : i32
    %and3A_91 = vector.broadcast %and3A_90 : i32 to vector<16xi32>
    %and3A_92 = arith.andi %get3A_86, %and3A_91 : vector<16xi32>
    tpu.vector_store_idx %arg16[%shift_right_logical3A_89, %and3A_92], %broadcast_in_dim3A_20 {add = true} : memref<80x128xf32, #tpu.memory_space<vmem>>[vector<16xi32>, vector<16xi32>], vector<16xf32>,
    %get3A_93 = arith.constant 48 : index
    %get3A_94 = tpu.vector_load %arg10[%get3A_93] {strides = array<i32>} : memref<80xi32, #tpu.memory_space<vmem>>, vector<16xi32>,
    %shift_right_logical3A_95 = arith.constant 7 : i32
    %shift_right_logical3A_96 = vector.broadcast %shift_right_logical3A_95 : i32 to vector<16xi32>
    %shift_right_logical3A_97 = arith.shrui %get3A_94, %shift_right_logical3A_96 : vector<16xi32>
    %and3A_98 = arith.constant 127 : i32
    %and3A_99 = vector.broadcast %and3A_98 : i32 to vector<16xi32>
    %and3A_100 = arith.andi %get3A_94, %and3A_99 : vector<16xi32>
    tpu.vector_store_idx %arg16[%shift_right_logical3A_97, %and3A_100], %broadcast_in_dim3A_20 {add = true} : memref<80x128xf32, #tpu.memory_space<vmem>>[vector<16xi32>, vector<16xi32>], vector<16xf32>,
    %get3A_101 = arith.constant 64 : index
    %get3A_102 = tpu.vector_load %arg10[%get3A_101] {strides = array<i32>} : memref<80xi32, #tpu.memory_space<vmem>>, vector<16xi32>,
    %shift_right_logical3A_103 = arith.constant 7 : i32
    %shift_right_logical3A_104 = vector.broadcast %shift_right_logical3A_103 : i32 to vector<16xi32>
    %shift_right_logical3A_105 = arith.shrui %get3A_102, %shift_right_logical3A_104 : vector<16xi32>
    %and3A_106 = arith.constant 127 : i32
    %and3A_107 = vector.broadcast %and3A_106 : i32 to vector<16xi32>
    %and3A_108 = arith.andi %get3A_102, %and3A_107 : vector<16xi32>
    tpu.vector_store_idx %arg16[%shift_right_logical3A_105, %and3A_108], %broadcast_in_dim3A_20 {add = true} : memref<80x128xf32, #tpu.memory_space<vmem>>[vector<16xi32>, vector<16xi32>], vector<16xf32>,
    %dma_wait3A_109 = arith.constant 0 : i32
    %dma_wait3A_110 = arith.constant 0 : i32
    %dma_wait3A_111 = tpu.memref_slice %arg17[%dma_wait3A_109, %dma_wait3A_110] : memref<10240x128xf32, #tpu.memory_space<vmem_shared>> -> memref<10240x128xf32, #tpu.memory_space<vmem_shared>>
    tpu.wait_indirect_dma semaphore(%arg22 : memref<!tpu.dma_semaphore, #tpu.memory_space<semaphore_mem>>) src(%arg15 : memref<80x128xf32, #tpu.memory_space<vmem>>) dst(%dma_wait3A_111 : memref<10240x128xf32, #tpu.memory_space<vmem_shared>>)
    %add3A_112 = arith.constant 0 : i32
    %add3A_113 = arith.constant 2 : i32
    %add3A_114 = arith.addi %add3A_112, %add3A_113 : i32
    %mul3A_115 = arith.constant 80 : i32
    %mul3A_116 = arith.muli %add3A_114, %mul3A_115 : i32
    %add3A_117 = arith.addi %mul3A_19, %mul3A_116 : i32
    %dma_start3A_118 = tpu.memref_slice %arg2[%add3A_117] : memref<320000xi32, #tpu.memory_space<hbm>> -> memref<80xi32, #tpu.memory_space<hbm>>
    %dma_start3A_119 = tpu.memref_slice %arg2[%add3A_117] : memref<320000xi32, #tpu.memory_space<hbm>> -> memref<80xi32, #tpu.memory_space<hbm>>
    tpu.enqueue_dma source(%dma_start3A_119 : memref<80xi32, #tpu.memory_space<hbm>>) target(%arg9 : memref<80xi32, #tpu.memory_space<vmem>>) target_semaphore(%arg18 : memref<!tpu.dma_semaphore, #tpu.memory_space<semaphore_mem>>)
    %dma_start3A_120 = tpu.memref_slice %arg3[%add3A_117] : memref<320000xi32, #tpu.memory_space<hbm>> -> memref<80xi32, #tpu.memory_space<hbm>>
    %dma_start3A_121 = tpu.memref_slice %arg3[%add3A_117] : memref<320000xi32, #tpu.memory_space<hbm>> -> memref<80xi32, #tpu.memory_space<hbm>>
    tpu.enqueue_dma source(%dma_start3A_121 : memref<80xi32, #tpu.memory_space<hbm>>) target(%arg10 : memref<80xi32, #tpu.memory_space<vmem>>) target_semaphore(%arg18 : memref<!tpu.dma_semaphore, #tpu.memory_space<semaphore_mem>>)
    %add3A_122 = arith.constant 0 : i32
    %add3A_123 = arith.constant 1 : i32
    %add3A_124 = arith.addi %add3A_122, %add3A_123 : i32
    %mul3A_125 = arith.constant 80 : i32
    %mul3A_126 = arith.muli %add3A_124, %mul3A_125 : i32
    %add3A_127 = arith.addi %mul3A_19, %mul3A_126 : i32
    %dma_start3A_128 = arith.constant 0 : i32
    %dma_start3A_129 = tpu.memref_slice %arg6[%add3A_127, %dma_start3A_128] : memref<320000x128xf32, #tpu.memory_space<hbm>> -> memref<80x128xf32, #tpu.memory_space<hbm>>
    %dma_start3A_130 = arith.constant 0 : i32
    %dma_start3A_131 = tpu.memref_slice %arg6[%add3A_127, %dma_start3A_130] : memref<320000x128xf32, #tpu.memory_space<hbm>> -> memref<80x128xf32, #tpu.memory_space<hbm>>
    tpu.enqueue_dma source(%dma_start3A_131 : memref<80x128xf32, #tpu.memory_space<hbm>>) target(%arg15 : memref<80x128xf32, #tpu.memory_space<vmem>>) target_semaphore(%arg21 : memref<!tpu.dma_semaphore, #tpu.memory_space<semaphore_mem>>)
    %scan3A_132 = arith.constant 0 : i32
    %scan3A_133 = arith.constant 0 : i32
    %scan3A_134 = arith.constant 62 : i32
    %scan3A_135 = arith.addi %scan3A_133, %scan3A_134 : i32
    %scan3A_136 = arith.constant 1 : i32
    scf.for %scan3A_145 = %scan3A_133 to %scan3A_135 step %scan3A_136  : i32 {
      %mul3A_146 = arith.constant 2 : i32
      %mul3A_147 = arith.muli %mul3A_146, %scan3A_145 : i32
      %add3A_148 = arith.constant 1 : i32
      %add3A_149 = arith.addi %mul3A_147, %add3A_148 : i32
      %lt3A = arith.constant 61 : i32
      %lt3A_150 = arith.cmpi slt, %scan3A_145, %lt3A : i32
      %dma_wait3A_151 = arith.constant 0 : i32
      %dma_wait3A_152 = arith.constant 0 : i32
      %dma_wait3A_153 = tpu.memref_slice %arg4[%dma_wait3A_151, %dma_wait3A_152] : memref<10000x128xf32, #tpu.memory_space<hbm>> -> memref<10000x128xf32, #tpu.memory_space<hbm>>
      tpu.wait_indirect_dma semaphore(%arg19 : memref<!tpu.dma_semaphore, #tpu.memory_space<semaphore_mem>>) src(%dma_wait3A_153 : memref<10000x128xf32, #tpu.memory_space<hbm>>) dst(%arg13 : memref<80x128xf32, #tpu.memory_space<vmem>>)
      %dma_wait3A_154 = arith.constant 0 : i32
      %dma_wait3A_155 = arith.constant 0 : i32
      %dma_wait3A_156 = tpu.memref_slice %arg5[%dma_wait3A_154, %dma_wait3A_155] : memref<10000x128xf32, #tpu.memory_space<hbm>> -> memref<10000x128xf32, #tpu.memory_space<hbm>>
      tpu.wait_indirect_dma semaphore(%arg20 : memref<!tpu.dma_semaphore, #tpu.memory_space<semaphore_mem>>) src(%dma_wait3A_156 : memref<10000x128xf32, #tpu.memory_space<hbm>>) dst(%arg14 : memref<80x128xf32, #tpu.memory_space<vmem>>)
      %dma_wait3A_157 = arith.constant 0 : i32
      %dma_wait3A_158 = arith.constant 0 : i32
      %dma_wait3A_159 = tpu.memref_slice %arg6[%dma_wait3A_157, %dma_wait3A_158] : memref<320000x128xf32, #tpu.memory_space<hbm>> -> memref<80x128xf32, #tpu.memory_space<hbm>>
      %dma_wait3A_160 = arith.constant 0 : i32
      %dma_wait3A_161 = arith.constant 0 : i32
      %dma_wait3A_162 = tpu.memref_slice %arg6[%dma_wait3A_160, %dma_wait3A_161] : memref<320000x128xf32, #tpu.memory_space<hbm>> -> memref<80x128xf32, #tpu.memory_space<hbm>>
      tpu.wait_dma2 semaphore(%arg21 : memref<!tpu.dma_semaphore, #tpu.memory_space<semaphore_mem>>) src(%dma_wait3A_162 : memref<80x128xf32, #tpu.memory_space<hbm>>) dst(%arg15 : memref<80x128xf32, #tpu.memory_space<vmem>>)
      %dma_wait3A_163 = arith.constant 0 : i32
      %dma_wait3A_164 = tpu.memref_slice %arg2[%dma_wait3A_163] : memref<320000xi32, #tpu.memory_space<hbm>> -> memref<80xi32, #tpu.memory_space<hbm>>
      %dma_wait3A_165 = arith.constant 0 : i32
      %dma_wait3A_166 = tpu.memref_slice %arg2[%dma_wait3A_165] : memref<320000xi32, #tpu.memory_space<hbm>> -> memref<80xi32, #tpu.memory_space<hbm>>
      tpu.wait_dma2 semaphore(%arg18 : memref<!tpu.dma_semaphore, #tpu.memory_space<semaphore_mem>>) src(%dma_wait3A_166 : memref<80xi32, #tpu.memory_space<hbm>>) dst(%arg9 : memref<80xi32, #tpu.memory_space<vmem>>)
      %dma_wait3A_167 = arith.constant 0 : i32
      %dma_wait3A_168 = tpu.memref_slice %arg3[%dma_wait3A_167] : memref<320000xi32, #tpu.memory_space<hbm>> -> memref<80xi32, #tpu.memory_space<hbm>>
      %dma_wait3A_169 = arith.constant 0 : i32
      %dma_wait3A_170 = tpu.memref_slice %arg3[%dma_wait3A_169] : memref<320000xi32, #tpu.memory_space<hbm>> -> memref<80xi32, #tpu.memory_space<hbm>>
      tpu.wait_dma2 semaphore(%arg18 : memref<!tpu.dma_semaphore, #tpu.memory_space<semaphore_mem>>) src(%dma_wait3A_170 : memref<80xi32, #tpu.memory_space<hbm>>) dst(%arg10 : memref<80xi32, #tpu.memory_space<vmem>>)
      %scan3A_171 = arith.constant 0 : i32
      %scan3A_172 = arith.constant 0 : i32
      %scan3A_173 = arith.constant 40 : i32
      %scan3A_174 = arith.addi %scan3A_172, %scan3A_173 : i32
      %scan3A_175 = arith.constant 1 : i32
      scf.for %scan3A_323 = %scan3A_172 to %scan3A_174 step %scan3A_175  : i32 {
        %mul3A_324 = arith.constant 2 : i32
        %mul3A_325 = arith.muli %mul3A_324, %scan3A_323 : i32
        %add3A_326 = arith.constant 0 : i32
        %add3A_327 = arith.addi %mul3A_325, %add3A_326 : i32
        %get3A_328 = arith.index_cast %add3A_327 : i32 to index
        %get3A_329 = arith.constant 0 : index
        %get3A_330 = tpu.vector_load %arg13[%get3A_328, %get3A_329] {strides = array<i32>} : memref<80x128xf32, #tpu.memory_space<vmem>>, vector<16xf32>,
        %get3A_331 = arith.index_cast %add3A_327 : i32 to index
        %get3A_332 = arith.constant 0 : index
        %get3A_333 = tpu.vector_load %arg14[%get3A_331, %get3A_332] {strides = array<i32>} : memref<80x128xf32, #tpu.memory_space<vmem>>, vector<16xf32>,
        %add3A_334 = arith.addf %get3A_330, %get3A_333 : vector<16xf32>
        %get3A_335 = arith.index_cast %add3A_327 : i32 to index
        %get3A_336 = arith.constant 0 : index
        %get3A_337 = tpu.vector_load %arg15[%get3A_335, %get3A_336] {strides = array<i32>} : memref<80x128xf32, #tpu.memory_space<vmem>>, vector<16xf32>,
        %add3A_338 = arith.addf %add3A_334, %get3A_337 : vector<16xf32>
        %mul3A_339 = arith.constant 0.00999999977 : f32
        %mul3A_340 = vector.broadcast %mul3A_339 : f32 to vector<16xf32>
        %mul3A_341 = arith.mulf %add3A_338, %mul3A_340 : vector<16xf32>
        %max3A = arith.maximumf %add3A_338, %mul3A_341 : vector<16xf32>
        %swap3A = arith.index_cast %add3A_327 : i32 to index
        %swap3A_342 = arith.constant 0 : index
        %swap3A_343 = tpu.vector_load %arg15[%swap3A, %swap3A_342] {strides = array<i32>} : memref<80x128xf32, #tpu.memory_space<vmem>>, vector<16xf32>,
        tpu.vector_store %arg15[%swap3A, %swap3A_342], %max3A {strides = array<i32>} : memref<80x128xf32, #tpu.memory_space<vmem>>, vector<16xf32>,
        %get3A_344 = arith.index_cast %add3A_327 : i32 to index
        %get3A_345 = arith.constant 16 : index
        %get3A_346 = tpu.vector_load %arg13[%get3A_344, %get3A_345] {strides = array<i32>} : memref<80x128xf32, #tpu.memory_space<vmem>>, vector<16xf32>,
        %get3A_347 = arith.index_cast %add3A_327 : i32 to index
        %get3A_348 = arith.constant 16 : index
        %get3A_349 = tpu.vector_load %arg14[%get3A_347, %get3A_348] {strides = array<i32>} : memref<80x128xf32, #tpu.memory_space<vmem>>, vector<16xf32>,
        %add3A_350 = arith.addf %get3A_346, %get3A_349 : vector<16xf32>
        %get3A_351 = arith.index_cast %add3A_327 : i32 to index
        %get3A_352 = arith.constant 16 : index
        %get3A_353 = tpu.vector_load %arg15[%get3A_351, %get3A_352] {strides = array<i32>} : memref<80x128xf32, #tpu.memory_space<vmem>>, vector<16xf32>,
        %add3A_354 = arith.addf %add3A_350, %get3A_353 : vector<16xf32>
        %mul3A_355 = arith.constant 0.00999999977 : f32
        %mul3A_356 = vector.broadcast %mul3A_355 : f32 to vector<16xf32>
        %mul3A_357 = arith.mulf %add3A_354, %mul3A_356 : vector<16xf32>
        %max3A_358 = arith.maximumf %add3A_354, %mul3A_357 : vector<16xf32>
        %swap3A_359 = arith.index_cast %add3A_327 : i32 to index
        %swap3A_360 = arith.constant 16 : index
        %swap3A_361 = tpu.vector_load %arg15[%swap3A_359, %swap3A_360] {strides = array<i32>} : memref<80x128xf32, #tpu.memory_space<vmem>>, vector<16xf32>,
        tpu.vector_store %arg15[%swap3A_359, %swap3A_360], %max3A_358 {strides = array<i32>} : memref<80x128xf32, #tpu.memory_space<vmem>>, vector<16xf32>,
        %get3A_362 = arith.index_cast %add3A_327 : i32 to index
        %get3A_363 = arith.constant 32 : index
        %get3A_364 = tpu.vector_load %arg13[%get3A_362, %get3A_363] {strides = array<i32>} : memref<80x128xf32, #tpu.memory_space<vmem>>, vector<16xf32>,
        %get3A_365 = arith.index_cast %add3A_327 : i32 to index
        %get3A_366 = arith.constant 32 : index
        %get3A_367 = tpu.vector_load %arg14[%get3A_365, %get3A_366] {strides = array<i32>} : memref<80x128xf32, #tpu.memory_space<vmem>>, vector<16xf32>,
        %add3A_368 = arith.addf %get3A_364, %get3A_367 : vector<16xf32>
        %get3A_369 = arith.index_cast %add3A_327 : i32 to index
        %get3A_370 = arith.constant 32 : index
        %get3A_371 = tpu.vector_load %arg15[%get3A_369, %get3A_370] {strides = array<i32>} : memref<80x128xf32, #tpu.memory_space<vmem>>, vector<16xf32>,
        %add3A_372 = arith.addf %add3A_368, %get3A_371 : vector<16xf32>
        %mul3A_373 = arith.constant 0.00999999977 : f32
        %mul3A_374 = vector.broadcast %mul3A_373 : f32 to vector<16xf32>
        %mul3A_375 = arith.mulf %add3A_372, %mul3A_374 : vector<16xf32>
        %max3A_376 = arith.maximumf %add3A_372, %mul3A_375 : vector<16xf32>
        %swap3A_377 = arith.index_cast %add3A_327 : i32 to index
        %swap3A_378 = arith.constant 32 : index
        %swap3A_379 = tpu.vector_load %arg15[%swap3A_377, %swap3A_378] {strides = array<i32>} : memref<80x128xf32, #tpu.memory_space<vmem>>, vector<16xf32>,
        tpu.vector_store %arg15[%swap3A_377, %swap3A_378], %max3A_376 {strides = array<i32>} : memref<80x128xf32, #tpu.memory_space<vmem>>, vector<16xf32>,
        %get3A_380 = arith.index_cast %add3A_327 : i32 to index
        %get3A_381 = arith.constant 48 : index
        %get3A_382 = tpu.vector_load %arg13[%get3A_380, %get3A_381] {strides = array<i32>} : memref<80x128xf32, #tpu.memory_space<vmem>>, vector<16xf32>,
        %get3A_383 = arith.index_cast %add3A_327 : i32 to index
        %get3A_384 = arith.constant 48 : index
        %get3A_385 = tpu.vector_load %arg14[%get3A_383, %get3A_384] {strides = array<i32>} : memref<80x128xf32, #tpu.memory_space<vmem>>, vector<16xf32>,
        %add3A_386 = arith.addf %get3A_382, %get3A_385 : vector<16xf32>
        %get3A_387 = arith.index_cast %add3A_327 : i32 to index
        %get3A_388 = arith.constant 48 : index
        %get3A_389 = tpu.vector_load %arg15[%get3A_387, %get3A_388] {strides = array<i32>} : memref<80x128xf32, #tpu.memory_space<vmem>>, vector<16xf32>,
        %add3A_390 = arith.addf %add3A_386, %get3A_389 : vector<16xf32>
        %mul3A_391 = arith.constant 0.00999999977 : f32
        %mul3A_392 = vector.broadcast %mul3A_391 : f32 to vector<16xf32>
        %mul3A_393 = arith.mulf %add3A_390, %mul3A_392 : vector<16xf32>
        %max3A_394 = arith.maximumf %add3A_390, %mul3A_393 : vector<16xf32>
        %swap3A_395 = arith.index_cast %add3A_327 : i32 to index
        %swap3A_396 = arith.constant 48 : index
        %swap3A_397 = tpu.vector_load %arg15[%swap3A_395, %swap3A_396] {strides = array<i32>} : memref<80x128xf32, #tpu.memory_space<vmem>>, vector<16xf32>,
        tpu.vector_store %arg15[%swap3A_395, %swap3A_396], %max3A_394 {strides = array<i32>} : memref<80x128xf32, #tpu.memory_space<vmem>>, vector<16xf32>,
        %get3A_398 = arith.index_cast %add3A_327 : i32 to index
        %get3A_399 = arith.constant 64 : index
        %get3A_400 = tpu.vector_load %arg13[%get3A_398, %get3A_399] {strides = array<i32>} : memref<80x128xf32, #tpu.memory_space<vmem>>, vector<16xf32>,
        %get3A_401 = arith.index_cast %add3A_327 : i32 to index
        %get3A_402 = arith.constant 64 : index
        %get3A_403 = tpu.vector_load %arg14[%get3A_401, %get3A_402] {strides = array<i32>} : memref<80x128xf32, #tpu.memory_space<vmem>>, vector<16xf32>,
        %add3A_404 = arith.addf %get3A_400, %get3A_403 : vector<16xf32>
        %get3A_405 = arith.index_cast %add3A_327 : i32 to index
        %get3A_406 = arith.constant 64 : index
        %get3A_407 = tpu.vector_load %arg15[%get3A_405, %get3A_406] {strides = array<i32>} : memref<80x128xf32, #tpu.memory_space<vmem>>, vector<16xf32>,
        %add3A_408 = arith.addf %add3A_404, %get3A_407 : vector<16xf32>
        %mul3A_409 = arith.constant 0.00999999977 : f32
        %mul3A_410 = vector.broadcast %mul3A_409 : f32 to vector<16xf32>
        %mul3A_411 = arith.mulf %add3A_408, %mul3A_410 : vector<16xf32>
        %max3A_412 = arith.maximumf %add3A_408, %mul3A_411 : vector<16xf32>
        %swap3A_413 = arith.index_cast %add3A_327 : i32 to index
        %swap3A_414 = arith.constant 64 : index
        %swap3A_415 = tpu.vector_load %arg15[%swap3A_413, %swap3A_414] {strides = array<i32>} : memref<80x128xf32, #tpu.memory_space<vmem>>, vector<16xf32>,
        tpu.vector_store %arg15[%swap3A_413, %swap3A_414], %max3A_412 {strides = array<i32>} : memref<80x128xf32, #tpu.memory_space<vmem>>, vector<16xf32>,
        %get3A_416 = arith.index_cast %add3A_327 : i32 to index
        %get3A_417 = arith.constant 80 : index
        %get3A_418 = tpu.vector_load %arg13[%get3A_416, %get3A_417] {strides = array<i32>} : memref<80x128xf32, #tpu.memory_space<vmem>>, vector<16xf32>,
        %get3A_419 = arith.index_cast %add3A_327 : i32 to index
        %get3A_420 = arith.constant 80 : index
        %get3A_421 = tpu.vector_load %arg14[%get3A_419, %get3A_420] {strides = array<i32>} : memref<80x128xf32, #tpu.memory_space<vmem>>, vector<16xf32>,
        %add3A_422 = arith.addf %get3A_418, %get3A_421 : vector<16xf32>
        %get3A_423 = arith.index_cast %add3A_327 : i32 to index
        %get3A_424 = arith.constant 80 : index
        %get3A_425 = tpu.vector_load %arg15[%get3A_423, %get3A_424] {strides = array<i32>} : memref<80x128xf32, #tpu.memory_space<vmem>>, vector<16xf32>,
        %add3A_426 = arith.addf %add3A_422, %get3A_425 : vector<16xf32>
        %mul3A_427 = arith.constant 0.00999999977 : f32
        %mul3A_428 = vector.broadcast %mul3A_427 : f32 to vector<16xf32>
        %mul3A_429 = arith.mulf %add3A_426, %mul3A_428 : vector<16xf32>
        %max3A_430 = arith.maximumf %add3A_426, %mul3A_429 : vector<16xf32>
        %swap3A_431 = arith.index_cast %add3A_327 : i32 to index
        %swap3A_432 = arith.constant 80 : index
        %swap3A_433 = tpu.vector_load %arg15[%swap3A_431, %swap3A_432] {strides = array<i32>} : memref<80x128xf32, #tpu.memory_space<vmem>>, vector<16xf32>,
        tpu.vector_store %arg15[%swap3A_431, %swap3A_432], %max3A_430 {strides = array<i32>} : memref<80x128xf32, #tpu.memory_space<vmem>>, vector<16xf32>,
        %get3A_434 = arith.index_cast %add3A_327 : i32 to index
        %get3A_435 = arith.constant 96 : index
        %get3A_436 = tpu.vector_load %arg13[%get3A_434, %get3A_435] {strides = array<i32>} : memref<80x128xf32, #tpu.memory_space<vmem>>, vector<16xf32>,
        %get3A_437 = arith.index_cast %add3A_327 : i32 to index
        %get3A_438 = arith.constant 96 : index
        %get3A_439 = tpu.vector_load %arg14[%get3A_437, %get3A_438] {strides = array<i32>} : memref<80x128xf32, #tpu.memory_space<vmem>>, vector<16xf32>,
        %add3A_440 = arith.addf %get3A_436, %get3A_439 : vector<16xf32>
        %get3A_441 = arith.index_cast %add3A_327 : i32 to index
        %get3A_442 = arith.constant 96 : index
        %get3A_443 = tpu.vector_load %arg15[%get3A_441, %get3A_442] {strides = array<i32>} : memref<80x128xf32, #tpu.memory_space<vmem>>, vector<16xf32>,
        %add3A_444 = arith.addf %add3A_440, %get3A_443 : vector<16xf32>
        %mul3A_445 = arith.constant 0.00999999977 : f32
        %mul3A_446 = vector.broadcast %mul3A_445 : f32 to vector<16xf32>
        %mul3A_447 = arith.mulf %add3A_444, %mul3A_446 : vector<16xf32>
        %max3A_448 = arith.maximumf %add3A_444, %mul3A_447 : vector<16xf32>
        %swap3A_449 = arith.index_cast %add3A_327 : i32 to index
        %swap3A_450 = arith.constant 96 : index
        %swap3A_451 = tpu.vector_load %arg15[%swap3A_449, %swap3A_450] {strides = array<i32>} : memref<80x128xf32, #tpu.memory_space<vmem>>, vector<16xf32>,
        tpu.vector_store %arg15[%swap3A_449, %swap3A_450], %max3A_448 {strides = array<i32>} : memref<80x128xf32, #tpu.memory_space<vmem>>, vector<16xf32>,
        %get3A_452 = arith.index_cast %add3A_327 : i32 to index
        %get3A_453 = arith.constant 112 : index
        %get3A_454 = tpu.vector_load %arg13[%get3A_452, %get3A_453] {strides = array<i32>} : memref<80x128xf32, #tpu.memory_space<vmem>>, vector<16xf32>,
        %get3A_455 = arith.index_cast %add3A_327 : i32 to index
        %get3A_456 = arith.constant 112 : index
        %get3A_457 = tpu.vector_load %arg14[%get3A_455, %get3A_456] {strides = array<i32>} : memref<80x128xf32, #tpu.memory_space<vmem>>, vector<16xf32>,
        %add3A_458 = arith.addf %get3A_454, %get3A_457 : vector<16xf32>
        %get3A_459 = arith.index_cast %add3A_327 : i32 to index
        %get3A_460 = arith.constant 112 : index
        %get3A_461 = tpu.vector_load %arg15[%get3A_459, %get3A_460] {strides = array<i32>} : memref<80x128xf32, #tpu.memory_space<vmem>>, vector<16xf32>,
        %add3A_462 = arith.addf %add3A_458, %get3A_461 : vector<16xf32>
        %mul3A_463 = arith.constant 0.00999999977 : f32
        %mul3A_464 = vector.broadcast %mul3A_463 : f32 to vector<16xf32>
        %mul3A_465 = arith.mulf %add3A_462, %mul3A_464 : vector<16xf32>
        %max3A_466 = arith.maximumf %add3A_462, %mul3A_465 : vector<16xf32>
        %swap3A_467 = arith.index_cast %add3A_327 : i32 to index
        %swap3A_468 = arith.constant 112 : index
        %swap3A_469 = tpu.vector_load %arg15[%swap3A_467, %swap3A_468] {strides = array<i32>} : memref<80x128xf32, #tpu.memory_space<vmem>>, vector<16xf32>,
        tpu.vector_store %arg15[%swap3A_467, %swap3A_468], %max3A_466 {strides = array<i32>} : memref<80x128xf32, #tpu.memory_space<vmem>>, vector<16xf32>,
        %mul3A_470 = arith.constant 2 : i32
        %mul3A_471 = arith.muli %mul3A_470, %scan3A_323 : i32
        %add3A_472 = arith.constant 1 : i32
        %add3A_473 = arith.addi %mul3A_471, %add3A_472 : i32
        %get3A_474 = arith.index_cast %add3A_473 : i32 to index
        %get3A_475 = arith.constant 0 : index
        %get3A_476 = tpu.vector_load %arg13[%get3A_474, %get3A_475] {strides = array<i32>} : memref<80x128xf32, #tpu.memory_space<vmem>>, vector<16xf32>,
        %get3A_477 = arith.index_cast %add3A_473 : i32 to index
        %get3A_478 = arith.constant 0 : index
        %get3A_479 = tpu.vector_load %arg14[%get3A_477, %get3A_478] {strides = array<i32>} : memref<80x128xf32, #tpu.memory_space<vmem>>, vector<16xf32>,
        %add3A_480 = arith.addf %get3A_476, %get3A_479 : vector<16xf32>
        %get3A_481 = arith.index_cast %add3A_473 : i32 to index
        %get3A_482 = arith.constant 0 : index
        %get3A_483 = tpu.vector_load %arg15[%get3A_481, %get3A_482] {strides = array<i32>} : memref<80x128xf32, #tpu.memory_space<vmem>>, vector<16xf32>,
        %add3A_484 = arith.addf %add3A_480, %get3A_483 : vector<16xf32>
        %mul3A_485 = arith.constant 0.00999999977 : f32
        %mul3A_486 = vector.broadcast %mul3A_485 : f32 to vector<16xf32>
        %mul3A_487 = arith.mulf %add3A_484, %mul3A_486 : vector<16xf32>
        %max3A_488 = arith.maximumf %add3A_484, %mul3A_487 : vector<16xf32>
        %swap3A_489 = arith.index_cast %add3A_473 : i32 to index
        %swap3A_490 = arith.constant 0 : index
        %swap3A_491 = tpu.vector_load %arg15[%swap3A_489, %swap3A_490] {strides = array<i32>} : memref<80x128xf32, #tpu.memory_space<vmem>>, vector<16xf32>,
        tpu.vector_store %arg15[%swap3A_489, %swap3A_490], %max3A_488 {strides = array<i32>} : memref<80x128xf32, #tpu.memory_space<vmem>>, vector<16xf32>,
        %get3A_492 = arith.index_cast %add3A_473 : i32 to index
        %get3A_493 = arith.constant 16 : index
        %get3A_494 = tpu.vector_load %arg13[%get3A_492, %get3A_493] {strides = array<i32>} : memref<80x128xf32, #tpu.memory_space<vmem>>, vector<16xf32>,
        %get3A_495 = arith.index_cast %add3A_473 : i32 to index
        %get3A_496 = arith.constant 16 : index
        %get3A_497 = tpu.vector_load %arg14[%get3A_495, %get3A_496] {strides = array<i32>} : memref<80x128xf32, #tpu.memory_space<vmem>>, vector<16xf32>,
        %add3A_498 = arith.addf %get3A_494, %get3A_497 : vector<16xf32>
        %get3A_499 = arith.index_cast %add3A_473 : i32 to index
        %get3A_500 = arith.constant 16 : index
        %get3A_501 = tpu.vector_load %arg15[%get3A_499, %get3A_500] {strides = array<i32>} : memref<80x128xf32, #tpu.memory_space<vmem>>, vector<16xf32>,
        %add3A_502 = arith.addf %add3A_498, %get3A_501 : vector<16xf32>
        %mul3A_503 = arith.constant 0.00999999977 : f32
        %mul3A_504 = vector.broadcast %mul3A_503 : f32 to vector<16xf32>
        %mul3A_505 = arith.mulf %add3A_502, %mul3A_504 : vector<16xf32>
        %max3A_506 = arith.maximumf %add3A_502, %mul3A_505 : vector<16xf32>
        %swap3A_507 = arith.index_cast %add3A_473 : i32 to index
        %swap3A_508 = arith.constant 16 : index
        %swap3A_509 = tpu.vector_load %arg15[%swap3A_507, %swap3A_508] {strides = array<i32>} : memref<80x128xf32, #tpu.memory_space<vmem>>, vector<16xf32>,
        tpu.vector_store %arg15[%swap3A_507, %swap3A_508], %max3A_506 {strides = array<i32>} : memref<80x128xf32, #tpu.memory_space<vmem>>, vector<16xf32>,
        %get3A_510 = arith.index_cast %add3A_473 : i32 to index
        %get3A_511 = arith.constant 32 : index
        %get3A_512 = tpu.vector_load %arg13[%get3A_510, %get3A_511] {strides = array<i32>} : memref<80x128xf32, #tpu.memory_space<vmem>>, vector<16xf32>,
        %get3A_513 = arith.index_cast %add3A_473 : i32 to index
        %get3A_514 = arith.constant 32 : index
        %get3A_515 = tpu.vector_load %arg14[%get3A_513, %get3A_514] {strides = array<i32>} : memref<80x128xf32, #tpu.memory_space<vmem>>, vector<16xf32>,
        %add3A_516 = arith.addf %get3A_512, %get3A_515 : vector<16xf32>
        %get3A_517 = arith.index_cast %add3A_473 : i32 to index
        %get3A_518 = arith.constant 32 : index
        %get3A_519 = tpu.vector_load %arg15[%get3A_517, %get3A_518] {strides = array<i32>} : memref<80x128xf32, #tpu.memory_space<vmem>>, vector<16xf32>,
        %add3A_520 = arith.addf %add3A_516, %get3A_519 : vector<16xf32>
        %mul3A_521 = arith.constant 0.00999999977 : f32
        %mul3A_522 = vector.broadcast %mul3A_521 : f32 to vector<16xf32>
        %mul3A_523 = arith.mulf %add3A_520, %mul3A_522 : vector<16xf32>
        %max3A_524 = arith.maximumf %add3A_520, %mul3A_523 : vector<16xf32>
        %swap3A_525 = arith.index_cast %add3A_473 : i32 to index
        %swap3A_526 = arith.constant 32 : index
        %swap3A_527 = tpu.vector_load %arg15[%swap3A_525, %swap3A_526] {strides = array<i32>} : memref<80x128xf32, #tpu.memory_space<vmem>>, vector<16xf32>,
        tpu.vector_store %arg15[%swap3A_525, %swap3A_526], %max3A_524 {strides = array<i32>} : memref<80x128xf32, #tpu.memory_space<vmem>>, vector<16xf32>,
        %get3A_528 = arith.index_cast %add3A_473 : i32 to index
        %get3A_529 = arith.constant 48 : index
        %get3A_530 = tpu.vector_load %arg13[%get3A_528, %get3A_529] {strides = array<i32>} : memref<80x128xf32, #tpu.memory_space<vmem>>, vector<16xf32>,
        %get3A_531 = arith.index_cast %add3A_473 : i32 to index
        %get3A_532 = arith.constant 48 : index
        %get3A_533 = tpu.vector_load %arg14[%get3A_531, %get3A_532] {strides = array<i32>} : memref<80x128xf32, #tpu.memory_space<vmem>>, vector<16xf32>,
        %add3A_534 = arith.addf %get3A_530, %get3A_533 : vector<16xf32>
        %get3A_535 = arith.index_cast %add3A_473 : i32 to index
        %get3A_536 = arith.constant 48 : index
        %get3A_537 = tpu.vector_load %arg15[%get3A_535, %get3A_536] {strides = array<i32>} : memref<80x128xf32, #tpu.memory_space<vmem>>, vector<16xf32>,
        %add3A_538 = arith.addf %add3A_534, %get3A_537 : vector<16xf32>
        %mul3A_539 = arith.constant 0.00999999977 : f32
        %mul3A_540 = vector.broadcast %mul3A_539 : f32 to vector<16xf32>
        %mul3A_541 = arith.mulf %add3A_538, %mul3A_540 : vector<16xf32>
        %max3A_542 = arith.maximumf %add3A_538, %mul3A_541 : vector<16xf32>
        %swap3A_543 = arith.index_cast %add3A_473 : i32 to index
        %swap3A_544 = arith.constant 48 : index
        %swap3A_545 = tpu.vector_load %arg15[%swap3A_543, %swap3A_544] {strides = array<i32>} : memref<80x128xf32, #tpu.memory_space<vmem>>, vector<16xf32>,
        tpu.vector_store %arg15[%swap3A_543, %swap3A_544], %max3A_542 {strides = array<i32>} : memref<80x128xf32, #tpu.memory_space<vmem>>, vector<16xf32>,
        %get3A_546 = arith.index_cast %add3A_473 : i32 to index
        %get3A_547 = arith.constant 64 : index
        %get3A_548 = tpu.vector_load %arg13[%get3A_546, %get3A_547] {strides = array<i32>} : memref<80x128xf32, #tpu.memory_space<vmem>>, vector<16xf32>,
        %get3A_549 = arith.index_cast %add3A_473 : i32 to index
        %get3A_550 = arith.constant 64 : index
        %get3A_551 = tpu.vector_load %arg14[%get3A_549, %get3A_550] {strides = array<i32>} : memref<80x128xf32, #tpu.memory_space<vmem>>, vector<16xf32>,
        %add3A_552 = arith.addf %get3A_548, %get3A_551 : vector<16xf32>
        %get3A_553 = arith.index_cast %add3A_473 : i32 to index
        %get3A_554 = arith.constant 64 : index
        %get3A_555 = tpu.vector_load %arg15[%get3A_553, %get3A_554] {strides = array<i32>} : memref<80x128xf32, #tpu.memory_space<vmem>>, vector<16xf32>,
        %add3A_556 = arith.addf %add3A_552, %get3A_555 : vector<16xf32>
        %mul3A_557 = arith.constant 0.00999999977 : f32
        %mul3A_558 = vector.broadcast %mul3A_557 : f32 to vector<16xf32>
        %mul3A_559 = arith.mulf %add3A_556, %mul3A_558 : vector<16xf32>
        %max3A_560 = arith.maximumf %add3A_556, %mul3A_559 : vector<16xf32>
        %swap3A_561 = arith.index_cast %add3A_473 : i32 to index
        %swap3A_562 = arith.constant 64 : index
        %swap3A_563 = tpu.vector_load %arg15[%swap3A_561, %swap3A_562] {strides = array<i32>} : memref<80x128xf32, #tpu.memory_space<vmem>>, vector<16xf32>,
        tpu.vector_store %arg15[%swap3A_561, %swap3A_562], %max3A_560 {strides = array<i32>} : memref<80x128xf32, #tpu.memory_space<vmem>>, vector<16xf32>,
        %get3A_564 = arith.index_cast %add3A_473 : i32 to index
        %get3A_565 = arith.constant 80 : index
        %get3A_566 = tpu.vector_load %arg13[%get3A_564, %get3A_565] {strides = array<i32>} : memref<80x128xf32, #tpu.memory_space<vmem>>, vector<16xf32>,
        %get3A_567 = arith.index_cast %add3A_473 : i32 to index
        %get3A_568 = arith.constant 80 : index
        %get3A_569 = tpu.vector_load %arg14[%get3A_567, %get3A_568] {strides = array<i32>} : memref<80x128xf32, #tpu.memory_space<vmem>>, vector<16xf32>,
        %add3A_570 = arith.addf %get3A_566, %get3A_569 : vector<16xf32>
        %get3A_571 = arith.index_cast %add3A_473 : i32 to index
        %get3A_572 = arith.constant 80 : index
        %get3A_573 = tpu.vector_load %arg15[%get3A_571, %get3A_572] {strides = array<i32>} : memref<80x128xf32, #tpu.memory_space<vmem>>, vector<16xf32>,
        %add3A_574 = arith.addf %add3A_570, %get3A_573 : vector<16xf32>
        %mul3A_575 = arith.constant 0.00999999977 : f32
        %mul3A_576 = vector.broadcast %mul3A_575 : f32 to vector<16xf32>
        %mul3A_577 = arith.mulf %add3A_574, %mul3A_576 : vector<16xf32>
        %max3A_578 = arith.maximumf %add3A_574, %mul3A_577 : vector<16xf32>
        %swap3A_579 = arith.index_cast %add3A_473 : i32 to index
        %swap3A_580 = arith.constant 80 : index
        %swap3A_581 = tpu.vector_load %arg15[%swap3A_579, %swap3A_580] {strides = array<i32>} : memref<80x128xf32, #tpu.memory_space<vmem>>, vector<16xf32>,
        tpu.vector_store %arg15[%swap3A_579, %swap3A_580], %max3A_578 {strides = array<i32>} : memref<80x128xf32, #tpu.memory_space<vmem>>, vector<16xf32>,
        %get3A_582 = arith.index_cast %add3A_473 : i32 to index
        %get3A_583 = arith.constant 96 : index
        %get3A_584 = tpu.vector_load %arg13[%get3A_582, %get3A_583] {strides = array<i32>} : memref<80x128xf32, #tpu.memory_space<vmem>>, vector<16xf32>,
        %get3A_585 = arith.index_cast %add3A_473 : i32 to index
        %get3A_586 = arith.constant 96 : index
        %get3A_587 = tpu.vector_load %arg14[%get3A_585, %get3A_586] {strides = array<i32>} : memref<80x128xf32, #tpu.memory_space<vmem>>, vector<16xf32>,
        %add3A_588 = arith.addf %get3A_584, %get3A_587 : vector<16xf32>
        %get3A_589 = arith.index_cast %add3A_473 : i32 to index
        %get3A_590 = arith.constant 96 : index
        %get3A_591 = tpu.vector_load %arg15[%get3A_589, %get3A_590] {strides = array<i32>} : memref<80x128xf32, #tpu.memory_space<vmem>>, vector<16xf32>,
        %add3A_592 = arith.addf %add3A_588, %get3A_591 : vector<16xf32>
        %mul3A_593 = arith.constant 0.00999999977 : f32
        %mul3A_594 = vector.broadcast %mul3A_593 : f32 to vector<16xf32>
        %mul3A_595 = arith.mulf %add3A_592, %mul3A_594 : vector<16xf32>
        %max3A_596 = arith.maximumf %add3A_592, %mul3A_595 : vector<16xf32>
        %swap3A_597 = arith.index_cast %add3A_473 : i32 to index
        %swap3A_598 = arith.constant 96 : index
        %swap3A_599 = tpu.vector_load %arg15[%swap3A_597, %swap3A_598] {strides = array<i32>} : memref<80x128xf32, #tpu.memory_space<vmem>>, vector<16xf32>,
        tpu.vector_store %arg15[%swap3A_597, %swap3A_598], %max3A_596 {strides = array<i32>} : memref<80x128xf32, #tpu.memory_space<vmem>>, vector<16xf32>,
        %get3A_600 = arith.index_cast %add3A_473 : i32 to index
        %get3A_601 = arith.constant 112 : index
        %get3A_602 = tpu.vector_load %arg13[%get3A_600, %get3A_601] {strides = array<i32>} : memref<80x128xf32, #tpu.memory_space<vmem>>, vector<16xf32>,
        %get3A_603 = arith.index_cast %add3A_473 : i32 to index
        %get3A_604 = arith.constant 112 : index
        %get3A_605 = tpu.vector_load %arg14[%get3A_603, %get3A_604] {strides = array<i32>} : memref<80x128xf32, #tpu.memory_space<vmem>>, vector<16xf32>,
        %add3A_606 = arith.addf %get3A_602, %get3A_605 : vector<16xf32>
        %get3A_607 = arith.index_cast %add3A_473 : i32 to index
        %get3A_608 = arith.constant 112 : index
        %get3A_609 = tpu.vector_load %arg15[%get3A_607, %get3A_608] {strides = array<i32>} : memref<80x128xf32, #tpu.memory_space<vmem>>, vector<16xf32>,
        %add3A_610 = arith.addf %add3A_606, %get3A_609 : vector<16xf32>
        %mul3A_611 = arith.constant 0.00999999977 : f32
        %mul3A_612 = vector.broadcast %mul3A_611 : f32 to vector<16xf32>
        %mul3A_613 = arith.mulf %add3A_610, %mul3A_612 : vector<16xf32>
        %max3A_614 = arith.maximumf %add3A_610, %mul3A_613 : vector<16xf32>
        %swap3A_615 = arith.index_cast %add3A_473 : i32 to index
        %swap3A_616 = arith.constant 112 : index
        %swap3A_617 = tpu.vector_load %arg15[%swap3A_615, %swap3A_616] {strides = array<i32>} : memref<80x128xf32, #tpu.memory_space<vmem>>, vector<16xf32>,
        tpu.vector_store %arg15[%swap3A_615, %swap3A_616], %max3A_614 {strides = array<i32>} : memref<80x128xf32, #tpu.memory_space<vmem>>, vector<16xf32>,
      }
      %scan3A_176 = arith.constant 40 : i32
      %dma_start3A_177 = arith.constant 0 : i32
      %dma_start3A_178 = arith.constant 0 : i32
      %dma_start3A_179 = tpu.memref_slice %arg4[%dma_start3A_177, %dma_start3A_178] : memref<10000x128xf32, #tpu.memory_space<hbm>> -> memref<10000x128xf32, #tpu.memory_space<hbm>>
      tpu.enqueue_indirect_dma source(%dma_start3A_179 : memref<10000x128xf32, #tpu.memory_space<hbm>>) target(%arg13 : memref<80x128xf32, #tpu.memory_space<vmem>>) offsets(%arg9 : memref<80xi32, #tpu.memory_space<vmem>>) semaphore(%arg19 : memref<!tpu.dma_semaphore, #tpu.memory_space<semaphore_mem>>)
      %dma_start3A_180 = arith.constant 0 : i32
      %dma_start3A_181 = arith.constant 0 : i32
      %dma_start3A_182 = tpu.memref_slice %arg5[%dma_start3A_180, %dma_start3A_181] : memref<10000x128xf32, #tpu.memory_space<hbm>> -> memref<10000x128xf32, #tpu.memory_space<hbm>>
      tpu.enqueue_indirect_dma source(%dma_start3A_182 : memref<10000x128xf32, #tpu.memory_space<hbm>>) target(%arg14 : memref<80x128xf32, #tpu.memory_space<vmem>>) offsets(%arg10 : memref<80xi32, #tpu.memory_space<vmem>>) semaphore(%arg20 : memref<!tpu.dma_semaphore, #tpu.memory_space<semaphore_mem>>)
      %dma_start3A_183 = arith.constant 0 : i32
      %dma_start3A_184 = arith.constant 0 : i32
      %dma_start3A_185 = tpu.memref_slice %arg17[%dma_start3A_183, %dma_start3A_184] : memref<10240x128xf32, #tpu.memory_space<vmem_shared>> -> memref<10240x128xf32, #tpu.memory_space<vmem_shared>>
      tpu.enqueue_indirect_dma source(%arg15 : memref<80x128xf32, #tpu.memory_space<vmem>>) target(%dma_start3A_185 : memref<10240x128xf32, #tpu.memory_space<vmem_shared>>) offsets(%arg12 : memref<80xi32, #tpu.memory_space<vmem>>) semaphore(%arg22 : memref<!tpu.dma_semaphore, #tpu.memory_space<semaphore_mem>>) {add = true}
      %get3A_186 = arith.constant 0 : index
      %get3A_187 = tpu.vector_load %arg12[%get3A_186] {strides = array<i32>} : memref<80xi32, #tpu.memory_space<vmem>>, vector<16xi32>,
      %shift_right_logical3A_188 = arith.constant 7 : i32
      %shift_right_logical3A_189 = vector.broadcast %shift_right_logical3A_188 : i32 to vector<16xi32>
      %shift_right_logical3A_190 = arith.shrui %get3A_187, %shift_right_logical3A_189 : vector<16xi32>
      %and3A_191 = arith.constant 127 : i32
      %and3A_192 = vector.broadcast %and3A_191 : i32 to vector<16xi32>
      %and3A_193 = arith.andi %get3A_187, %and3A_192 : vector<16xi32>
      tpu.vector_store_idx %arg16[%shift_right_logical3A_190, %and3A_193], %broadcast_in_dim3A_20 {add = true} : memref<80x128xf32, #tpu.memory_space<vmem>>[vector<16xi32>, vector<16xi32>], vector<16xf32>,
      %get3A_194 = arith.constant 16 : index
      %get3A_195 = tpu.vector_load %arg12[%get3A_194] {strides = array<i32>} : memref<80xi32, #tpu.memory_space<vmem>>, vector<16xi32>,
      %shift_right_logical3A_196 = arith.constant 7 : i32
      %shift_right_logical3A_197 = vector.broadcast %shift_right_logical3A_196 : i32 to vector<16xi32>
      %shift_right_logical3A_198 = arith.shrui %get3A_195, %shift_right_logical3A_197 : vector<16xi32>
      %and3A_199 = arith.constant 127 : i32
      %and3A_200 = vector.broadcast %and3A_199 : i32 to vector<16xi32>
      %and3A_201 = arith.andi %get3A_195, %and3A_200 : vector<16xi32>
      tpu.vector_store_idx %arg16[%shift_right_logical3A_198, %and3A_201], %broadcast_in_dim3A_20 {add = true} : memref<80x128xf32, #tpu.memory_space<vmem>>[vector<16xi32>, vector<16xi32>], vector<16xf32>,
      %get3A_202 = arith.constant 32 : index
      %get3A_203 = tpu.vector_load %arg12[%get3A_202] {strides = array<i32>} : memref<80xi32, #tpu.memory_space<vmem>>, vector<16xi32>,
      %shift_right_logical3A_204 = arith.constant 7 : i32
      %shift_right_logical3A_205 = vector.broadcast %shift_right_logical3A_204 : i32 to vector<16xi32>
      %shift_right_logical3A_206 = arith.shrui %get3A_203, %shift_right_logical3A_205 : vector<16xi32>
      %and3A_207 = arith.constant 127 : i32
      %and3A_208 = vector.broadcast %and3A_207 : i32 to vector<16xi32>
      %and3A_209 = arith.andi %get3A_203, %and3A_208 : vector<16xi32>
      tpu.vector_store_idx %arg16[%shift_right_logical3A_206, %and3A_209], %broadcast_in_dim3A_20 {add = true} : memref<80x128xf32, #tpu.memory_space<vmem>>[vector<16xi32>, vector<16xi32>], vector<16xf32>,
      %get3A_210 = arith.constant 48 : index
      %get3A_211 = tpu.vector_load %arg12[%get3A_210] {strides = array<i32>} : memref<80xi32, #tpu.memory_space<vmem>>, vector<16xi32>,
      %shift_right_logical3A_212 = arith.constant 7 : i32
      %shift_right_logical3A_213 = vector.broadcast %shift_right_logical3A_212 : i32 to vector<16xi32>
      %shift_right_logical3A_214 = arith.shrui %get3A_211, %shift_right_logical3A_213 : vector<16xi32>
      %and3A_215 = arith.constant 127 : i32
      %and3A_216 = vector.broadcast %and3A_215 : i32 to vector<16xi32>
      %and3A_217 = arith.andi %get3A_211, %and3A_216 : vector<16xi32>
      tpu.vector_store_idx %arg16[%shift_right_logical3A_214, %and3A_217], %broadcast_in_dim3A_20 {add = true} : memref<80x128xf32, #tpu.memory_space<vmem>>[vector<16xi32>, vector<16xi32>], vector<16xf32>,
      %get3A_218 = arith.constant 64 : index
      %get3A_219 = tpu.vector_load %arg12[%get3A_218] {strides = array<i32>} : memref<80xi32, #tpu.memory_space<vmem>>, vector<16xi32>,
      %shift_right_logical3A_220 = arith.constant 7 : i32
      %shift_right_logical3A_221 = vector.broadcast %shift_right_logical3A_220 : i32 to vector<16xi32>
      %shift_right_logical3A_222 = arith.shrui %get3A_219, %shift_right_logical3A_221 : vector<16xi32>
      %and3A_223 = arith.constant 127 : i32
      %and3A_224 = vector.broadcast %and3A_223 : i32 to vector<16xi32>
      %and3A_225 = arith.andi %get3A_219, %and3A_224 : vector<16xi32>
      tpu.vector_store_idx %arg16[%shift_right_logical3A_222, %and3A_225], %broadcast_in_dim3A_20 {add = true} : memref<80x128xf32, #tpu.memory_space<vmem>>[vector<16xi32>, vector<16xi32>], vector<16xf32>,
      %dma_wait3A_226 = arith.constant 0 : i32
      %dma_wait3A_227 = arith.constant 0 : i32
      %dma_wait3A_228 = tpu.memref_slice %arg17[%dma_wait3A_226, %dma_wait3A_227] : memref<10240x128xf32, #tpu.memory_space<vmem_shared>> -> memref<10240x128xf32, #tpu.memory_space<vmem_shared>>
      tpu.wait_indirect_dma semaphore(%arg22 : memref<!tpu.dma_semaphore, #tpu.memory_space<semaphore_mem>>) src(%arg15 : memref<80x128xf32, #tpu.memory_space<vmem>>) dst(%dma_wait3A_228 : memref<10240x128xf32, #tpu.memory_space<vmem_shared>>)
      %convert_element_type3A = arith.extui %lt3A_150 : i1 to i32
      %cond3A = arith.constant 0 : i32
      %cond3A_229 = arith.cmpi ne, %convert_element_type3A, %cond3A : i32
      scf.if %cond3A_229 {
        %add3A_323 = arith.constant 2 : i32
        %add3A_324 = arith.addi %add3A_149, %add3A_323 : i32
        %mul3A_325 = arith.constant 80 : i32
        %mul3A_326 = arith.muli %add3A_324, %mul3A_325 : i32
        %add3A_327 = arith.addi %mul3A_19, %mul3A_326 : i32
        %dma_start3A_328 = tpu.memref_slice %arg2[%add3A_327] : memref<320000xi32, #tpu.memory_space<hbm>> -> memref<80xi32, #tpu.memory_space<hbm>>
        %dma_start3A_329 = tpu.memref_slice %arg2[%add3A_327] : memref<320000xi32, #tpu.memory_space<hbm>> -> memref<80xi32, #tpu.memory_space<hbm>>
        tpu.enqueue_dma source(%dma_start3A_329 : memref<80xi32, #tpu.memory_space<hbm>>) target(%arg11 : memref<80xi32, #tpu.memory_space<vmem>>) target_semaphore(%arg18 : memref<!tpu.dma_semaphore, #tpu.memory_space<semaphore_mem>>)
        %dma_start3A_330 = tpu.memref_slice %arg3[%add3A_327] : memref<320000xi32, #tpu.memory_space<hbm>> -> memref<80xi32, #tpu.memory_space<hbm>>
        %dma_start3A_331 = tpu.memref_slice %arg3[%add3A_327] : memref<320000xi32, #tpu.memory_space<hbm>> -> memref<80xi32, #tpu.memory_space<hbm>>
        tpu.enqueue_dma source(%dma_start3A_331 : memref<80xi32, #tpu.memory_space<hbm>>) target(%arg12 : memref<80xi32, #tpu.memory_space<vmem>>) target_semaphore(%arg18 : memref<!tpu.dma_semaphore, #tpu.memory_space<semaphore_mem>>)
      } else {
      }
      %add3A_230 = arith.constant 1 : i32
      %add3A_231 = arith.addi %add3A_149, %add3A_230 : i32
      %mul3A_232 = arith.constant 80 : i32
      %mul3A_233 = arith.muli %add3A_231, %mul3A_232 : i32
      %add3A_234 = arith.addi %mul3A_19, %mul3A_233 : i32
      %dma_start3A_235 = arith.constant 0 : i32
      %dma_start3A_236 = tpu.memref_slice %arg6[%add3A_234, %dma_start3A_235] : memref<320000x128xf32, #tpu.memory_space<hbm>> -> memref<80x128xf32, #tpu.memory_space<hbm>>
      %dma_start3A_237 = arith.constant 0 : i32
      %dma_start3A_238 = tpu.memref_slice %arg6[%add3A_234, %dma_start3A_237] : memref<320000x128xf32, #tpu.memory_space<hbm>> -> memref<80x128xf32, #tpu.memory_space<hbm>>
      tpu.enqueue_dma source(%dma_start3A_238 : memref<80x128xf32, #tpu.memory_space<hbm>>) target(%arg15 : memref<80x128xf32, #tpu.memory_space<vmem>>) target_semaphore(%arg21 : memref<!tpu.dma_semaphore, #tpu.memory_space<semaphore_mem>>)
      %add3A_239 = arith.constant 1 : i32
      %add3A_240 = arith.addi %add3A_149, %add3A_239 : i32
      %lt3A_241 = arith.constant 61 : i32
      %lt3A_242 = arith.cmpi slt, %scan3A_145, %lt3A_241 : i32
      %lt3A_243 = arith.constant 61 : i32
      %lt3A_244 = arith.cmpi slt, %scan3A_145, %lt3A_243 : i32
      %lt3A_245 = arith.constant 61 : i32
      %lt3A_246 = arith.cmpi slt, %scan3A_145, %lt3A_245 : i32
      %dma_wait3A_247 = arith.constant 0 : i32
      %dma_wait3A_248 = arith.constant 0 : i32
      %dma_wait3A_249 = tpu.memref_slice %arg4[%dma_wait3A_247, %dma_wait3A_248] : memref<10000x128xf32, #tpu.memory_space<hbm>> -> memref<10000x128xf32, #tpu.memory_space<hbm>>
      tpu.wait_indirect_dma semaphore(%arg19 : memref<!tpu.dma_semaphore, #tpu.memory_space<semaphore_mem>>) src(%dma_wait3A_249 : memref<10000x128xf32, #tpu.memory_space<hbm>>) dst(%arg13 : memref<80x128xf32, #tpu.memory_space<vmem>>)
      %dma_wait3A_250 = arith.constant 0 : i32
      %dma_wait3A_251 = arith.constant 0 : i32
      %dma_wait3A_252 = tpu.memref_slice %arg5[%dma_wait3A_250, %dma_wait3A_251] : memref<10000x128xf32, #tpu.memory_space<hbm>> -> memref<10000x128xf32, #tpu.memory_space<hbm>>
      tpu.wait_indirect_dma semaphore(%arg20 : memref<!tpu.dma_semaphore, #tpu.memory_space<semaphore_mem>>) src(%dma_wait3A_252 : memref<10000x128xf32, #tpu.memory_space<hbm>>) dst(%arg14 : memref<80x128xf32, #tpu.memory_space<vmem>>)
      %dma_wait3A_253 = arith.constant 0 : i32
      %dma_wait3A_254 = arith.constant 0 : i32
      %dma_wait3A_255 = tpu.memref_slice %arg6[%dma_wait3A_253, %dma_wait3A_254] : memref<320000x128xf32, #tpu.memory_space<hbm>> -> memref<80x128xf32, #tpu.memory_space<hbm>>
      %dma_wait3A_256 = arith.constant 0 : i32
      %dma_wait3A_257 = arith.constant 0 : i32
      %dma_wait3A_258 = tpu.memref_slice %arg6[%dma_wait3A_256, %dma_wait3A_257] : memref<320000x128xf32, #tpu.memory_space<hbm>> -> memref<80x128xf32, #tpu.memory_space<hbm>>
      tpu.wait_dma2 semaphore(%arg21 : memref<!tpu.dma_semaphore, #tpu.memory_space<semaphore_mem>>) src(%dma_wait3A_258 : memref<80x128xf32, #tpu.memory_space<hbm>>) dst(%arg15 : memref<80x128xf32, #tpu.memory_space<vmem>>)
      %convert_element_type3A_259 = arith.extui %lt3A_246 : i1 to i32
      %cond3A_260 = arith.constant 0 : i32
      %cond3A_261 = arith.cmpi ne, %convert_element_type3A_259, %cond3A_260 : i32
      scf.if %cond3A_261 {
        %dma_wait3A_323 = arith.constant 0 : i32
        %dma_wait3A_324 = tpu.memref_slice %arg2[%dma_wait3A_323] : memref<320000xi32, #tpu.memory_space<hbm>> -> memref<80xi32, #tpu.memory_space<hbm>>
        %dma_wait3A_325 = arith.constant 0 : i32
        %dma_wait3A_326 = tpu.memref_slice %arg2[%dma_wait3A_325] : memref<320000xi32, #tpu.memory_space<hbm>> -> memref<80xi32, #tpu.memory_space<hbm>>
        tpu.wait_dma2 semaphore(%arg18 : memref<!tpu.dma_semaphore, #tpu.memory_space<semaphore_mem>>) src(%dma_wait3A_326 : memref<80xi32, #tpu.memory_space<hbm>>) dst(%arg11 : memref<80xi32, #tpu.memory_space<vmem>>)
        %dma_wait3A_327 = arith.constant 0 : i32
        %dma_wait3A_328 = tpu.memref_slice %arg3[%dma_wait3A_327] : memref<320000xi32, #tpu.memory_space<hbm>> -> memref<80xi32, #tpu.memory_space<hbm>>
        %dma_wait3A_329 = arith.constant 0 : i32
        %dma_wait3A_330 = tpu.memref_slice %arg3[%dma_wait3A_329] : memref<320000xi32, #tpu.memory_space<hbm>> -> memref<80xi32, #tpu.memory_space<hbm>>
        tpu.wait_dma2 semaphore(%arg18 : memref<!tpu.dma_semaphore, #tpu.memory_space<semaphore_mem>>) src(%dma_wait3A_330 : memref<80xi32, #tpu.memory_space<hbm>>) dst(%arg12 : memref<80xi32, #tpu.memory_space<vmem>>)
      } else {
      }
      %scan3A_262 = arith.constant 0 : i32
      %scan3A_263 = arith.constant 0 : i32
      %scan3A_264 = arith.constant 40 : i32
      %scan3A_265 = arith.addi %scan3A_263, %scan3A_264 : i32
      %scan3A_266 = arith.constant 1 : i32
      scf.for %scan3A_323 = %scan3A_263 to %scan3A_265 step %scan3A_266  : i32 {
        %mul3A_324 = arith.constant 2 : i32
        %mul3A_325 = arith.muli %mul3A_324, %scan3A_323 : i32
        %add3A_326 = arith.constant 0 : i32
        %add3A_327 = arith.addi %mul3A_325, %add3A_326 : i32
        %get3A_328 = arith.index_cast %add3A_327 : i32 to index
        %get3A_329 = arith.constant 0 : index
        %get3A_330 = tpu.vector_load %arg13[%get3A_328, %get3A_329] {strides = array<i32>} : memref<80x128xf32, #tpu.memory_space<vmem>>, vector<16xf32>,
        %get3A_331 = arith.index_cast %add3A_327 : i32 to index
        %get3A_332 = arith.constant 0 : index
        %get3A_333 = tpu.vector_load %arg14[%get3A_331, %get3A_332] {strides = array<i32>} : memref<80x128xf32, #tpu.memory_space<vmem>>, vector<16xf32>,
        %add3A_334 = arith.addf %get3A_330, %get3A_333 : vector<16xf32>
        %get3A_335 = arith.index_cast %add3A_327 : i32 to index
        %get3A_336 = arith.constant 0 : index
        %get3A_337 = tpu.vector_load %arg15[%get3A_335, %get3A_336] {strides = array<i32>} : memref<80x128xf32, #tpu.memory_space<vmem>>, vector<16xf32>,
        %add3A_338 = arith.addf %add3A_334, %get3A_337 : vector<16xf32>
        %mul3A_339 = arith.constant 0.00999999977 : f32
        %mul3A_340 = vector.broadcast %mul3A_339 : f32 to vector<16xf32>
        %mul3A_341 = arith.mulf %add3A_338, %mul3A_340 : vector<16xf32>
        %max3A = arith.maximumf %add3A_338, %mul3A_341 : vector<16xf32>
        %swap3A = arith.index_cast %add3A_327 : i32 to index
        %swap3A_342 = arith.constant 0 : index
        %swap3A_343 = tpu.vector_load %arg15[%swap3A, %swap3A_342] {strides = array<i32>} : memref<80x128xf32, #tpu.memory_space<vmem>>, vector<16xf32>,
        tpu.vector_store %arg15[%swap3A, %swap3A_342], %max3A {strides = array<i32>} : memref<80x128xf32, #tpu.memory_space<vmem>>, vector<16xf32>,
        %get3A_344 = arith.index_cast %add3A_327 : i32 to index
        %get3A_345 = arith.constant 16 : index
        %get3A_346 = tpu.vector_load %arg13[%get3A_344, %get3A_345] {strides = array<i32>} : memref<80x128xf32, #tpu.memory_space<vmem>>, vector<16xf32>,
        %get3A_347 = arith.index_cast %add3A_327 : i32 to index
        %get3A_348 = arith.constant 16 : index
        %get3A_349 = tpu.vector_load %arg14[%get3A_347, %get3A_348] {strides = array<i32>} : memref<80x128xf32, #tpu.memory_space<vmem>>, vector<16xf32>,
        %add3A_350 = arith.addf %get3A_346, %get3A_349 : vector<16xf32>
        %get3A_351 = arith.index_cast %add3A_327 : i32 to index
        %get3A_352 = arith.constant 16 : index
        %get3A_353 = tpu.vector_load %arg15[%get3A_351, %get3A_352] {strides = array<i32>} : memref<80x128xf32, #tpu.memory_space<vmem>>, vector<16xf32>,
        %add3A_354 = arith.addf %add3A_350, %get3A_353 : vector<16xf32>
        %mul3A_355 = arith.constant 0.00999999977 : f32
        %mul3A_356 = vector.broadcast %mul3A_355 : f32 to vector<16xf32>
        %mul3A_357 = arith.mulf %add3A_354, %mul3A_356 : vector<16xf32>
        %max3A_358 = arith.maximumf %add3A_354, %mul3A_357 : vector<16xf32>
        %swap3A_359 = arith.index_cast %add3A_327 : i32 to index
        %swap3A_360 = arith.constant 16 : index
        %swap3A_361 = tpu.vector_load %arg15[%swap3A_359, %swap3A_360] {strides = array<i32>} : memref<80x128xf32, #tpu.memory_space<vmem>>, vector<16xf32>,
        tpu.vector_store %arg15[%swap3A_359, %swap3A_360], %max3A_358 {strides = array<i32>} : memref<80x128xf32, #tpu.memory_space<vmem>>, vector<16xf32>,
        %get3A_362 = arith.index_cast %add3A_327 : i32 to index
        %get3A_363 = arith.constant 32 : index
        %get3A_364 = tpu.vector_load %arg13[%get3A_362, %get3A_363] {strides = array<i32>} : memref<80x128xf32, #tpu.memory_space<vmem>>, vector<16xf32>,
        %get3A_365 = arith.index_cast %add3A_327 : i32 to index
        %get3A_366 = arith.constant 32 : index
        %get3A_367 = tpu.vector_load %arg14[%get3A_365, %get3A_366] {strides = array<i32>} : memref<80x128xf32, #tpu.memory_space<vmem>>, vector<16xf32>,
        %add3A_368 = arith.addf %get3A_364, %get3A_367 : vector<16xf32>
        %get3A_369 = arith.index_cast %add3A_327 : i32 to index
        %get3A_370 = arith.constant 32 : index
        %get3A_371 = tpu.vector_load %arg15[%get3A_369, %get3A_370] {strides = array<i32>} : memref<80x128xf32, #tpu.memory_space<vmem>>, vector<16xf32>,
        %add3A_372 = arith.addf %add3A_368, %get3A_371 : vector<16xf32>
        %mul3A_373 = arith.constant 0.00999999977 : f32
        %mul3A_374 = vector.broadcast %mul3A_373 : f32 to vector<16xf32>
        %mul3A_375 = arith.mulf %add3A_372, %mul3A_374 : vector<16xf32>
        %max3A_376 = arith.maximumf %add3A_372, %mul3A_375 : vector<16xf32>
        %swap3A_377 = arith.index_cast %add3A_327 : i32 to index
        %swap3A_378 = arith.constant 32 : index
        %swap3A_379 = tpu.vector_load %arg15[%swap3A_377, %swap3A_378] {strides = array<i32>} : memref<80x128xf32, #tpu.memory_space<vmem>>, vector<16xf32>,
        tpu.vector_store %arg15[%swap3A_377, %swap3A_378], %max3A_376 {strides = array<i32>} : memref<80x128xf32, #tpu.memory_space<vmem>>, vector<16xf32>,
        %get3A_380 = arith.index_cast %add3A_327 : i32 to index
        %get3A_381 = arith.constant 48 : index
        %get3A_382 = tpu.vector_load %arg13[%get3A_380, %get3A_381] {strides = array<i32>} : memref<80x128xf32, #tpu.memory_space<vmem>>, vector<16xf32>,
        %get3A_383 = arith.index_cast %add3A_327 : i32 to index
        %get3A_384 = arith.constant 48 : index
        %get3A_385 = tpu.vector_load %arg14[%get3A_383, %get3A_384] {strides = array<i32>} : memref<80x128xf32, #tpu.memory_space<vmem>>, vector<16xf32>,
        %add3A_386 = arith.addf %get3A_382, %get3A_385 : vector<16xf32>
        %get3A_387 = arith.index_cast %add3A_327 : i32 to index
        %get3A_388 = arith.constant 48 : index
        %get3A_389 = tpu.vector_load %arg15[%get3A_387, %get3A_388] {strides = array<i32>} : memref<80x128xf32, #tpu.memory_space<vmem>>, vector<16xf32>,
        %add3A_390 = arith.addf %add3A_386, %get3A_389 : vector<16xf32>
        %mul3A_391 = arith.constant 0.00999999977 : f32
        %mul3A_392 = vector.broadcast %mul3A_391 : f32 to vector<16xf32>
        %mul3A_393 = arith.mulf %add3A_390, %mul3A_392 : vector<16xf32>
        %max3A_394 = arith.maximumf %add3A_390, %mul3A_393 : vector<16xf32>
        %swap3A_395 = arith.index_cast %add3A_327 : i32 to index
        %swap3A_396 = arith.constant 48 : index
        %swap3A_397 = tpu.vector_load %arg15[%swap3A_395, %swap3A_396] {strides = array<i32>} : memref<80x128xf32, #tpu.memory_space<vmem>>, vector<16xf32>,
        tpu.vector_store %arg15[%swap3A_395, %swap3A_396], %max3A_394 {strides = array<i32>} : memref<80x128xf32, #tpu.memory_space<vmem>>, vector<16xf32>,
        %get3A_398 = arith.index_cast %add3A_327 : i32 to index
        %get3A_399 = arith.constant 64 : index
        %get3A_400 = tpu.vector_load %arg13[%get3A_398, %get3A_399] {strides = array<i32>} : memref<80x128xf32, #tpu.memory_space<vmem>>, vector<16xf32>,
        %get3A_401 = arith.index_cast %add3A_327 : i32 to index
        %get3A_402 = arith.constant 64 : index
        %get3A_403 = tpu.vector_load %arg14[%get3A_401, %get3A_402] {strides = array<i32>} : memref<80x128xf32, #tpu.memory_space<vmem>>, vector<16xf32>,
        %add3A_404 = arith.addf %get3A_400, %get3A_403 : vector<16xf32>
        %get3A_405 = arith.index_cast %add3A_327 : i32 to index
        %get3A_406 = arith.constant 64 : index
        %get3A_407 = tpu.vector_load %arg15[%get3A_405, %get3A_406] {strides = array<i32>} : memref<80x128xf32, #tpu.memory_space<vmem>>, vector<16xf32>,
        %add3A_408 = arith.addf %add3A_404, %get3A_407 : vector<16xf32>
        %mul3A_409 = arith.constant 0.00999999977 : f32
        %mul3A_410 = vector.broadcast %mul3A_409 : f32 to vector<16xf32>
        %mul3A_411 = arith.mulf %add3A_408, %mul3A_410 : vector<16xf32>
        %max3A_412 = arith.maximumf %add3A_408, %mul3A_411 : vector<16xf32>
        %swap3A_413 = arith.index_cast %add3A_327 : i32 to index
        %swap3A_414 = arith.constant 64 : index
        %swap3A_415 = tpu.vector_load %arg15[%swap3A_413, %swap3A_414] {strides = array<i32>} : memref<80x128xf32, #tpu.memory_space<vmem>>, vector<16xf32>,
        tpu.vector_store %arg15[%swap3A_413, %swap3A_414], %max3A_412 {strides = array<i32>} : memref<80x128xf32, #tpu.memory_space<vmem>>, vector<16xf32>,
        %get3A_416 = arith.index_cast %add3A_327 : i32 to index
        %get3A_417 = arith.constant 80 : index
        %get3A_418 = tpu.vector_load %arg13[%get3A_416, %get3A_417] {strides = array<i32>} : memref<80x128xf32, #tpu.memory_space<vmem>>, vector<16xf32>,
        %get3A_419 = arith.index_cast %add3A_327 : i32 to index
        %get3A_420 = arith.constant 80 : index
        %get3A_421 = tpu.vector_load %arg14[%get3A_419, %get3A_420] {strides = array<i32>} : memref<80x128xf32, #tpu.memory_space<vmem>>, vector<16xf32>,
        %add3A_422 = arith.addf %get3A_418, %get3A_421 : vector<16xf32>
        %get3A_423 = arith.index_cast %add3A_327 : i32 to index
        %get3A_424 = arith.constant 80 : index
        %get3A_425 = tpu.vector_load %arg15[%get3A_423, %get3A_424] {strides = array<i32>} : memref<80x128xf32, #tpu.memory_space<vmem>>, vector<16xf32>,
        %add3A_426 = arith.addf %add3A_422, %get3A_425 : vector<16xf32>
        %mul3A_427 = arith.constant 0.00999999977 : f32
        %mul3A_428 = vector.broadcast %mul3A_427 : f32 to vector<16xf32>
        %mul3A_429 = arith.mulf %add3A_426, %mul3A_428 : vector<16xf32>
        %max3A_430 = arith.maximumf %add3A_426, %mul3A_429 : vector<16xf32>
        %swap3A_431 = arith.index_cast %add3A_327 : i32 to index
        %swap3A_432 = arith.constant 80 : index
        %swap3A_433 = tpu.vector_load %arg15[%swap3A_431, %swap3A_432] {strides = array<i32>} : memref<80x128xf32, #tpu.memory_space<vmem>>, vector<16xf32>,
        tpu.vector_store %arg15[%swap3A_431, %swap3A_432], %max3A_430 {strides = array<i32>} : memref<80x128xf32, #tpu.memory_space<vmem>>, vector<16xf32>,
        %get3A_434 = arith.index_cast %add3A_327 : i32 to index
        %get3A_435 = arith.constant 96 : index
        %get3A_436 = tpu.vector_load %arg13[%get3A_434, %get3A_435] {strides = array<i32>} : memref<80x128xf32, #tpu.memory_space<vmem>>, vector<16xf32>,
        %get3A_437 = arith.index_cast %add3A_327 : i32 to index
        %get3A_438 = arith.constant 96 : index
        %get3A_439 = tpu.vector_load %arg14[%get3A_437, %get3A_438] {strides = array<i32>} : memref<80x128xf32, #tpu.memory_space<vmem>>, vector<16xf32>,
        %add3A_440 = arith.addf %get3A_436, %get3A_439 : vector<16xf32>
        %get3A_441 = arith.index_cast %add3A_327 : i32 to index
        %get3A_442 = arith.constant 96 : index
        %get3A_443 = tpu.vector_load %arg15[%get3A_441, %get3A_442] {strides = array<i32>} : memref<80x128xf32, #tpu.memory_space<vmem>>, vector<16xf32>,
        %add3A_444 = arith.addf %add3A_440, %get3A_443 : vector<16xf32>
        %mul3A_445 = arith.constant 0.00999999977 : f32
        %mul3A_446 = vector.broadcast %mul3A_445 : f32 to vector<16xf32>
        %mul3A_447 = arith.mulf %add3A_444, %mul3A_446 : vector<16xf32>
        %max3A_448 = arith.maximumf %add3A_444, %mul3A_447 : vector<16xf32>
        %swap3A_449 = arith.index_cast %add3A_327 : i32 to index
        %swap3A_450 = arith.constant 96 : index
        %swap3A_451 = tpu.vector_load %arg15[%swap3A_449, %swap3A_450] {strides = array<i32>} : memref<80x128xf32, #tpu.memory_space<vmem>>, vector<16xf32>,
        tpu.vector_store %arg15[%swap3A_449, %swap3A_450], %max3A_448 {strides = array<i32>} : memref<80x128xf32, #tpu.memory_space<vmem>>, vector<16xf32>,
        %get3A_452 = arith.index_cast %add3A_327 : i32 to index
        %get3A_453 = arith.constant 112 : index
        %get3A_454 = tpu.vector_load %arg13[%get3A_452, %get3A_453] {strides = array<i32>} : memref<80x128xf32, #tpu.memory_space<vmem>>, vector<16xf32>,
        %get3A_455 = arith.index_cast %add3A_327 : i32 to index
        %get3A_456 = arith.constant 112 : index
        %get3A_457 = tpu.vector_load %arg14[%get3A_455, %get3A_456] {strides = array<i32>} : memref<80x128xf32, #tpu.memory_space<vmem>>, vector<16xf32>,
        %add3A_458 = arith.addf %get3A_454, %get3A_457 : vector<16xf32>
        %get3A_459 = arith.index_cast %add3A_327 : i32 to index
        %get3A_460 = arith.constant 112 : index
        %get3A_461 = tpu.vector_load %arg15[%get3A_459, %get3A_460] {strides = array<i32>} : memref<80x128xf32, #tpu.memory_space<vmem>>, vector<16xf32>,
        %add3A_462 = arith.addf %add3A_458, %get3A_461 : vector<16xf32>
        %mul3A_463 = arith.constant 0.00999999977 : f32
        %mul3A_464 = vector.broadcast %mul3A_463 : f32 to vector<16xf32>
        %mul3A_465 = arith.mulf %add3A_462, %mul3A_464 : vector<16xf32>
        %max3A_466 = arith.maximumf %add3A_462, %mul3A_465 : vector<16xf32>
        %swap3A_467 = arith.index_cast %add3A_327 : i32 to index
        %swap3A_468 = arith.constant 112 : index
        %swap3A_469 = tpu.vector_load %arg15[%swap3A_467, %swap3A_468] {strides = array<i32>} : memref<80x128xf32, #tpu.memory_space<vmem>>, vector<16xf32>,
        tpu.vector_store %arg15[%swap3A_467, %swap3A_468], %max3A_466 {strides = array<i32>} : memref<80x128xf32, #tpu.memory_space<vmem>>, vector<16xf32>,
        %mul3A_470 = arith.constant 2 : i32
        %mul3A_471 = arith.muli %mul3A_470, %scan3A_323 : i32
        %add3A_472 = arith.constant 1 : i32
        %add3A_473 = arith.addi %mul3A_471, %add3A_472 : i32
        %get3A_474 = arith.index_cast %add3A_473 : i32 to index
        %get3A_475 = arith.constant 0 : index
        %get3A_476 = tpu.vector_load %arg13[%get3A_474, %get3A_475] {strides = array<i32>} : memref<80x128xf32, #tpu.memory_space<vmem>>, vector<16xf32>,
        %get3A_477 = arith.index_cast %add3A_473 : i32 to index
        %get3A_478 = arith.constant 0 : index
        %get3A_479 = tpu.vector_load %arg14[%get3A_477, %get3A_478] {strides = array<i32>} : memref<80x128xf32, #tpu.memory_space<vmem>>, vector<16xf32>,
        %add3A_480 = arith.addf %get3A_476, %get3A_479 : vector<16xf32>
        %get3A_481 = arith.index_cast %add3A_473 : i32 to index
        %get3A_482 = arith.constant 0 : index
        %get3A_483 = tpu.vector_load %arg15[%get3A_481, %get3A_482] {strides = array<i32>} : memref<80x128xf32, #tpu.memory_space<vmem>>, vector<16xf32>,
        %add3A_484 = arith.addf %add3A_480, %get3A_483 : vector<16xf32>
        %mul3A_485 = arith.constant 0.00999999977 : f32
        %mul3A_486 = vector.broadcast %mul3A_485 : f32 to vector<16xf32>
        %mul3A_487 = arith.mulf %add3A_484, %mul3A_486 : vector<16xf32>
        %max3A_488 = arith.maximumf %add3A_484, %mul3A_487 : vector<16xf32>
        %swap3A_489 = arith.index_cast %add3A_473 : i32 to index
        %swap3A_490 = arith.constant 0 : index
        %swap3A_491 = tpu.vector_load %arg15[%swap3A_489, %swap3A_490] {strides = array<i32>} : memref<80x128xf32, #tpu.memory_space<vmem>>, vector<16xf32>,
        tpu.vector_store %arg15[%swap3A_489, %swap3A_490], %max3A_488 {strides = array<i32>} : memref<80x128xf32, #tpu.memory_space<vmem>>, vector<16xf32>,
        %get3A_492 = arith.index_cast %add3A_473 : i32 to index
        %get3A_493 = arith.constant 16 : index
        %get3A_494 = tpu.vector_load %arg13[%get3A_492, %get3A_493] {strides = array<i32>} : memref<80x128xf32, #tpu.memory_space<vmem>>, vector<16xf32>,
        %get3A_495 = arith.index_cast %add3A_473 : i32 to index
        %get3A_496 = arith.constant 16 : index
        %get3A_497 = tpu.vector_load %arg14[%get3A_495, %get3A_496] {strides = array<i32>} : memref<80x128xf32, #tpu.memory_space<vmem>>, vector<16xf32>,
        %add3A_498 = arith.addf %get3A_494, %get3A_497 : vector<16xf32>
        %get3A_499 = arith.index_cast %add3A_473 : i32 to index
        %get3A_500 = arith.constant 16 : index
        %get3A_501 = tpu.vector_load %arg15[%get3A_499, %get3A_500] {strides = array<i32>} : memref<80x128xf32, #tpu.memory_space<vmem>>, vector<16xf32>,
        %add3A_502 = arith.addf %add3A_498, %get3A_501 : vector<16xf32>
        %mul3A_503 = arith.constant 0.00999999977 : f32
        %mul3A_504 = vector.broadcast %mul3A_503 : f32 to vector<16xf32>
        %mul3A_505 = arith.mulf %add3A_502, %mul3A_504 : vector<16xf32>
        %max3A_506 = arith.maximumf %add3A_502, %mul3A_505 : vector<16xf32>
        %swap3A_507 = arith.index_cast %add3A_473 : i32 to index
        %swap3A_508 = arith.constant 16 : index
        %swap3A_509 = tpu.vector_load %arg15[%swap3A_507, %swap3A_508] {strides = array<i32>} : memref<80x128xf32, #tpu.memory_space<vmem>>, vector<16xf32>,
        tpu.vector_store %arg15[%swap3A_507, %swap3A_508], %max3A_506 {strides = array<i32>} : memref<80x128xf32, #tpu.memory_space<vmem>>, vector<16xf32>,
        %get3A_510 = arith.index_cast %add3A_473 : i32 to index
        %get3A_511 = arith.constant 32 : index
        %get3A_512 = tpu.vector_load %arg13[%get3A_510, %get3A_511] {strides = array<i32>} : memref<80x128xf32, #tpu.memory_space<vmem>>, vector<16xf32>,
        %get3A_513 = arith.index_cast %add3A_473 : i32 to index
        %get3A_514 = arith.constant 32 : index
        %get3A_515 = tpu.vector_load %arg14[%get3A_513, %get3A_514] {strides = array<i32>} : memref<80x128xf32, #tpu.memory_space<vmem>>, vector<16xf32>,
        %add3A_516 = arith.addf %get3A_512, %get3A_515 : vector<16xf32>
        %get3A_517 = arith.index_cast %add3A_473 : i32 to index
        %get3A_518 = arith.constant 32 : index
        %get3A_519 = tpu.vector_load %arg15[%get3A_517, %get3A_518] {strides = array<i32>} : memref<80x128xf32, #tpu.memory_space<vmem>>, vector<16xf32>,
        %add3A_520 = arith.addf %add3A_516, %get3A_519 : vector<16xf32>
        %mul3A_521 = arith.constant 0.00999999977 : f32
        %mul3A_522 = vector.broadcast %mul3A_521 : f32 to vector<16xf32>
        %mul3A_523 = arith.mulf %add3A_520, %mul3A_522 : vector<16xf32>
        %max3A_524 = arith.maximumf %add3A_520, %mul3A_523 : vector<16xf32>
        %swap3A_525 = arith.index_cast %add3A_473 : i32 to index
        %swap3A_526 = arith.constant 32 : index
        %swap3A_527 = tpu.vector_load %arg15[%swap3A_525, %swap3A_526] {strides = array<i32>} : memref<80x128xf32, #tpu.memory_space<vmem>>, vector<16xf32>,
        tpu.vector_store %arg15[%swap3A_525, %swap3A_526], %max3A_524 {strides = array<i32>} : memref<80x128xf32, #tpu.memory_space<vmem>>, vector<16xf32>,
        %get3A_528 = arith.index_cast %add3A_473 : i32 to index
        %get3A_529 = arith.constant 48 : index
        %get3A_530 = tpu.vector_load %arg13[%get3A_528, %get3A_529] {strides = array<i32>} : memref<80x128xf32, #tpu.memory_space<vmem>>, vector<16xf32>,
        %get3A_531 = arith.index_cast %add3A_473 : i32 to index
        %get3A_532 = arith.constant 48 : index
        %get3A_533 = tpu.vector_load %arg14[%get3A_531, %get3A_532] {strides = array<i32>} : memref<80x128xf32, #tpu.memory_space<vmem>>, vector<16xf32>,
        %add3A_534 = arith.addf %get3A_530, %get3A_533 : vector<16xf32>
        %get3A_535 = arith.index_cast %add3A_473 : i32 to index
        %get3A_536 = arith.constant 48 : index
        %get3A_537 = tpu.vector_load %arg15[%get3A_535, %get3A_536] {strides = array<i32>} : memref<80x128xf32, #tpu.memory_space<vmem>>, vector<16xf32>,
        %add3A_538 = arith.addf %add3A_534, %get3A_537 : vector<16xf32>
        %mul3A_539 = arith.constant 0.00999999977 : f32
        %mul3A_540 = vector.broadcast %mul3A_539 : f32 to vector<16xf32>
        %mul3A_541 = arith.mulf %add3A_538, %mul3A_540 : vector<16xf32>
        %max3A_542 = arith.maximumf %add3A_538, %mul3A_541 : vector<16xf32>
        %swap3A_543 = arith.index_cast %add3A_473 : i32 to index
        %swap3A_544 = arith.constant 48 : index
        %swap3A_545 = tpu.vector_load %arg15[%swap3A_543, %swap3A_544] {strides = array<i32>} : memref<80x128xf32, #tpu.memory_space<vmem>>, vector<16xf32>,
        tpu.vector_store %arg15[%swap3A_543, %swap3A_544], %max3A_542 {strides = array<i32>} : memref<80x128xf32, #tpu.memory_space<vmem>>, vector<16xf32>,
        %get3A_546 = arith.index_cast %add3A_473 : i32 to index
        %get3A_547 = arith.constant 64 : index
        %get3A_548 = tpu.vector_load %arg13[%get3A_546, %get3A_547] {strides = array<i32>} : memref<80x128xf32, #tpu.memory_space<vmem>>, vector<16xf32>,
        %get3A_549 = arith.index_cast %add3A_473 : i32 to index
        %get3A_550 = arith.constant 64 : index
        %get3A_551 = tpu.vector_load %arg14[%get3A_549, %get3A_550] {strides = array<i32>} : memref<80x128xf32, #tpu.memory_space<vmem>>, vector<16xf32>,
        %add3A_552 = arith.addf %get3A_548, %get3A_551 : vector<16xf32>
        %get3A_553 = arith.index_cast %add3A_473 : i32 to index
        %get3A_554 = arith.constant 64 : index
        %get3A_555 = tpu.vector_load %arg15[%get3A_553, %get3A_554] {strides = array<i32>} : memref<80x128xf32, #tpu.memory_space<vmem>>, vector<16xf32>,
        %add3A_556 = arith.addf %add3A_552, %get3A_555 : vector<16xf32>
        %mul3A_557 = arith.constant 0.00999999977 : f32
        %mul3A_558 = vector.broadcast %mul3A_557 : f32 to vector<16xf32>
        %mul3A_559 = arith.mulf %add3A_556, %mul3A_558 : vector<16xf32>
        %max3A_560 = arith.maximumf %add3A_556, %mul3A_559 : vector<16xf32>
        %swap3A_561 = arith.index_cast %add3A_473 : i32 to index
        %swap3A_562 = arith.constant 64 : index
        %swap3A_563 = tpu.vector_load %arg15[%swap3A_561, %swap3A_562] {strides = array<i32>} : memref<80x128xf32, #tpu.memory_space<vmem>>, vector<16xf32>,
        tpu.vector_store %arg15[%swap3A_561, %swap3A_562], %max3A_560 {strides = array<i32>} : memref<80x128xf32, #tpu.memory_space<vmem>>, vector<16xf32>,
        %get3A_564 = arith.index_cast %add3A_473 : i32 to index
        %get3A_565 = arith.constant 80 : index
        %get3A_566 = tpu.vector_load %arg13[%get3A_564, %get3A_565] {strides = array<i32>} : memref<80x128xf32, #tpu.memory_space<vmem>>, vector<16xf32>,
        %get3A_567 = arith.index_cast %add3A_473 : i32 to index
        %get3A_568 = arith.constant 80 : index
        %get3A_569 = tpu.vector_load %arg14[%get3A_567, %get3A_568] {strides = array<i32>} : memref<80x128xf32, #tpu.memory_space<vmem>>, vector<16xf32>,
        %add3A_570 = arith.addf %get3A_566, %get3A_569 : vector<16xf32>
        %get3A_571 = arith.index_cast %add3A_473 : i32 to index
        %get3A_572 = arith.constant 80 : index
        %get3A_573 = tpu.vector_load %arg15[%get3A_571, %get3A_572] {strides = array<i32>} : memref<80x128xf32, #tpu.memory_space<vmem>>, vector<16xf32>,
        %add3A_574 = arith.addf %add3A_570, %get3A_573 : vector<16xf32>
        %mul3A_575 = arith.constant 0.00999999977 : f32
        %mul3A_576 = vector.broadcast %mul3A_575 : f32 to vector<16xf32>
        %mul3A_577 = arith.mulf %add3A_574, %mul3A_576 : vector<16xf32>
        %max3A_578 = arith.maximumf %add3A_574, %mul3A_577 : vector<16xf32>
        %swap3A_579 = arith.index_cast %add3A_473 : i32 to index
        %swap3A_580 = arith.constant 80 : index
        %swap3A_581 = tpu.vector_load %arg15[%swap3A_579, %swap3A_580] {strides = array<i32>} : memref<80x128xf32, #tpu.memory_space<vmem>>, vector<16xf32>,
        tpu.vector_store %arg15[%swap3A_579, %swap3A_580], %max3A_578 {strides = array<i32>} : memref<80x128xf32, #tpu.memory_space<vmem>>, vector<16xf32>,
        %get3A_582 = arith.index_cast %add3A_473 : i32 to index
        %get3A_583 = arith.constant 96 : index
        %get3A_584 = tpu.vector_load %arg13[%get3A_582, %get3A_583] {strides = array<i32>} : memref<80x128xf32, #tpu.memory_space<vmem>>, vector<16xf32>,
        %get3A_585 = arith.index_cast %add3A_473 : i32 to index
        %get3A_586 = arith.constant 96 : index
        %get3A_587 = tpu.vector_load %arg14[%get3A_585, %get3A_586] {strides = array<i32>} : memref<80x128xf32, #tpu.memory_space<vmem>>, vector<16xf32>,
        %add3A_588 = arith.addf %get3A_584, %get3A_587 : vector<16xf32>
        %get3A_589 = arith.index_cast %add3A_473 : i32 to index
        %get3A_590 = arith.constant 96 : index
        %get3A_591 = tpu.vector_load %arg15[%get3A_589, %get3A_590] {strides = array<i32>} : memref<80x128xf32, #tpu.memory_space<vmem>>, vector<16xf32>,
        %add3A_592 = arith.addf %add3A_588, %get3A_591 : vector<16xf32>
        %mul3A_593 = arith.constant 0.00999999977 : f32
        %mul3A_594 = vector.broadcast %mul3A_593 : f32 to vector<16xf32>
        %mul3A_595 = arith.mulf %add3A_592, %mul3A_594 : vector<16xf32>
        %max3A_596 = arith.maximumf %add3A_592, %mul3A_595 : vector<16xf32>
        %swap3A_597 = arith.index_cast %add3A_473 : i32 to index
        %swap3A_598 = arith.constant 96 : index
        %swap3A_599 = tpu.vector_load %arg15[%swap3A_597, %swap3A_598] {strides = array<i32>} : memref<80x128xf32, #tpu.memory_space<vmem>>, vector<16xf32>,
        tpu.vector_store %arg15[%swap3A_597, %swap3A_598], %max3A_596 {strides = array<i32>} : memref<80x128xf32, #tpu.memory_space<vmem>>, vector<16xf32>,
        %get3A_600 = arith.index_cast %add3A_473 : i32 to index
        %get3A_601 = arith.constant 112 : index
        %get3A_602 = tpu.vector_load %arg13[%get3A_600, %get3A_601] {strides = array<i32>} : memref<80x128xf32, #tpu.memory_space<vmem>>, vector<16xf32>,
        %get3A_603 = arith.index_cast %add3A_473 : i32 to index
        %get3A_604 = arith.constant 112 : index
        %get3A_605 = tpu.vector_load %arg14[%get3A_603, %get3A_604] {strides = array<i32>} : memref<80x128xf32, #tpu.memory_space<vmem>>, vector<16xf32>,
        %add3A_606 = arith.addf %get3A_602, %get3A_605 : vector<16xf32>
        %get3A_607 = arith.index_cast %add3A_473 : i32 to index
        %get3A_608 = arith.constant 112 : index
        %get3A_609 = tpu.vector_load %arg15[%get3A_607, %get3A_608] {strides = array<i32>} : memref<80x128xf32, #tpu.memory_space<vmem>>, vector<16xf32>,
        %add3A_610 = arith.addf %add3A_606, %get3A_609 : vector<16xf32>
        %mul3A_611 = arith.constant 0.00999999977 : f32
        %mul3A_612 = vector.broadcast %mul3A_611 : f32 to vector<16xf32>
        %mul3A_613 = arith.mulf %add3A_610, %mul3A_612 : vector<16xf32>
        %max3A_614 = arith.maximumf %add3A_610, %mul3A_613 : vector<16xf32>
        %swap3A_615 = arith.index_cast %add3A_473 : i32 to index
        %swap3A_616 = arith.constant 112 : index
        %swap3A_617 = tpu.vector_load %arg15[%swap3A_615, %swap3A_616] {strides = array<i32>} : memref<80x128xf32, #tpu.memory_space<vmem>>, vector<16xf32>,
        tpu.vector_store %arg15[%swap3A_615, %swap3A_616], %max3A_614 {strides = array<i32>} : memref<80x128xf32, #tpu.memory_space<vmem>>, vector<16xf32>,
      }
      %scan3A_267 = arith.constant 40 : i32
      %convert_element_type3A_268 = arith.extui %lt3A_242 : i1 to i32
      %cond3A_269 = arith.constant 0 : i32
      %cond3A_270 = arith.cmpi ne, %convert_element_type3A_268, %cond3A_269 : i32
      scf.if %cond3A_270 {
        %dma_start3A_323 = arith.constant 0 : i32
        %dma_start3A_324 = arith.constant 0 : i32
        %dma_start3A_325 = tpu.memref_slice %arg4[%dma_start3A_323, %dma_start3A_324] : memref<10000x128xf32, #tpu.memory_space<hbm>> -> memref<10000x128xf32, #tpu.memory_space<hbm>>
        tpu.enqueue_indirect_dma source(%dma_start3A_325 : memref<10000x128xf32, #tpu.memory_space<hbm>>) target(%arg13 : memref<80x128xf32, #tpu.memory_space<vmem>>) offsets(%arg11 : memref<80xi32, #tpu.memory_space<vmem>>) semaphore(%arg19 : memref<!tpu.dma_semaphore, #tpu.memory_space<semaphore_mem>>)
        %dma_start3A_326 = arith.constant 0 : i32
        %dma_start3A_327 = arith.constant 0 : i32
        %dma_start3A_328 = tpu.memref_slice %arg5[%dma_start3A_326, %dma_start3A_327] : memref<10000x128xf32, #tpu.memory_space<hbm>> -> memref<10000x128xf32, #tpu.memory_space<hbm>>
        tpu.enqueue_indirect_dma source(%dma_start3A_328 : memref<10000x128xf32, #tpu.memory_space<hbm>>) target(%arg14 : memref<80x128xf32, #tpu.memory_space<vmem>>) offsets(%arg12 : memref<80xi32, #tpu.memory_space<vmem>>) semaphore(%arg20 : memref<!tpu.dma_semaphore, #tpu.memory_space<semaphore_mem>>)
      } else {
      }
      %dma_start3A_271 = arith.constant 0 : i32
      %dma_start3A_272 = arith.constant 0 : i32
      %dma_start3A_273 = tpu.memref_slice %arg17[%dma_start3A_271, %dma_start3A_272] : memref<10240x128xf32, #tpu.memory_space<vmem_shared>> -> memref<10240x128xf32, #tpu.memory_space<vmem_shared>>
      tpu.enqueue_indirect_dma source(%arg15 : memref<80x128xf32, #tpu.memory_space<vmem>>) target(%dma_start3A_273 : memref<10240x128xf32, #tpu.memory_space<vmem_shared>>) offsets(%arg10 : memref<80xi32, #tpu.memory_space<vmem>>) semaphore(%arg22 : memref<!tpu.dma_semaphore, #tpu.memory_space<semaphore_mem>>) {add = true}
      %get3A_274 = arith.constant 0 : index
      %get3A_275 = tpu.vector_load %arg10[%get3A_274] {strides = array<i32>} : memref<80xi32, #tpu.memory_space<vmem>>, vector<16xi32>,
      %shift_right_logical3A_276 = arith.constant 7 : i32
      %shift_right_logical3A_277 = vector.broadcast %shift_right_logical3A_276 : i32 to vector<16xi32>
      %shift_right_logical3A_278 = arith.shrui %get3A_275, %shift_right_logical3A_277 : vector<16xi32>
      %and3A_279 = arith.constant 127 : i32
      %and3A_280 = vector.broadcast %and3A_279 : i32 to vector<16xi32>
      %and3A_281 = arith.andi %get3A_275, %and3A_280 : vector<16xi32>
      tpu.vector_store_idx %arg16[%shift_right_logical3A_278, %and3A_281], %broadcast_in_dim3A_20 {add = true} : memref<80x128xf32, #tpu.memory_space<vmem>>[vector<16xi32>, vector<16xi32>], vector<16xf32>,
      %get3A_282 = arith.constant 16 : index
      %get3A_283 = tpu.vector_load %arg10[%get3A_282] {strides = array<i32>} : memref<80xi32, #tpu.memory_space<vmem>>, vector<16xi32>,
      %shift_right_logical3A_284 = arith.constant 7 : i32
      %shift_right_logical3A_285 = vector.broadcast %shift_right_logical3A_284 : i32 to vector<16xi32>
      %shift_right_logical3A_286 = arith.shrui %get3A_283, %shift_right_logical3A_285 : vector<16xi32>
      %and3A_287 = arith.constant 127 : i32
      %and3A_288 = vector.broadcast %and3A_287 : i32 to vector<16xi32>
      %and3A_289 = arith.andi %get3A_283, %and3A_288 : vector<16xi32>
      tpu.vector_store_idx %arg16[%shift_right_logical3A_286, %and3A_289], %broadcast_in_dim3A_20 {add = true} : memref<80x128xf32, #tpu.memory_space<vmem>>[vector<16xi32>, vector<16xi32>], vector<16xf32>,
      %get3A_290 = arith.constant 32 : index
      %get3A_291 = tpu.vector_load %arg10[%get3A_290] {strides = array<i32>} : memref<80xi32, #tpu.memory_space<vmem>>, vector<16xi32>,
      %shift_right_logical3A_292 = arith.constant 7 : i32
      %shift_right_logical3A_293 = vector.broadcast %shift_right_logical3A_292 : i32 to vector<16xi32>
      %shift_right_logical3A_294 = arith.shrui %get3A_291, %shift_right_logical3A_293 : vector<16xi32>
      %and3A_295 = arith.constant 127 : i32
      %and3A_296 = vector.broadcast %and3A_295 : i32 to vector<16xi32>
      %and3A_297 = arith.andi %get3A_291, %and3A_296 : vector<16xi32>
      tpu.vector_store_idx %arg16[%shift_right_logical3A_294, %and3A_297], %broadcast_in_dim3A_20 {add = true} : memref<80x128xf32, #tpu.memory_space<vmem>>[vector<16xi32>, vector<16xi32>], vector<16xf32>,
      %get3A_298 = arith.constant 48 : index
      %get3A_299 = tpu.vector_load %arg10[%get3A_298] {strides = array<i32>} : memref<80xi32, #tpu.memory_space<vmem>>, vector<16xi32>,
      %shift_right_logical3A_300 = arith.constant 7 : i32
      %shift_right_logical3A_301 = vector.broadcast %shift_right_logical3A_300 : i32 to vector<16xi32>
      %shift_right_logical3A_302 = arith.shrui %get3A_299, %shift_right_logical3A_301 : vector<16xi32>
      %and3A_303 = arith.constant 127 : i32
      %and3A_304 = vector.broadcast %and3A_303 : i32 to vector<16xi32>
      %and3A_305 = arith.andi %get3A_299, %and3A_304 : vector<16xi32>
      tpu.vector_store_idx %arg16[%shift_right_logical3A_302, %and3A_305], %broadcast_in_dim3A_20 {add = true} : memref<80x128xf32, #tpu.memory_space<vmem>>[vector<16xi32>, vector<16xi32>], vector<16xf32>,
      %get3A_306 = arith.constant 64 : index
      %get3A_307 = tpu.vector_load %arg10[%get3A_306] {strides = array<i32>} : memref<80xi32, #tpu.memory_space<vmem>>, vector<16xi32>,
      %shift_right_logical3A_308 = arith.constant 7 : i32
      %shift_right_logical3A_309 = vector.broadcast %shift_right_logical3A_308 : i32 to vector<16xi32>
      %shift_right_logical3A_310 = arith.shrui %get3A_307, %shift_right_logical3A_309 : vector<16xi32>
      %and3A_311 = arith.constant 127 : i32
      %and3A_312 = vector.broadcast %and3A_311 : i32 to vector<16xi32>
      %and3A_313 = arith.andi %get3A_307, %and3A_312 : vector<16xi32>
      tpu.vector_store_idx %arg16[%shift_right_logical3A_310, %and3A_313], %broadcast_in_dim3A_20 {add = true} : memref<80x128xf32, #tpu.memory_space<vmem>>[vector<16xi32>, vector<16xi32>], vector<16xf32>,
      %dma_wait3A_314 = arith.constant 0 : i32
      %dma_wait3A_315 = arith.constant 0 : i32
      %dma_wait3A_316 = tpu.memref_slice %arg17[%dma_wait3A_314, %dma_wait3A_315] : memref<10240x128xf32, #tpu.memory_space<vmem_shared>> -> memref<10240x128xf32, #tpu.memory_space<vmem_shared>>
      tpu.wait_indirect_dma semaphore(%arg22 : memref<!tpu.dma_semaphore, #tpu.memory_space<semaphore_mem>>) src(%arg15 : memref<80x128xf32, #tpu.memory_space<vmem>>) dst(%dma_wait3A_316 : memref<10240x128xf32, #tpu.memory_space<vmem_shared>>)
      %convert_element_type3A_317 = arith.extui %lt3A_244 : i1 to i32
      %cond3A_318 = arith.constant 0 : i32
      %cond3A_319 = arith.cmpi ne, %convert_element_type3A_317, %cond3A_318 : i32
      scf.if %cond3A_319 {
        %add3A_323 = arith.constant 2 : i32
        %add3A_324 = arith.addi %add3A_240, %add3A_323 : i32
        %mul3A_325 = arith.constant 80 : i32
        %mul3A_326 = arith.muli %add3A_324, %mul3A_325 : i32
        %add3A_327 = arith.addi %mul3A_19, %mul3A_326 : i32
        %dma_start3A_328 = tpu.memref_slice %arg2[%add3A_327] : memref<320000xi32, #tpu.memory_space<hbm>> -> memref<80xi32, #tpu.memory_space<hbm>>
        %dma_start3A_329 = tpu.memref_slice %arg2[%add3A_327] : memref<320000xi32, #tpu.memory_space<hbm>> -> memref<80xi32, #tpu.memory_space<hbm>>
        tpu.enqueue_dma source(%dma_start3A_329 : memref<80xi32, #tpu.memory_space<hbm>>) target(%arg9 : memref<80xi32, #tpu.memory_space<vmem>>) target_semaphore(%arg18 : memref<!tpu.dma_semaphore, #tpu.memory_space<semaphore_mem>>)
        %dma_start3A_330 = tpu.memref_slice %arg3[%add3A_327] : memref<320000xi32, #tpu.memory_space<hbm>> -> memref<80xi32, #tpu.memory_space<hbm>>
        %dma_start3A_331 = tpu.memref_slice %arg3[%add3A_327] : memref<320000xi32, #tpu.memory_space<hbm>> -> memref<80xi32, #tpu.memory_space<hbm>>
        tpu.enqueue_dma source(%dma_start3A_331 : memref<80xi32, #tpu.memory_space<hbm>>) target(%arg10 : memref<80xi32, #tpu.memory_space<vmem>>) target_semaphore(%arg18 : memref<!tpu.dma_semaphore, #tpu.memory_space<semaphore_mem>>)
      } else {
      }
      %convert_element_type3A_320 = arith.extui %lt3A_242 : i1 to i32
      %cond3A_321 = arith.constant 0 : i32
      %cond3A_322 = arith.cmpi ne, %convert_element_type3A_320, %cond3A_321 : i32
      scf.if %cond3A_322 {
        %add3A_323 = arith.constant 1 : i32
        %add3A_324 = arith.addi %add3A_240, %add3A_323 : i32
        %mul3A_325 = arith.constant 80 : i32
        %mul3A_326 = arith.muli %add3A_324, %mul3A_325 : i32
        %add3A_327 = arith.addi %mul3A_19, %mul3A_326 : i32
        %dma_start3A_328 = arith.constant 0 : i32
        %dma_start3A_329 = tpu.memref_slice %arg6[%add3A_327, %dma_start3A_328] : memref<320000x128xf32, #tpu.memory_space<hbm>> -> memref<80x128xf32, #tpu.memory_space<hbm>>
        %dma_start3A_330 = arith.constant 0 : i32
        %dma_start3A_331 = tpu.memref_slice %arg6[%add3A_327, %dma_start3A_330] : memref<320000x128xf32, #tpu.memory_space<hbm>> -> memref<80x128xf32, #tpu.memory_space<hbm>>
        tpu.enqueue_dma source(%dma_start3A_331 : memref<80x128xf32, #tpu.memory_space<hbm>>) target(%arg15 : memref<80x128xf32, #tpu.memory_space<vmem>>) target_semaphore(%arg21 : memref<!tpu.dma_semaphore, #tpu.memory_space<semaphore_mem>>)
      } else {
      }
    }
    %scan3A_137 = arith.constant 62 : i32
    %barrier3A_138 = arith.constant 0 : index
    tpu.barrier barrier_id(%barrier3A_138)
    %scan3A_139 = arith.constant 0 : i32
    %scan3A_140 = arith.constant 0 : i32
    %scan3A_141 = arith.constant 8 : i32
    %scan3A_142 = arith.addi %scan3A_140, %scan3A_141 : i32
    %scan3A_143 = arith.constant 1 : i32
    scf.for %scan3A_145 = %scan3A_140 to %scan3A_142 step %scan3A_143  : i32 {
      %mul3A_146 = arith.constant 640 : i32
      %mul3A_147 = arith.muli %arg1, %mul3A_146 : i32
      %mul3A_148 = arith.constant 80 : i32
      %mul3A_149 = arith.muli %scan3A_145, %mul3A_148 : i32
      %add3A_150 = arith.addi %mul3A_147, %mul3A_149 : i32
      "tpu.region"() ({
        %run_scoped3A = tpu.sem_alloc : memref<!tpu.dma_semaphore, #tpu.memory_space<semaphore_mem>>
        %dma_start3A_151 = arith.constant 0 : i32
        %dma_start3A_152 = tpu.memref_slice %arg17[%add3A_150, %dma_start3A_151] : memref<10240x128xf32, #tpu.memory_space<vmem_shared>> -> memref<80x128xf32, #tpu.memory_space<vmem_shared>>
        %dma_start3A_153 = arith.constant 0 : i32
        %dma_start3A_154 = tpu.memref_slice %arg17[%add3A_150, %dma_start3A_153] : memref<10240x128xf32, #tpu.memory_space<vmem_shared>> -> memref<80x128xf32, #tpu.memory_space<vmem_shared>>
        tpu.enqueue_dma source(%dma_start3A_154 : memref<80x128xf32, #tpu.memory_space<vmem_shared>>) target(%arg13 : memref<80x128xf32, #tpu.memory_space<vmem>>) target_semaphore(%run_scoped3A : memref<!tpu.dma_semaphore, #tpu.memory_space<semaphore_mem>>)
        %dma_wait3A_155 = arith.constant 0 : i32
        %dma_wait3A_156 = tpu.memref_slice %arg17[%add3A_150, %dma_wait3A_155] : memref<10240x128xf32, #tpu.memory_space<vmem_shared>> -> memref<80x128xf32, #tpu.memory_space<vmem_shared>>
        %dma_wait3A_157 = arith.constant 0 : i32
        %dma_wait3A_158 = tpu.memref_slice %arg17[%add3A_150, %dma_wait3A_157] : memref<10240x128xf32, #tpu.memory_space<vmem_shared>> -> memref<80x128xf32, #tpu.memory_space<vmem_shared>>
        tpu.wait_dma2 semaphore(%run_scoped3A : memref<!tpu.dma_semaphore, #tpu.memory_space<semaphore_mem>>) src(%dma_wait3A_158 : memref<80x128xf32, #tpu.memory_space<vmem_shared>>) dst(%arg13 : memref<80x128xf32, #tpu.memory_space<vmem>>)
        tpu.yield
      }) : () -> ()
      "tpu.region"() ({
        %run_scoped3A = tpu.sem_alloc : memref<!tpu.dma_semaphore, #tpu.memory_space<semaphore_mem>>
        %dma_start3A_151 = arith.constant 0 : i32
        %dma_start3A_152 = tpu.memref_slice %arg7[%arg0, %add3A_150, %dma_start3A_151] : memref<2x10240x128xf32, #tpu.memory_space<hbm>> -> memref<1x80x128xf32, #tpu.memory_space<hbm>>
        %dma_start3A_153 = tpu.memref_squeeze %dma_start3A_152 : memref<1x80x128xf32, #tpu.memory_space<hbm>> -> memref<80x128xf32, #tpu.memory_space<hbm>>
        %dma_start3A_154 = arith.constant 0 : i32
        %dma_start3A_155 = tpu.memref_slice %arg7[%arg0, %add3A_150, %dma_start3A_154] : memref<2x10240x128xf32, #tpu.memory_space<hbm>> -> memref<1x80x128xf32, #tpu.memory_space<hbm>>
        %dma_start3A_156 = tpu.memref_squeeze %dma_start3A_155 : memref<1x80x128xf32, #tpu.memory_space<hbm>> -> memref<80x128xf32, #tpu.memory_space<hbm>>
        tpu.enqueue_dma source(%arg13 : memref<80x128xf32, #tpu.memory_space<vmem>>) target(%dma_start3A_156 : memref<80x128xf32, #tpu.memory_space<hbm>>) target_semaphore(%run_scoped3A : memref<!tpu.dma_semaphore, #tpu.memory_space<semaphore_mem>>)
        %dma_wait3A_157 = arith.constant 0 : i32
        %dma_wait3A_158 = tpu.memref_slice %arg7[%arg0, %add3A_150, %dma_wait3A_157] : memref<2x10240x128xf32, #tpu.memory_space<hbm>> -> memref<1x80x128xf32, #tpu.memory_space<hbm>>
        %dma_wait3A_159 = tpu.memref_squeeze %dma_wait3A_158 : memref<1x80x128xf32, #tpu.memory_space<hbm>> -> memref<80x128xf32, #tpu.memory_space<hbm>>
        %dma_wait3A_160 = arith.constant 0 : i32
        %dma_wait3A_161 = tpu.memref_slice %arg7[%arg0, %add3A_150, %dma_wait3A_160] : memref<2x10240x128xf32, #tpu.memory_space<hbm>> -> memref<1x80x128xf32, #tpu.memory_space<hbm>>
        %dma_wait3A_162 = tpu.memref_squeeze %dma_wait3A_161 : memref<1x80x128xf32, #tpu.memory_space<hbm>> -> memref<80x128xf32, #tpu.memory_space<hbm>>
        tpu.wait_dma2 semaphore(%run_scoped3A : memref<!tpu.dma_semaphore, #tpu.memory_space<semaphore_mem>>) src(%arg13 : memref<80x128xf32, #tpu.memory_space<vmem>>) dst(%dma_wait3A_162 : memref<80x128xf32, #tpu.memory_space<hbm>>)
        tpu.yield
      }) : () -> ()
    }
    %scan3A_144 = arith.constant 8 : i32
    "tpu.region"() ({
      %run_scoped3A = tpu.sem_alloc : memref<!tpu.dma_semaphore, #tpu.memory_space<semaphore_mem>>
      %dma_start3A_145 = arith.constant 0 : i32
      %dma_start3A_146 = arith.constant 0 : i32
      %dma_start3A_147 = tpu.memref_slice %arg16[%dma_start3A_145, %dma_start3A_146] : memref<80x128xf32, #tpu.memory_space<vmem>> -> memref<80x128xf32, #tpu.memory_space<vmem>>
      %dma_start3A_148 = arith.constant 0 : i32
      %dma_start3A_149 = arith.constant 0 : i32
      %dma_start3A_150 = tpu.memref_slice %arg8[%add3A, %dma_start3A_148, %dma_start3A_149] : memref<32x80x128xf32, #tpu.memory_space<hbm>> -> memref<1x80x128xf32, #tpu.memory_space<hbm>>
      %dma_start3A_151 = tpu.memref_squeeze %dma_start3A_150 : memref<1x80x128xf32, #tpu.memory_space<hbm>> -> memref<80x128xf32, #tpu.memory_space<hbm>>
      %dma_start3A_152 = arith.constant 0 : i32
      %dma_start3A_153 = arith.constant 0 : i32
      %dma_start3A_154 = tpu.memref_slice %arg8[%add3A, %dma_start3A_152, %dma_start3A_153] : memref<32x80x128xf32, #tpu.memory_space<hbm>> -> memref<1x80x128xf32, #tpu.memory_space<hbm>>
      %dma_start3A_155 = tpu.memref_squeeze %dma_start3A_154 : memref<1x80x128xf32, #tpu.memory_space<hbm>> -> memref<80x128xf32, #tpu.memory_space<hbm>>
      %dma_start3A_156 = arith.constant 0 : i32
      %dma_start3A_157 = arith.constant 0 : i32
      %dma_start3A_158 = tpu.memref_slice %arg16[%dma_start3A_156, %dma_start3A_157] : memref<80x128xf32, #tpu.memory_space<vmem>> -> memref<80x128xf32, #tpu.memory_space<vmem>>
      tpu.enqueue_dma source(%dma_start3A_158 : memref<80x128xf32, #tpu.memory_space<vmem>>) target(%dma_start3A_155 : memref<80x128xf32, #tpu.memory_space<hbm>>) target_semaphore(%run_scoped3A : memref<!tpu.dma_semaphore, #tpu.memory_space<semaphore_mem>>)
      %dma_wait3A_159 = arith.constant 0 : i32
      %dma_wait3A_160 = arith.constant 0 : i32
      %dma_wait3A_161 = tpu.memref_slice %arg16[%dma_wait3A_159, %dma_wait3A_160] : memref<80x128xf32, #tpu.memory_space<vmem>> -> memref<80x128xf32, #tpu.memory_space<vmem>>
      %dma_wait3A_162 = arith.constant 0 : i32
      %dma_wait3A_163 = arith.constant 0 : i32
      %dma_wait3A_164 = tpu.memref_slice %arg8[%add3A, %dma_wait3A_162, %dma_wait3A_163] : memref<32x80x128xf32, #tpu.memory_space<hbm>> -> memref<1x80x128xf32, #tpu.memory_space<hbm>>
      %dma_wait3A_165 = tpu.memref_squeeze %dma_wait3A_164 : memref<1x80x128xf32, #tpu.memory_space<hbm>> -> memref<80x128xf32, #tpu.memory_space<hbm>>
      %dma_wait3A_166 = arith.constant 0 : i32
      %dma_wait3A_167 = arith.constant 0 : i32
      %dma_wait3A_168 = tpu.memref_slice %arg8[%add3A, %dma_wait3A_166, %dma_wait3A_167] : memref<32x80x128xf32, #tpu.memory_space<hbm>> -> memref<1x80x128xf32, #tpu.memory_space<hbm>>
      %dma_wait3A_169 = tpu.memref_squeeze %dma_wait3A_168 : memref<1x80x128xf32, #tpu.memory_space<hbm>> -> memref<80x128xf32, #tpu.memory_space<hbm>>
      %dma_wait3A_170 = arith.constant 0 : i32
      %dma_wait3A_171 = arith.constant 0 : i32
      %dma_wait3A_172 = tpu.memref_slice %arg16[%dma_wait3A_170, %dma_wait3A_171] : memref<80x128xf32, #tpu.memory_space<vmem>> -> memref<80x128xf32, #tpu.memory_space<vmem>>
      tpu.wait_dma2 semaphore(%run_scoped3A : memref<!tpu.dma_semaphore, #tpu.memory_space<semaphore_mem>>) src(%dma_wait3A_172 : memref<80x128xf32, #tpu.memory_space<vmem>>) dst(%dma_wait3A_169 : memref<80x128xf32, #tpu.memory_space<hbm>>)
      tpu.yield
    }) : () -> ()
    return
  }
}

module attributes {stable_mosaic.version = 14 : i64} {
  func.func @_ea_body(%arg0: i32, %arg1: memref<8000x16xf32, #tpu.memory_space<vmem>>, %arg2: memref<16x128xf32, #tpu.memory_space<vmem>>, %arg3: memref<8000x128xf32, #tpu.memory_space<vmem>>) attributes {dimension_semantics = [#tpu.dimension_semantics<arbitrary>], iteration_bounds = array<i64: 40>, scalar_prefetch = 0 : i64, scratch_operands = 0 : i64, tpu.core_type = #tpu.core_type<tc>, window_params = [{transform_indices = @transform_0, window_bounds = array<i64: 8000, 16>}, {pipeline_mode = #tpu.pipeline_mode<synchronous>, transform_indices = @transform_1, window_bounds = array<i64: 16, 128>}, {transform_indices = @transform_2, window_bounds = array<i64: 8000, 128>}]} {
    %get3A = arith.constant 0 : index
    %get3A_0 = arith.constant 0 : index
    %get3A_1 = vector.load %arg1[%get3A, %get3A_0] : memref<8000x16xf32, #tpu.memory_space<vmem>>, vector<8000x16xf32>
    %get3A_2 = arith.constant 0 : index
    %get3A_3 = arith.constant 0 : index
    %get3A_4 = vector.load %arg2[%get3A_2, %get3A_3] : memref<16x128xf32, #tpu.memory_space<vmem>>, vector<16x128xf32>
    %dot_general3A = arith.constant dense<0.000000e+00> : vector<8000x128xf32>
    %dot_general3A_5 = tpu.matmul %get3A_1, %get3A_4, %dot_general3A {dimension_numbers = #tpu.dot_dimension_numbers<[1], [0], [0], [1], [0, 0, 1, 1], [], []>, transpose_lhs_hint = false} : vector<8000x16xf32>, vector<16x128xf32>, vector<8000x128xf32> -> vector<8000x128xf32>
    %swap3A = arith.constant 0 : index
    %swap3A_6 = arith.constant 0 : index
    %swap3A_7 = vector.load %arg3[%swap3A, %swap3A_6] : memref<8000x128xf32, #tpu.memory_space<vmem>>, vector<8000x128xf32>
    tpu.vector_store %arg3[%swap3A, %swap3A_6], %dot_general3A_5 {strides = array<i32>} : memref<8000x128xf32, #tpu.memory_space<vmem>>, vector<8000x128xf32>,
    return
  }
  func.func @transform_0(%arg0: i32) -> (i32, i32) {
    %c0_i32 = arith.constant 0 : i32
    %c0_i32_0 = arith.constant 0 : i32
    return %arg0, %c0_i32 : i32, i32
  }
  func.func @transform_1(%arg0: i32) -> (i32, i32) {
    %c0_i32 = arith.constant 0 : i32
    %c0_i32_0 = arith.constant 0 : i32
    %c0_i32_1 = arith.constant 0 : i32
    return %c0_i32, %c0_i32_0 : i32, i32
  }
  func.func @transform_2(%arg0: i32) -> (i32, i32) {
    %c0_i32 = arith.constant 0 : i32
    %c0_i32_0 = arith.constant 0 : i32
    return %arg0, %c0_i32 : i32, i32
  }
}

module attributes {stable_mosaic.version = 14 : i64} {
  func.func @_proj_body(%arg0: i32, %arg1: memref<400x128xf32, #tpu.memory_space<vmem>>, %arg2: memref<128x128xf32, #tpu.memory_space<vmem>>, %arg3: memref<128x128xf32, #tpu.memory_space<vmem>>, %arg4: memref<400x128xf32, #tpu.memory_space<vmem>>, %arg5: memref<400x128xf32, #tpu.memory_space<vmem>>) attributes {dimension_semantics = [#tpu.dimension_semantics<arbitrary>], iteration_bounds = array<i64: 25>, scalar_prefetch = 0 : i64, scratch_operands = 0 : i64, tpu.core_type = #tpu.core_type<tc>, window_params = [{transform_indices = @transform_0, window_bounds = array<i64: 400, 128>}, {pipeline_mode = #tpu.pipeline_mode<synchronous>, transform_indices = @transform_1, window_bounds = array<i64: 128, 128>}, {pipeline_mode = #tpu.pipeline_mode<synchronous>, transform_indices = @transform_2, window_bounds = array<i64: 128, 128>}, {transform_indices = @transform_3, window_bounds = array<i64: 400, 128>}, {transform_indices = @transform_4, window_bounds = array<i64: 400, 128>}]} {
    %get3A = arith.constant 0 : index
    %get3A_0 = arith.constant 0 : index
    %get3A_1 = vector.load %arg1[%get3A, %get3A_0] : memref<400x128xf32, #tpu.memory_space<vmem>>, vector<400x128xf32>
    %get3A_2 = arith.constant 0 : index
    %get3A_3 = arith.constant 0 : index
    %get3A_4 = vector.load %arg2[%get3A_2, %get3A_3] : memref<128x128xf32, #tpu.memory_space<vmem>>, vector<128x128xf32>
    %dot_general3A = arith.constant dense<0.000000e+00> : vector<400x128xf32>
    %dot_general3A_5 = tpu.matmul %get3A_1, %get3A_4, %dot_general3A {dimension_numbers = #tpu.dot_dimension_numbers<[1], [0], [0], [1], [0, 0, 1, 1], [], []>, transpose_lhs_hint = false} : vector<400x128xf32>, vector<128x128xf32>, vector<400x128xf32> -> vector<400x128xf32>
    %swap3A = arith.constant 0 : index
    %swap3A_6 = arith.constant 0 : index
    %swap3A_7 = vector.load %arg4[%swap3A, %swap3A_6] : memref<400x128xf32, #tpu.memory_space<vmem>>, vector<400x128xf32>
    tpu.vector_store %arg4[%swap3A, %swap3A_6], %dot_general3A_5 {strides = array<i32>} : memref<400x128xf32, #tpu.memory_space<vmem>>, vector<400x128xf32>,
    %get3A_8 = arith.constant 0 : index
    %get3A_9 = arith.constant 0 : index
    %get3A_10 = vector.load %arg3[%get3A_8, %get3A_9] : memref<128x128xf32, #tpu.memory_space<vmem>>, vector<128x128xf32>
    %dot_general3A_11 = arith.constant dense<0.000000e+00> : vector<400x128xf32>
    %dot_general3A_12 = tpu.matmul %get3A_1, %get3A_10, %dot_general3A_11 {dimension_numbers = #tpu.dot_dimension_numbers<[1], [0], [0], [1], [0, 0, 1, 1], [], []>, transpose_lhs_hint = false} : vector<400x128xf32>, vector<128x128xf32>, vector<400x128xf32> -> vector<400x128xf32>
    %swap3A_13 = arith.constant 0 : index
    %swap3A_14 = arith.constant 0 : index
    %swap3A_15 = vector.load %arg5[%swap3A_13, %swap3A_14] : memref<400x128xf32, #tpu.memory_space<vmem>>, vector<400x128xf32>
    tpu.vector_store %arg5[%swap3A_13, %swap3A_14], %dot_general3A_12 {strides = array<i32>} : memref<400x128xf32, #tpu.memory_space<vmem>>, vector<400x128xf32>,
    return
  }
  func.func @transform_0(%arg0: i32) -> (i32, i32) {
    %c0_i32 = arith.constant 0 : i32
    %c0_i32_0 = arith.constant 0 : i32
    return %arg0, %c0_i32 : i32, i32
  }
  func.func @transform_1(%arg0: i32) -> (i32, i32) {
    %c0_i32 = arith.constant 0 : i32
    %c0_i32_0 = arith.constant 0 : i32
    %c0_i32_1 = arith.constant 0 : i32
    return %c0_i32, %c0_i32_0 : i32, i32
  }
  func.func @transform_2(%arg0: i32) -> (i32, i32) {
    %c0_i32 = arith.constant 0 : i32
    %c0_i32_0 = arith.constant 0 : i32
    %c0_i32_1 = arith.constant 0 : i32
    return %c0_i32, %c0_i32_0 : i32, i32
  }
  func.func @transform_3(%arg0: i32) -> (i32, i32) {
    %c0_i32 = arith.constant 0 : i32
    %c0_i32_0 = arith.constant 0 : i32
    return %arg0, %c0_i32 : i32, i32
  }
  func.func @transform_4(%arg0: i32) -> (i32, i32) {
    %c0_i32 = arith.constant 0 : i32
    %c0_i32_0 = arith.constant 0 : i32
    return %arg0, %c0_i32 : i32, i32
  }
}

module attributes {stable_mosaic.version = 14 : i64} {
  func.func @_fin_body(%arg0: i32, %arg1: memref<512x128xf32, #tpu.memory_space<vmem>>, %arg2: memref<2x512x128xf32, #tpu.memory_space<vmem>>, %arg3: memref<32x512xf32, #tpu.memory_space<vmem>>, %arg4: memref<128x128xf32, #tpu.memory_space<vmem>>, %arg5: memref<128x128xf32, #tpu.memory_space<vmem>>, %arg6: memref<512x128xf32, #tpu.memory_space<vmem>>) attributes {dimension_semantics = [#tpu.dimension_semantics<arbitrary>], iteration_bounds = array<i64: 20>, scalar_prefetch = 0 : i64, scratch_operands = 0 : i64, tpu.core_type = #tpu.core_type<tc>, window_params = [{transform_indices = @transform_0, window_bounds = array<i64: 512, 128>}, {transform_indices = @transform_1, window_bounds = array<i64: 2, 512, 128>}, {transform_indices = @transform_2, window_bounds = array<i64: 32, 512>}, {pipeline_mode = #tpu.pipeline_mode<synchronous>, transform_indices = @transform_3, window_bounds = array<i64: 128, 128>}, {pipeline_mode = #tpu.pipeline_mode<synchronous>, transform_indices = @transform_4, window_bounds = array<i64: 128, 128>}, {transform_indices = @transform_5, window_bounds = array<i64: 512, 128>}]} {
    %get3A = arith.constant 0 : index
    %get3A_0 = arith.constant 0 : index
    %get3A_1 = arith.constant 0 : index
    %get3A_2 = vector.load %arg2[%get3A, %get3A_0, %get3A_1] : memref<2x512x128xf32, #tpu.memory_space<vmem>>, vector<1x512x128xf32>
    %get3A_3 = vector.shape_cast %get3A_2 : vector<1x512x128xf32> to vector<512x128xf32>
    %get3A_4 = arith.constant 1 : index
    %get3A_5 = arith.constant 0 : index
    %get3A_6 = arith.constant 0 : index
    %get3A_7 = vector.load %arg2[%get3A_4, %get3A_5, %get3A_6] : memref<2x512x128xf32, #tpu.memory_space<vmem>>, vector<1x512x128xf32>
    %get3A_8 = vector.shape_cast %get3A_7 : vector<1x512x128xf32> to vector<512x128xf32>
    %add3A = arith.addf %get3A_3, %get3A_8 : vector<512x128xf32>
    %get3A_9 = arith.constant 0 : index
    %get3A_10 = arith.constant 0 : index
    %get3A_11 = vector.load %arg3[%get3A_9, %get3A_10] : memref<32x512xf32, #tpu.memory_space<vmem>>, vector<32x512xf32>
    %reduce_sum3A = arith.constant dense<0.000000e+00> : vector<512xf32>
    %reduce_sum3A_12 = vector.multi_reduction <add>, %get3A_11, %reduce_sum3A [0] : vector<32x512xf32> to vector<512xf32>
    %broadcast_in_dim3A = vector.shape_cast %reduce_sum3A_12 : vector<512xf32> to vector<512x1xf32>
    %max3A = arith.constant 1.000000e+00 : f32
    %max3A_13 = vector.broadcast %max3A : f32 to vector<512x1xf32>
    %max3A_14 = arith.maximumf %broadcast_in_dim3A, %max3A_13 : vector<512x1xf32>
    %div3A = vector.broadcast %max3A_14 : vector<512x1xf32> to vector<512x128xf32>
    %div3A_15 = arith.divf %add3A, %div3A : vector<512x128xf32>
    %get3A_16 = arith.constant 0 : index
    %get3A_17 = arith.constant 0 : index
    %get3A_18 = vector.load %arg1[%get3A_16, %get3A_17] : memref<512x128xf32, #tpu.memory_space<vmem>>, vector<512x128xf32>
    %get3A_19 = arith.constant 0 : index
    %get3A_20 = arith.constant 0 : index
    %get3A_21 = vector.load %arg4[%get3A_19, %get3A_20] : memref<128x128xf32, #tpu.memory_space<vmem>>, vector<128x128xf32>
    %dot_general3A = arith.constant dense<0.000000e+00> : vector<512x128xf32>
    %dot_general3A_22 = tpu.matmul %get3A_18, %get3A_21, %dot_general3A {dimension_numbers = #tpu.dot_dimension_numbers<[1], [0], [0], [1], [0, 0, 1, 1], [], []>, transpose_lhs_hint = false} : vector<512x128xf32>, vector<128x128xf32>, vector<512x128xf32> -> vector<512x128xf32>
    %get3A_23 = arith.constant 0 : index
    %get3A_24 = arith.constant 0 : index
    %get3A_25 = vector.load %arg5[%get3A_23, %get3A_24] : memref<128x128xf32, #tpu.memory_space<vmem>>, vector<128x128xf32>
    %dot_general3A_26 = arith.constant dense<0.000000e+00> : vector<512x128xf32>
    %dot_general3A_27 = tpu.matmul %div3A_15, %get3A_25, %dot_general3A_26 {dimension_numbers = #tpu.dot_dimension_numbers<[1], [0], [0], [1], [0, 0, 1, 1], [], []>, transpose_lhs_hint = false} : vector<512x128xf32>, vector<128x128xf32>, vector<512x128xf32> -> vector<512x128xf32>
    %add3A_28 = arith.addf %dot_general3A_22, %dot_general3A_27 : vector<512x128xf32>
    %ge3A = arith.constant 0.000000e+00 : f32
    %ge3A_29 = vector.broadcast %ge3A : f32 to vector<512x128xf32>
    %ge3A_30 = arith.cmpf oge, %add3A_28, %ge3A_29 : vector<512x128xf32>
    %mul3A = arith.constant 0.00999999977 : f32
    %mul3A_31 = vector.broadcast %mul3A : f32 to vector<512x128xf32>
    %mul3A_32 = arith.mulf %add3A_28, %mul3A_31 : vector<512x128xf32>
    %select_n3A = arith.select %ge3A_30, %add3A_28, %mul3A_32 : vector<512x128xi1>, vector<512x128xf32>
    %swap3A = arith.constant 0 : index
    %swap3A_33 = arith.constant 0 : index
    %swap3A_34 = vector.load %arg6[%swap3A, %swap3A_33] : memref<512x128xf32, #tpu.memory_space<vmem>>, vector<512x128xf32>
    tpu.vector_store %arg6[%swap3A, %swap3A_33], %select_n3A {strides = array<i32>} : memref<512x128xf32, #tpu.memory_space<vmem>>, vector<512x128xf32>,
    return
  }
  func.func @transform_0(%arg0: i32) -> (i32, i32) {
    %c0_i32 = arith.constant 0 : i32
    %c0_i32_0 = arith.constant 0 : i32
    return %arg0, %c0_i32 : i32, i32
  }
  func.func @transform_1(%arg0: i32) -> (i32, i32, i32) {
    %c0_i32 = arith.constant 0 : i32
    %c0_i32_0 = arith.constant 0 : i32
    %c0_i32_1 = arith.constant 0 : i32
    return %c0_i32, %arg0, %c0_i32_0 : i32, i32, i32
  }
  func.func @transform_2(%arg0: i32) -> (i32, i32) {
    %c0_i32 = arith.constant 0 : i32
    %c0_i32_0 = arith.constant 0 : i32
    return %c0_i32, %arg0 : i32, i32
  }
  func.func @transform_3(%arg0: i32) -> (i32, i32) {
    %c0_i32 = arith.constant 0 : i32
    %c0_i32_0 = arith.constant 0 : i32
    %c0_i32_1 = arith.constant 0 : i32
    return %c0_i32, %c0_i32_0 : i32, i32
  }
  func.func @transform_4(%arg0: i32) -> (i32, i32) {
    %c0_i32 = arith.constant 0 : i32
    %c0_i32_0 = arith.constant 0 : i32
    %c0_i32_1 = arith.constant 0 : i32
    return %c0_i32, %c0_i32_0 : i32, i32
  }
  func.func @transform_5(%arg0: i32) -> (i32, i32) {
    %c0_i32 = arith.constant 0 : i32
    %c0_i32_0 = arith.constant 0 : i32
    return %arg0, %c0_i32 : i32, i32
  }
}

</mosaic_0001>

<sc_bundles>
// kernel: kernel.6.cloned.1.call-start
scs
__scs_entry_jumppad:
0x0: {  	(pc) =	sbr.rel $0x88, $3  }
0x1: {  	(tag) =	ssettag $0x0;
	lr =	simm.s32 $0x1  }
0x2: {  	[smem:$0x3F9C] =	sst lr;
	_ =	strace $0xD0000000  }
0x3: {  	_ = 	snop  }
0x4: {  	_ = 	snop  }
0x5: {  	_ = 	snop  }
0x6: {  	_ = 	snop  }
0x7: {  	_ = 	snop  }
__scs_overlays_trampoline_lowered:
0x8: {  	[smem:$0x3FAB] =	sst s0  }
0x9: {  	[smem:$0x3FAC] =	sst s1  }
0xa: {  	[smem:$0x3FAD] =	sst s2  }
0xb: {  	[smem:$0x3FAE] =	sst s3  }
0xc: {  	[smem:$0x3FAF] =	sst s4  }
0xd: {  	[smem:$0x3FB0] =	sst s5  }
0xe: {  	[smem:$0x3FB1] =	sst s6  }
0xf: {  	[smem:$0x3FB2] =	sst s7  }
0x10: {  	[smem:$0x3FB3] =	sst s8  }
0x11: {  	[smem:$0x3FB4] =	sst s9;
	s0 =	simm.s32 @!p0 $0x0  }
0x12: {  	s1 =	sld [smem:$0x3F9A];
	s0 =	simm.s32 @p0 $0x1  }
0x13: {  	[smem:$0x3FB5] =	sst s0;
	s0 =	simm.s32 @!p1 $0x0  }
0x14: {  	s2 =	sld [smem:$0x3F99];
	s0 =	simm.s32 @p1 $0x1  }
0x15: {  	[smem:$0x3FB6] =	sst s0;
	s0 =	simm.s32 @!p2 $0x0  }
0x16: {  	s3 =	sld [smem:$0x3FDB];
	s0 =	simm.s32 @p2 $0x1  }
0x17: {  	s4 =	simm.s32 $0x1BF5;
	[smem:$0x3FB8] =	sst s0  }
0x18: {  	s0 =	sld [smem:$0x3F9B];
	_ =	swait.ge [sflag:s4], $0x0  }
0x19: {  	s7 =	sld [smem:$0x3F9C]  }
0x1a: {  	s8 =	sadd.s32 $0xFFFFE003, lr  }
0x1b: {  	s9 =	sadd.s32 $0xFFFFFEF7, lr;
	s5 =	simm.s32 $0xFFFFFFFF;
	p2 =	slt.u32 s8, $0xFFFFF086  }
0x1c: {  	p1 =	slt.u32 s9, $0xF7A;
	s5 =	simm.s32 @!p2 $0x0  }
0x1d: {  	s5 =	simm.s32 @p1 $0x1;
	p0 =	seq.s32 s7, s2  }
0x1e: {  	s7 =	smul.u32 @!p0 $0xF7A, s2;
	p2 =	seq.s32 @!p0 s5, $0x0  }
0x1f: {  	s9 =	smul.u32 $0xF7A, s1;
	s8 =	simm.s32 @!p0 $0x1BF5;
	p2 =	por !p2, p0  }
0x20: {  	[sflag:s8] =	ssyncset.s32 @!p0 $0xFFFFF086;
	s6 =	sadd.s32 @!p0 s3, s7;
	s7 =	simm.s32 @!p0 $0x108  }
0x21: {  	s3 =	sadd.s32 s3, s9;
	s6 =	sadd.s32 @!p0 $0x88, s6;
	s7 =	simm.s32 @p2 $0x1082  }
0x22: {  	[simem:s7], [sflag:s8] =	dma.local @!p0 [hbm:s6], $0xF7A  }
0x23: {  	s9 =	sor.u32 $0xD0000000, s2;
	s6 =	simm.s32 $0x108;
	_ =	swait.ge @!p0 [sflag:s8], $0x0  }
0x24: {  	s3 =	sadd.s32 $0x88, s3;
	s6 =	simm.s32 @!p1 $0x1082;
	[sflag:s4] =	ssyncset.s32 $0xFFFFF086  }
0x25: {  	[simem:s6], [sflag:s4] =	dma.local [hbm:s3], $0xF7A  }
0x26: {  	[smem:$0x3F9C] =	sst s1;
	(tag) =	ssettag s2;
	_ =	strace s9  }
0x27: {  	s1 =	sld [smem:$0x3FAC]  }
0x28: {  	s2 =	sld [smem:$0x3FAD]  }
0x29: {  	s4 =	sld [smem:$0x3FAF]  }
0x2a: {  	p0 =	seq.s32 s5, $0x0;
	s5 =	sld [smem:$0x3FB0]  }
0x2b: {  	s6 =	sld [smem:$0x3FB1]  }
0x2c: {  	s7 =	sld [smem:$0x3FB2]  }
0x2d: {  	s3 =	simm.s32 $0x108;
	s8 =	sld [smem:$0x3FB3]  }
0x2e: {  	s3 =	simm.s32 @!p0 $0x1082;
	s9 =	sld [smem:$0x3FB4]  }
0x2f: {  	lr =	sadd.s32 s0, s3;
	s0 =	sld [smem:$0x3FAB]  }
0x30: {  	s3 =	sld [smem:$0x3FAE]  }
0x31: {  	[smem:$0x3FB7] =	sst s10  }
0x32: {  	s10 =	sld [smem:$0x3FB5];
	_ =	sdelay $0x3  }
0x33: {  	p0 =	seq.s32 s10, $0x1;
	s10 =	sld [smem:$0x3FB7];
	_ =	sdelay $0x3  }
0x34: {  	[smem:$0x3FB7] =	sst s10  }
0x35: {  	s10 =	sld [smem:$0x3FB6];
	_ =	sdelay $0x3  }
0x36: {  	p1 =	seq.s32 s10, $0x1;
	s10 =	sld [smem:$0x3FB7];
	_ =	sdelay $0x3  }
0x37: {  	[smem:$0x3FB7] =	sst s10  }
0x38: {  	s10 =	sld [smem:$0x3FB8]  }
0x39: {  	_ = 	snop;
	(pc) =	sbr.ind lr, $3  }
0x3a: {  	_ = 	snop  }
0x3b: {  	_ = 	snop  }
0x3c: {  	p2 =	seq.s32 s10, $0x1;
	s10 =	sld [smem:$0x3FB7]  }
0x3d: {  	_ =	shalt  }
0x3e: {  	_ =	shalt  }
0x3f: {  	_ =	shalt  }
0x40: {  	_ =	shalt  }
0x41: {  	_ =	shalt  }
0x42: {  	_ =	shalt  }
0x43: {  	_ =	shalt  }
0x44: {  	_ =	shalt  }
0x45: {  	_ =	shalt  }
0x46: {  	_ =	shalt  }
0x47: {  	_ =	shalt  }
0x48: {  	_ =	shalt  }
0x49: {  	_ =	shalt  }
0x4a: {  	_ =	shalt  }
0x4b: {  	_ =	shalt  }
0x4c: {  	_ =	shalt  }
0x4d: {  	_ =	shalt  }
0x4e: {  	_ =	shalt  }
0x4f: {  	_ =	shalt  }
0x50: {  	_ =	shalt  }
0x51: {  	_ =	shalt  }
0x52: {  	_ =	shalt  }
0x53: {  	_ =	shalt  }
0x54: {  	_ =	shalt  }
0x55: {  	_ =	shalt  }
0x56: {  	_ =	shalt  }
0x57: {  	_ =	shalt  }
0x58: {  	_ =	shalt  }
0x59: {  	_ =	shalt  }
0x5a: {  	_ =	shalt  }
0x5b: {  	_ =	shalt  }
0x5c: {  	_ =	shalt  }
0x5d: {  	_ =	shalt  }
0x5e: {  	_ =	shalt  }
0x5f: {  	_ =	shalt  }
0x60: {  	_ =	shalt  }
0x61: {  	_ =	shalt  }
0x62: {  	_ =	shalt  }
0x63: {  	_ =	shalt  }
0x64: {  	_ =	shalt  }
0x65: {  	_ =	shalt  }
0x66: {  	_ =	shalt  }
0x67: {  	_ =	shalt  }
0x68: {  	_ =	shalt  }
0x69: {  	_ =	shalt  }
0x6a: {  	_ =	shalt  }
0x6b: {  	_ =	shalt  }
0x6c: {  	_ =	shalt  }
0x6d: {  	_ =	shalt  }
0x6e: {  	_ =	shalt  }
0x6f: {  	_ =	shalt  }
0x70: {  	_ =	shalt  }
0x71: {  	_ =	shalt  }
0x72: {  	_ =	shalt  }
0x73: {  	_ =	shalt  }
0x74: {  	_ =	shalt  }
0x75: {  	_ =	shalt  }
0x76: {  	_ =	shalt  }
0x77: {  	_ =	shalt  }
0x78: {  	_ =	shalt  }
0x79: {  	_ =	shalt  }
0x7a: {  	_ =	shalt  }
0x7b: {  	_ =	shalt  }
0x7c: {  	_ =	shalt  }
0x7d: {  	_ =	shalt  }
0x7e: {  	_ =	shalt  }
0x7f: {  	_ =	shalt  }
0x80: {  	_ =	shalt  }
0x81: {  	_ =	shalt  }
0x82: {  	_ =	shalt  }
0x83: {  	_ =	shalt  }
0x84: {  	_ =	shalt  }
0x85: {  	_ =	shalt  }
0x86: {  	_ =	shalt  }
0x87: {  	_ =	shalt  }
.Lfunc_end0:
.L_simem_size_0:
called_computation_lowered:
.L_overlay_start_0:
0x88: {  	s2 =	sld [smem:$0x3FD9]  }
0x89: {  	s3 =	sld [smem:$0x3FFE];
	_ =	sdelay $0x1  }
0x8a: {  	s1 =	srdreg.scid  }
0x8b: {  	s0 =	sand.u32 $0x1, s1  }
0x8c: {  	s17 =	sshll.u32 s0, $0xA;
	s2 =	sadd.s32 s3, s2  }
0x8d: {  	s2 =	sadd.s32 s2, s17  }
0x8e: {  	[smem:$0x3FC3] =	sst s2  }
0x8f: {  	_ = 	snop  }
0x90: {  	s2 =	sld [smem:$0x3FD0];
	(tm) =	ssettm $0x1  }
0x91: {  	s18 =	sld [smem:$0x3FFB];
	_ =	sdelay $0x3  }
0x92: {  	_ =	strace s18  }
0x93: {  	s3 =	sld [smem:$0x3FFC];
	_ =	sdelay $0x3  }
0x94: {  	_ =	strace s3  }
0x95: {  	s3 =	sld [smem:$0x3FFD];
	_ =	sdelay $0x3  }
0x96: {  	_ =	strace s3  }
0x97: {  	_ =	strace $0x8FFFFFFF  }
0x98: {  	s19 =	sld [smem:$0x3FDB];
	_ =	sdelay $0x1  }
0x99: {  	s4 =	simm.s32 $_scs_section_size  }
0x9a: {  	s5 =	simm.s32 $_size__tile_overlayer_lowered;
	s6 =	simm.s32 $_tile_overlayer_lowered  }
0x9b: {  	s22 =	simm.s32 $0x1BFF;
	s21 =	sshll.u32 s6, $0x1;
	s3 =	sadd.s32 s4, s19  }
0x9c: {  	s7 =	simm.s32 $0x0;
	s20 =	sshll.u32 s5, $0x1;
	s5 =	sadd.s32 s21, s3  }
0x9d: {  	[timem:s7], [sflag:s22] =	dma.local [hbm:s5], s20  }
0x9e: {  	_ =	swait.ge [sflag:s22], s20  }
0x9f: {  	s4 =	ssub.s32 $0x0, s20;
	[sflag:s22] =	ssyncset.done $0x0  }
0xa0: {  	[sflag:s22] =	ssyncadd.s32 s4;
	_ =	sdelay $0x1  }
0xa1: {  	s23 =	simm.s32 $0x1B8B  }
0xa2: {  	_ =	swait.ge [sflag:s23], $0x1  }
0xa3: {  	[sflag:s23] =	ssyncset.done $0x0  }
0xa4: {  	s25 =	simm.s32 $0x1B8E;
	s24 =	sld [smem:$0x3FFE];
	[sflag:s23] =	ssyncadd.s32 $0xFFFFFFFF  }
0xa5: {  	s26 =	simm.s32 $execute0_lowered;
	[smem:$0x3FD2] =	sst s25  }
0xa6: {  	s5 =	sshll.u32 s26, $0x1;
	_ =	strace $0x80000046;
	[dreg:$0x1] =	wrdreg $0xFFFFFFFF  }
0xa7: {  	s28 =	simm.s32 $_size_execute0_lowered;
	s3 =	sadd.s32 s3, s5;
	[dreg:$0x0] =	wrdreg $0x0  }
0xa8: {  	s5 =	sshll.u32 s28, $0x1;
	[dreg:$0x2] =	wrdreg s3  }
0xa9: {  	[dreg:$0x3] =	wrdreg s5  }
0xaa: {  	[dreg:$0x4] =	wrdreg $0xC0  }
0xab: {  	_ =	task [dreg:s7], $0x5FFFF  }
0xac: {  	[dreg:$0x1] =	wrdreg $0xFFFFFFFF  }
0xad: {  	[dreg:$0x0] =	wrdreg $0x60  }
0xae: {  	[dreg:$0x2] =	wrdreg s24  }
0xaf: {  	[dreg:$0x3] =	wrdreg s2  }
0xb0: {  	[dreg:$0x4] =	wrdreg $0xA2000  }
0xb1: {  	[dreg:$0x5] =	wrdreg $0x9  }
0xb2: {  	_ =	task.clear_ibuf [dreg:s7], $0x6FFFF;
	_ =	strace $0x90000046  }
0xb3: {  	s29 =	simm.s32 $0x9;
	_ =	strace $0x80000048  }
0xb4: {  	_ =	swait.ge [sflag:s29], $0x1  }
0xb5: {  	[sflag:s29] =	ssyncadd.s32 $0xFFFFFFFF  }
0xb6: {  	_ =	strace $0x90000048  }
0xb7: {  	_ =	sfence  }
0xb8: {  	s30 =	sld [smem:$0x0];
	_ =	sdelay $0x2  }
0xb9: {  	s31 =	sshll.u32 s1, $0xD;
	s1 =	sshrl.u32 s1, $0x2  }
0xba: {  	s3 =	sand.u32 $0x4000, s31;
	s1 =	sadd.s32 s1, s30  }
0xbb: {  	s0 =	sor.u32 s3, s0;
	s1 =	sshll.u32 s1, $0x11  }
0xbc: {  	s0 =	sor.u32 s1, s0  }
0xbd: {  	s0 =	sadd.s32 $0x8F2B, s0  }
0xbe: {  	[sflag:s0] =	ssyncadd.remote.s32 $0x1  }
0xbf: {  	_ =	sfence.sel $0xFFFF  }
0xc0: {  	[dreg:$0x0] =	wrdreg $0xFFFFFFFF;
	(pc) =	sbr.abs _section_cstart, $3  }
0xc1: {  	[dreg:$0x1] =	wrdreg $0xFFFFFFFF  }
0xc2: {  	_ =	task.clear_ibuf [dreg:s7], $0x2FFFF;
	_ =	strace $0x9FFFFFFF  }
0xc3: {  	(tm) =	ssettm $0x7FFFFFFF  }
tec
execute0_lowered:
.L_overlay_start_1:
0x0: {  	(tag) =	ssettag $0x1  }
0x1: {  	s0 =	rddreg [dreg:$0x0]  }
0x2: {  	s1 =	rddreg [dreg:$0x1]  }
0x3: {  	s2 =	rddreg [dreg:$0x2];
	s3 =	simm.s32 $0x0  }
0x4: {  	s4 =	srdreg.scid;
	s22 =	stileid.u32;
	s29 =	simm.s32 $0x7A00  }
0x5: {  	s31 =	simm.s32 $0x5;
	s30 =	simm.s32 $0x0;
	[smem:$0x7FF] =	sst s3  }
0x6: {  	s5 =	sadd.s32 $0xB400, s0;
	s4 =	sand.u32 $0x1, s4;
	s9 =	smul.u32 $0x14000, s22  }
0x7: {  	s10 =	sadd.s32 $0x46400, s0;
	_ =	strace $0x80000047;
	s6 =	sshll.u32 s4, $0x4  }
0x8: {  	s7 =	ssub.s32 $0x2, s4;
	s4 =	smul.u32 $0x140000, s4;
	s6 =	sor.u32 s22, s6  }
0x9: {  	s8 =	sshrl.u32 s7, $0x1;
	s12 =	sadd.s32 $0x5000, s9;
	s13 =	sadd.s32 $0x7800, s9  }
0xa: {  	s17 =	sadd.s32 $0xA000, s9;
	s18 =	sadd.s32 $0xC800, s9;
	s19 =	sadd.s32 $0xF000, s9  }
0xb: {  	s21 =	sadd.s32 $0x11800, s9;
	s11 =	smul.u32 $0x500, s6;
	s7 =	ssub.s32 s7, s8  }
0xc: {  	s8 =	sor.u32 $0x2800, s9;
	s14 =	sadd.s32 s4, s9;
	s16 =	sadd.s32 s4, s12  }
0xd: {  	s20 =	sadd.s32 s4, s13;
	s23 =	sadd.s32 s4, s17;
	s12 =	sadd.s32 s12, s2  }
0xe: {  	s13 =	sadd.s32 s13, s2;
	s15 =	sadd.s32 s4, s8;
	s25 =	sshrl.u32 s14, $0x3  }
0xf: {  	s24 =	sshrl.u32 s20, $0x3;
	s14 =	sadd.s32 s4, s18;
	[dreg:$0x17] =	wrdreg s12  }
0x10: {  	s20 =	smul.u32 $0x27100, s6;
	[dreg:$0x18] =	wrdreg s13;
	s12 =	simm.s32 $0x6  }
0x11: {  	s13 =	simm.s32 $0x80;
	s26 =	sshrl.u32 s15, $0x3;
	s9 =	sadd.s32 s10, s25  }
0x12: {  	s25 =	sshrl.u32 s23, $0x3;
	[dreg:$0x4] =	wrdreg s9;
	s15 =	sadd.s32 s10, s26  }
0x13: {  	s9 =	sshrl.u32 s16, $0x3;
	s26 =	sadd.s32 s10, s25;
	[dreg:$0x5] =	wrdreg s15  }
0x14: {  	s9 =	sadd.s32 s10, s9;
	[dreg:$0x8] =	wrdreg s26;
	s15 =	sadd.s32 s4, s19  }
0x15: {  	s4 =	sadd.s32 s4, s21;
	[dreg:$0x6] =	wrdreg s9;
	s9 =	sadd.s32 s10, s24  }
0x16: {  	s16 =	sshrl.u32 s15, $0x3;
	s4 =	sshrl.u32 s4, $0x3;
	s15 =	sadd.s32 $0x15200, s0  }
0x17: {  	[dreg:$0x7] =	wrdreg s9;
	s9 =	sshrl.u32 s14, $0x3;
	s4 =	sadd.s32 s10, s4  }
0x18: {  	s14 =	sadd.s32 $0x1600, s0;
	s9 =	sadd.s32 s10, s9;
	[dreg:$0xb] =	wrdreg s4  }
0x19: {  	s4 =	smul.u32 $0x2710, s6;
	[dreg:$0x9] =	wrdreg s9;
	s9 =	sadd.s32 s10, s16  }
0x1a: {  	s16 =	sadd.s32 $0x4F7200, s0;
	[dreg:$0xa] =	wrdreg s9;
	s9 =	sadd.s32 s11, s0  }
0x1b: {  	s23 =	sshrl.u32 s4, $0x3;
	s25 =	sadd.s32 $0x50, s4;
	s0 =	sadd.s32 s16, s20  }
0x1c: {  	s20 =	sadd.s32 $0xA0, s4;
	s24 =	sadd.s32 s5, s23;
	[dreg:$0xe] =	wrdreg s0  }
0x1d: {  	s28 =	sadd.s32 $0x140, s4;
	s6 =	sadd.s32 s14, s23;
	[dreg:$0xc] =	wrdreg s24  }
0x1e: {  	s26 =	sshrl.u32 s25, $0x3;
	s9 =	sadd.s32 $0x3C400, s9;
	[dreg:$0xd] =	wrdreg s6  }
0x1f: {  	s23 =	sshrl.u32 s20, $0x3;
	s11 =	sadd.s32 s5, s26;
	[dreg:$0x14] =	wrdreg s9  }
0x20: {  	s0 =	sadd.s32 s14, s26;
	s6 =	sshll.u32 s25, $0x4;
	[dreg:$0xf] =	wrdreg s11  }
0x21: {  	s24 =	sadd.s32 s5, s23;
	s25 =	smul.u32 $0x50000, s22;
	[dreg:$0x10] =	wrdreg s0  }
0x22: {  	s26 =	sadd.s32 $0xF0, s4;
	s22 =	sadd.s32 s17, s2;
	[dreg:$0x11] =	wrdreg s24  }
0x23: {  	s17 =	simm.s32 $0x50;
	s0 =	sadd.s32 s14, s23;
	[dreg:$0x19] =	wrdreg s22  }
0x24: {  	s6 =	sadd.s32 s16, s6;
	s11 =	smax.u32 s7, $0x1;
	[dreg:$0x12] =	wrdreg s0  }
0x25: {  	s7 =	sadd.s32 s8, s2;
	s23 =	sadd.s32 s18, s2;
	[dreg:$0x13] =	wrdreg s6  }
0x26: {  	s24 =	sadd.s32 s19, s2;
	s18 =	simm.s32 $0x2A00;
	[dreg:$0x15] =	wrdreg s11  }
.Ltmp0:
0x27: {  	s19 =	simm.s32 $0x5200;
	[dreg:$0x1a] =	wrdreg s23;
	(pc) =	sbr.rel .LBB2_1-.Ltmp0, $4  }
0x28: {  	s22 =	simm.s32 $0x180;
	s10 =	sshrl.u32 s25, $0x2;
	[dreg:$0x1b] =	wrdreg s24  }
0x29: {  	s25 =	sadd.s32 s21, s2;
	s11 =	simm.s32 $0x200;
	s23 =	simm.s32 $0x2  }
0x2a: {  	s24 =	simm.s32 $0x3;
	s21 =	simm.s32 $0x1;
	[dreg:$0x16] =	wrdreg s7  }
0x2b: {  	v0 =	vimm.f32 $0.0e+00;
	v1 =	vimm.f32 $1.000000000e+00;
	s6 =	sadd.s32 s10, s2;
	[dreg:$0x1c] =	wrdreg s25;
	s25 =	simm.s32 $0x4  }
.LBB2_14:
0x2c: {  	[bflag:$0x0] =	sbarrier.arrive $0xFFFF  }
0x2d: {  	[tilespmem:s11], [sflag:$0x6] =	stream.linear.gather [spmem:s10], $0x2800, $0x38;
	[tilespmem:$0x1E200] =	vst v63  }
0x2e: {  	_ =	swait.ge [sflag:s12], $0x2800  }
0x2f: {  	[sflag:s12] =	ssyncset.done $0x0  }
0x30: {  	s0 =	rddreg [dreg:$0x4];
	[sflag:s12] =	ssyncadd.s32 $0xFFFFD800  }
0x31: {  	[hbm4b:s0+s3] =	stream.linear.scatter [tilespmem:s11], [sflag:$0x6], $0x2800, $0x38;
	[tilespmem:$0x1E200] =	vst v63  }
0x32: {  	_ =	swait.ge [sflag:s12], $0x2800  }
0x33: {  	[sflag:s12] =	ssyncset.done $0x0  }
0x34: {  	s7 =	rddreg [dreg:$0x16];
	[sflag:s12] =	ssyncadd.s32 $0xFFFFD800  }
0x35: {  	[tilespmem:s11], [sflag:$0x6] =	stream.linear.gather [spmem:s7], $0x2800, $0x38;
	[tilespmem:$0x1E200] =	vst v63  }
0x36: {  	_ =	swait.ge [sflag:s12], $0x2800  }
0x37: {  	[sflag:s12] =	ssyncset.done $0x0  }
0x38: {  	s8 =	rddreg [dreg:$0x5];
	[sflag:s12] =	ssyncadd.s32 $0xFFFFD800  }
0x39: {  	[hbm4b:s8+s3] =	stream.linear.scatter [tilespmem:s11], [sflag:$0x6], $0x2800, $0x38;
	[tilespmem:$0x1E200] =	vst v63  }
0x3a: {  	_ =	swait.ge [sflag:s12], $0x2800  }
0x3b: {  	[sflag:s12] =	ssyncset.done $0x0  }
0x3c: {  	s9 =	rddreg [dreg:$0x17];
	[sflag:s12] =	ssyncadd.s32 $0xFFFFD800  }
0x3d: {  	[tilespmem:s11], [sflag:$0x6] =	stream.linear.gather [spmem:s9], $0x2800, $0x38;
	[tilespmem:$0x1E200] =	vst v63  }
0x3e: {  	_ =	swait.ge [sflag:s12], $0x2800  }
0x3f: {  	[sflag:s12] =	ssyncset.done $0x0  }
0x40: {  	s6 =	smov.u32 s10;
	s10 =	rddreg [dreg:$0x6];
	[sflag:s12] =	ssyncadd.s32 $0xFFFFD800  }
0x41: {  	[hbm4b:s10+s3] =	stream.linear.scatter [tilespmem:s11], [sflag:$0x6], $0x2800, $0x38;
	[tilespmem:$0x1E200] =	vst v63  }
0x42: {  	_ =	swait.ge [sflag:s12], $0x2800  }
0x43: {  	[sflag:s12] =	ssyncset.done $0x0  }
0x44: {  	s4 =	rddreg [dreg:$0x18];
	[sflag:s12] =	ssyncadd.s32 $0xFFFFD800  }
0x45: {  	[tilespmem:s11], [sflag:$0x6] =	stream.linear.gather [spmem:s4], $0x2800, $0x38;
	[tilespmem:$0x1E200] =	vst v63  }
0x46: {  	_ =	swait.ge [sflag:s12], $0x2800  }
0x47: {  	[sflag:s12] =	ssyncset.done $0x0  }
0x48: {  	s8 =	rddreg [dreg:$0x7];
	[sflag:s12] =	ssyncadd.s32 $0xFFFFD800  }
0x49: {  	[hbm4b:s8+s3] =	stream.linear.scatter [tilespmem:s11], [sflag:$0x6], $0x2800, $0x38;
	[tilespmem:$0x1E200] =	vst v63  }
0x4a: {  	_ =	swait.ge [sflag:s12], $0x2800  }
0x4b: {  	[sflag:s12] =	ssyncset.done $0x0  }
0x4c: {  	s9 =	rddreg [dreg:$0x19];
	[sflag:s12] =	ssyncadd.s32 $0xFFFFD800  }
0x4d: {  	[tilespmem:s11], [sflag:$0x6] =	stream.linear.gather [spmem:s9], $0x2800, $0x38;
	[tilespmem:$0x1E200] =	vst v63  }
0x4e: {  	_ =	swait.ge [sflag:s12], $0x2800  }
0x4f: {  	[sflag:s12] =	ssyncset.done $0x0  }
0x50: {  	s10 =	rddreg [dreg:$0x8];
	[sflag:s12] =	ssyncadd.s32 $0xFFFFD800  }
0x51: {  	[hbm4b:s10+s3] =	stream.linear.scatter [tilespmem:s11], [sflag:$0x6], $0x2800, $0x38;
	[tilespmem:$0x1E200] =	vst v63  }
0x52: {  	_ =	swait.ge [sflag:s12], $0x2800  }
0x53: {  	[sflag:s12] =	ssyncset.done $0x0  }
0x54: {  	s4 =	rddreg [dreg:$0x1a];
	[sflag:s12] =	ssyncadd.s32 $0xFFFFD800  }
0x55: {  	[tilespmem:s11], [sflag:$0x6] =	stream.linear.gather [spmem:s4], $0x2800, $0x38;
	[tilespmem:$0x1E200] =	vst v63  }
0x56: {  	_ =	swait.ge [sflag:s12], $0x2800  }
0x57: {  	[sflag:s12] =	ssyncset.done $0x0  }
0x58: {  	s8 =	rddreg [dreg:$0x9];
	[sflag:s12] =	ssyncadd.s32 $0xFFFFD800  }
0x59: {  	[hbm4b:s8+s3] =	stream.linear.scatter [tilespmem:s11], [sflag:$0x6], $0x2800, $0x38;
	[tilespmem:$0x1E200] =	vst v63  }
0x5a: {  	_ =	swait.ge [sflag:s12], $0x2800  }
0x5b: {  	[sflag:s12] =	ssyncset.done $0x0  }
0x5c: {  	s9 =	rddreg [dreg:$0x1b];
	[sflag:s12] =	ssyncadd.s32 $0xFFFFD800  }
0x5d: {  	[tilespmem:s11], [sflag:$0x6] =	stream.linear.gather [spmem:s9], $0x2800, $0x38;
	[tilespmem:$0x1E200] =	vst v63  }
0x5e: {  	_ =	swait.ge [sflag:s12], $0x2800  }
0x5f: {  	[sflag:s12] =	ssyncset.done $0x0  }
0x60: {  	s10 =	rddreg [dreg:$0xa];
	[sflag:s12] =	ssyncadd.s32 $0xFFFFD800  }
0x61: {  	[hbm4b:s10+s3] =	stream.linear.scatter [tilespmem:s11], [sflag:$0x6], $0x2800, $0x38;
	[tilespmem:$0x1E200] =	vst v63  }
0x62: {  	_ =	swait.ge [sflag:s12], $0x2800  }
0x63: {  	[sflag:s12] =	ssyncset.done $0x0  }
0x64: {  	s4 =	rddreg [dreg:$0x1c];
	[sflag:s12] =	ssyncadd.s32 $0xFFFFD800  }
0x65: {  	[tilespmem:s11], [sflag:$0x6] =	stream.linear.gather [spmem:s4], $0x2800, $0x38;
	[tilespmem:$0x1E200] =	vst v63  }
0x66: {  	_ =	swait.ge [sflag:s12], $0x2800  }
0x67: {  	[sflag:s12] =	ssyncset.done $0x0  }
0x68: {  	s8 =	rddreg [dreg:$0xb];
	[sflag:s12] =	ssyncadd.s32 $0xFFFFD800  }
0x69: {  	[hbm4b:s8+s3] =	stream.linear.scatter [tilespmem:s11], [sflag:$0x6], $0x2800, $0x38;
	[tilespmem:$0x1E200] =	vst v63  }
0x6a: {  	_ =	swait.ge [sflag:s12], $0x2800  }
0x6b: {  	[sflag:s12] =	ssyncset.done $0x0  }
0x6c: {  	s9 =	rddreg [dreg:$0x14];
	[sflag:s12] =	ssyncadd.s32 $0xFFFFD800  }
0x6d: {  	[hbm4b:s9+s3] =	stream.linear.scatter [tilespmem:s29], [sflag:$0x6], $0x2800, $0x38;
	[tilespmem:$0x1E200] =	vst v63  }
0x6e: {  	_ =	swait.ge [sflag:s12], $0x2800  }
0x6f: {  	s30 =	sadd.s32 $0x1, s30;
	s10 =	rddreg [dreg:$0x15]  }
0x70: {  	p0 =	sne.s32 s30, s10  }
.Ltmp1:
0x71: {  	_ = 	snop;
	(pc) =	sbr.rel @!p0 .LBB2_15-.Ltmp1, $3  }
0x72: {  	_ =	sdelay $0x1  }
0x73: {  	[sflag:s12] =	ssyncset.done $0x0  }
0x74: {  	[sflag:s12] =	ssyncadd.s32 $0xFFFFD800  }
.LBB2_1:
0x75: {  	s0 =	simm.s32 $0x0;
	s4 =	simm.s32 $0x200  }
.LBB2_2:
0x76: {  	p0 =	sne.s32 s4, $0x9E00;
	[tilespmem:s0+$0x7A70] =	vst v0  }
0x77: {  	[tilespmem:s0+$0x7A00] =	vst v0  }
0x78: {  	[tilespmem:s0+$0x7A10] =	vst v0  }
.Ltmp2:
0x79: {  	[tilespmem:s0+$0x7A20] =	vst v0;
	(pc) =	sbr.rel @p0 .LBB2_2-.Ltmp2, $4  }
0x7a: {  	[tilespmem:s0+$0x7A30] =	vst v0  }
0x7b: {  	[tilespmem:s0+$0x7A40] =	vst v0  }
0x7c: {  	[tilespmem:s0+$0x7A50] =	vst v0  }
0x7d: {  	[tilespmem:s0+$0x7A60] =	vst v0;
	s0 =	sshra.s32 s4, $0x2;
	s4 =	sadd.s32 $0x200, s4  }
0x7e: {  	[tilespmem:s0+$0x7A70] =	vst v0  }
0x7f: {  	[tilespmem:s0+$0x7A00] =	vst v0  }
0x80: {  	[tilespmem:s0+$0x7A10] =	vst v0  }
0x81: {  	[tilespmem:s0+$0x7A20] =	vst v0  }
0x82: {  	[tilespmem:s0+$0x7A30] =	vst v0  }
0x83: {  	[tilespmem:s0+$0x7A40] =	vst v0  }
0x84: {  	[tilespmem:s0+$0x7A50] =	vst v0  }
0x85: {  	[tilespmem:s0+$0x7A60] =	vst v0;
	s0 =	simm.s32 $0x0;
	s4 =	simm.s32 $0x200  }
.LBB2_4:
0x86: {  	p0 =	sne.s32 s4, $0x9E00;
	[tilespmem:s0+$0x270] =	vst v0  }
0x87: {  	[tilespmem:s0+$0x200] =	vst v0  }
0x88: {  	[tilespmem:s0+$0x210] =	vst v0  }
.Ltmp3:
0x89: {  	[tilespmem:s0+$0x220] =	vst v0;
	(pc) =	sbr.rel @p0 .LBB2_4-.Ltmp3, $4  }
0x8a: {  	[tilespmem:s0+$0x230] =	vst v0  }
0x8b: {  	[tilespmem:s0+$0x240] =	vst v0  }
0x8c: {  	[tilespmem:s0+$0x250] =	vst v0  }
0x8d: {  	[tilespmem:s0+$0x260] =	vst v0;
	s0 =	sshra.s32 s4, $0x2;
	s4 =	sadd.s32 $0x200, s4  }
0x8e: {  	[tilespmem:s0+$0x270] =	vst v0  }
0x8f: {  	[tilespmem:s0+$0x200] =	vst v0  }
0x90: {  	[tilespmem:s0+$0x210] =	vst v0  }
0x91: {  	[tilespmem:s0+$0x220] =	vst v0  }
0x92: {  	[tilespmem:s0+$0x230] =	vst v0  }
0x93: {  	[tilespmem:s0+$0x240] =	vst v0  }
0x94: {  	[tilespmem:s0+$0x250] =	vst v0  }
0x95: {  	[tilespmem:s0+$0x260] =	vst v0  }
0x96: {  	[spmem:s6] =	stream.linear.scatter [tilespmem:s11], [sflag:$0x6], $0x2800, $0x38;
	[tilespmem:$0x1E200] =	vst v63  }
0x97: {  	_ =	swait.ge [sflag:s12], $0x2800  }
0x98: {  	[sflag:s12] =	ssyncset.done $0x0  }
0x99: {  	[sflag:s12] =	ssyncadd.s32 $0xFFFFD800  }
0x9a: {  	[spmem:s7] =	stream.linear.scatter [tilespmem:s11], [sflag:$0x6], $0x2800, $0x38;
	[tilespmem:$0x1E200] =	vst v63  }
0x9b: {  	_ =	swait.ge [sflag:s12], $0x2800  }
0x9c: {  	[sflag:s12] =	ssyncset.done $0x0  }
0x9d: {  	s9 =	rddreg [dreg:$0x17];
	[sflag:s12] =	ssyncadd.s32 $0xFFFFD800  }
0x9e: {  	[spmem:s9] =	stream.linear.scatter [tilespmem:s11], [sflag:$0x6], $0x2800, $0x38;
	[tilespmem:$0x1E200] =	vst v63  }
0x9f: {  	_ =	swait.ge [sflag:s12], $0x2800  }
0xa0: {  	[sflag:s12] =	ssyncset.done $0x0  }
0xa1: {  	s4 =	rddreg [dreg:$0x18];
	[sflag:s12] =	ssyncadd.s32 $0xFFFFD800  }
0xa2: {  	[spmem:s4] =	stream.linear.scatter [tilespmem:s11], [sflag:$0x6], $0x2800, $0x38;
	[tilespmem:$0x1E200] =	vst v63  }
0xa3: {  	_ =	swait.ge [sflag:s12], $0x2800  }
0xa4: {  	[sflag:s12] =	ssyncset.done $0x0  }
0xa5: {  	s10 =	smov.u32 s6;
	s6 =	rddreg [dreg:$0x19];
	[sflag:s12] =	ssyncadd.s32 $0xFFFFD800  }
0xa6: {  	[spmem:s6] =	stream.linear.scatter [tilespmem:s11], [sflag:$0x6], $0x2800, $0x38;
	[tilespmem:$0x1E200] =	vst v63  }
0xa7: {  	_ =	swait.ge [sflag:s12], $0x2800  }
0xa8: {  	[sflag:s12] =	ssyncset.done $0x0  }
0xa9: {  	s7 =	rddreg [dreg:$0x1a];
	[sflag:s12] =	ssyncadd.s32 $0xFFFFD800  }
0xaa: {  	[spmem:s7] =	stream.linear.scatter [tilespmem:s11], [sflag:$0x6], $0x2800, $0x38;
	[tilespmem:$0x1E200] =	vst v63  }
0xab: {  	_ =	swait.ge [sflag:s12], $0x2800  }
0xac: {  	[sflag:s12] =	ssyncset.done $0x0  }
0xad: {  	s8 =	rddreg [dreg:$0x1b];
	[sflag:s12] =	ssyncadd.s32 $0xFFFFD800  }
0xae: {  	[spmem:s8] =	stream.linear.scatter [tilespmem:s11], [sflag:$0x6], $0x2800, $0x38;
	[tilespmem:$0x1E200] =	vst v63  }
0xaf: {  	_ =	swait.ge [sflag:s12], $0x2800  }
0xb0: {  	[sflag:s12] =	ssyncset.done $0x0  }
0xb1: {  	s9 =	rddreg [dreg:$0x1c];
	[sflag:s12] =	ssyncadd.s32 $0xFFFFD800  }
0xb2: {  	[spmem:s9] =	stream.linear.scatter [tilespmem:s11], [sflag:$0x6], $0x2800, $0x38;
	[tilespmem:$0x1E200] =	vst v63  }
0xb3: {  	_ =	swait.ge [sflag:s12], $0x2800  }
0xb4: {  	[sflag:s12] =	ssyncset.done $0x0  }
0xb5: {  	[sflag:s12] =	ssyncadd.s32 $0xFFFFD800  }
0xb6: {  	[bflag:$0x0] =	sbarrier.arrive $0xFFFF  }
0xb7: {  	s4 =	rddreg [dreg:$0xc]  }
0xb8: {  	[tilespmem:s3], [sflag:$0x6] =	stream.linear.gather [hbm4b:s4+s3], $0x50, $0x38;
	[tilespmem:$0x1E200] =	vst v63  }
0xb9: {  	_ =	swait.ge [sflag:s12], $0x50  }
0xba: {  	[sflag:s12] =	ssyncset.done $0x0  }
0xbb: {  	s6 =	rddreg [dreg:$0xd];
	[sflag:s12] =	ssyncadd.s32 $0xFFFFFFB0  }
0xbc: {  	[tilespmem:s13], [sflag:$0x6] =	stream.linear.gather [hbm4b:s6+s3], $0x50, $0x38;
	[tilespmem:$0x1E200] =	vst v63  }
0xbd: {  	_ =	swait.ge [sflag:s12], $0x50  }
0xbe: {  	[sflag:s12] =	ssyncset.done $0x0  }
0xbf: {  	[sflag:s12] =	ssyncadd.s32 $0xFFFFFFB0  }
0xc0: {  	[tilespmem:s11], [sflag:$0x2] =	stream.indirect.gather [hbm4b:s1+s17], $0x80, s3, s17, $0xb8;
	[tilespmem:$0x1E200] =	vst v63  }
0xc1: {  	_ = 	snop  }
0xc2: {  	[tilespmem:s18], [sflag:$0x3] =	stream.indirect.gather [hbm4b:s15+s17], $0x80, s13, s17, $0xb8;
	[tilespmem:$0x1E200] =	vst v63  }
0xc3: {  	s7 =	rddreg [dreg:$0xe]  }
0xc4: {  	[tilespmem:s19], [sflag:$0x4] =	stream.linear.gather [hbm4b:s7+s3], $0x2800, $0x38;
	[tilespmem:$0x1E200] =	vst v63  }
0xc5: {  	s4 =	simm.s32 $0x100;
	s8 =	rddreg [dreg:$0xf]  }
0xc6: {  	[tilespmem:s4], [sflag:$0x1] =	stream.linear.gather [hbm4b:s8+s3], $0x50, $0x38;
	[tilespmem:$0x1E200] =	vst v63  }
0xc7: {  	s9 =	rddreg [dreg:$0x10]  }
0xc8: {  	[tilespmem:s22], [sflag:$0x1] =	stream.linear.gather [hbm4b:s9+s3], $0x50, $0x38;
	[tilespmem:$0x1E200] =	vst v63  }
0xc9: {  	_ =	swait.ge [sflag:s23], $0x2800  }
0xca: {  	[sflag:s23] =	ssyncset.done $0x0  }
0xcb: {  	[sflag:s23] =	ssyncadd.s32 $0xFFFFD800  }
0xcc: {  	_ =	swait.ge [sflag:s24], $0x2800  }
0xcd: {  	[sflag:s24] =	ssyncset.done $0x0  }
0xce: {  	[sflag:s24] =	ssyncadd.s32 $0xFFFFD800  }
0xcf: {  	_ =	swait.ge [sflag:s25], $0x2800  }
0xd0: {  	[sflag:s25] =	ssyncset.done $0x0  }
0xd1: {  	[sflag:s25] =	ssyncadd.s32 $0xFFFFD800  }
0xd2: {  	_ =	swait.ge [sflag:s21], $0x50  }
0xd3: {  	[sflag:s21] =	ssyncset.done $0x0  }
0xd4: {  	[sflag:s21] =	ssyncadd.s32 $0xFFFFFFB0  }
0xd5: {  	_ =	swait.ge [sflag:s21], $0x50  }
0xd6: {  	[sflag:s21] =	ssyncset.done $0x0  }
0xd7: {  	s0 =	simm.s32 $0xF0;
	[sflag:s21] =	ssyncadd.s32 $0xFFFFFFB0  }
0xd8: {  	v2 =	vld [tilespmem:s0+$0x110]  }
0xd9: {  	v3 =	vld [tilespmem:s0+$0x2910]  }
0xda: {  	v4 =	vld [tilespmem:s0+$0x120]  }
0xdb: {  	v5 =	vld [tilespmem:s0+$0x2920]  }
0xdc: {  	v6 =	vld [tilespmem:s0+$0x130]  }
0xdd: {  	v7 =	vld [tilespmem:s0+$0x2930]  }
0xde: {  	v8 =	vld [tilespmem:s0+$0x140]  }
0xdf: {  	v9 =	vld [tilespmem:s0+$0x2940]  }
0xe0: {  	v10 =	vld [tilespmem:s0+$0x150]  }
0xe1: {  	v11 =	vld [tilespmem:s0+$0x2950]  }
0xe2: {  	v12 =	vld [tilespmem:s0+$0x160]  }
0xe3: {  	v13 =	vld [tilespmem:s0+$0x2960]  }
0xe4: {  	v14 =	vld [tilespmem:s0+$0x170]  }
0xe5: {  	v15 =	vld [tilespmem:s0+$0x2970]  }
0xe6: {  	v16 =	vld [tilespmem:s0+$0x180]  }
0xe7: {  	v17 =	vld [tilespmem:s0+$0x2980]  }
0xe8: {  	v18 =	vld [tilespmem:s0+$0x190]  }
0xe9: {  	v19 =	vld [tilespmem:s0+$0x2990]  }
0xea: {  	v20 =	vld [tilespmem:s0+$0x1A0]  }
0xeb: {  	v21 =	vld [tilespmem:s0+$0x29A0]  }
0xec: {  	v22 =	vld [tilespmem:s0+$0x1B0]  }
0xed: {  	v23 =	vld [tilespmem:s0+$0x29B0]  }
0xee: {  	v24 =	vld [tilespmem:s0+$0x1C0]  }
0xef: {  	v25 =	vld [tilespmem:s0+$0x29C0]  }
0xf0: {  	v26 =	vld [tilespmem:s0+$0x1D0]  }
0xf1: {  	v27 =	vld [tilespmem:s0+$0x29D0]  }
0xf2: {  	v28 =	vld [tilespmem:s0+$0x1E0]  }
0xf3: {  	v29 =	vld [tilespmem:s0+$0x29E0]  }
0xf4: {  	v30 =	vld [tilespmem:s0+$0x1F0]  }
0xf5: {  	v31 =	vld [tilespmem:s0+$0x29F0]  }
0xf6: {  	v34 =	vld [tilespmem:s0+$0x5110]  }
0xf7: {  	v35 =	vld [tilespmem:s0+$0x5120];
	v2 =	vadd.f32 v3, v2  }
0xf8: {  	v37 =	vld [tilespmem:s0+$0x5140];
	v3 =	vadd.f32 v5, v4;
	v6 =	vadd.f32 v7, v6  }
0xf9: {  	v39 =	vld [tilespmem:s0+$0x5150];
	v36 =	vadd.f32 v9, v8;
	v38 =	vadd.f32 v11, v10  }
0xfa: {  	v4 =	vld [tilespmem:s0+$0x5130];
	v13 =	vadd.f32 v13, v12;
	v14 =	vadd.f32 v15, v14  }
0xfb: {  	v32 =	vld [tilespmem:s0+$0x200];
	v62 =	vadd.f32 v17, v16;
	v9 =	vadd.f32 v19, v18  }
0xfc: {  	v16 =	vld [tilespmem:s0+$0x5170];
	v8 =	vadd.f32 v21, v20;
	v2 =	vadd.f32 v34, v2  }
0xfd: {  	v15 =	vld [tilespmem:s0+$0x5160];
	v7 =	vadd.f32 v23, v22;
	v3 =	vadd.f32 v35, v3  }
0xfe: {  	v33 =	vld [tilespmem:s0+$0x2A00];
	v5 =	vadd.f32 v25, v24;
	v19 =	vadd.f32 v37, v36;
	v11 =	vmul.f32 $9.999999770e-03, v2  }
0xff: {  	v63 =	vld [tilespmem:s0+$0x5180];
	v18 =	vadd.f32 v39, v38;
	v12 =	vmul.f32 $9.999999770e-03, v3;
	v4 =	vadd.f32 v4, v6  }
0x100: {  	v10 =	vld [tilespmem:s0+$0x5190];
	v21 =	vmul.f32 $9.999999770e-03, v19;
	v6 =	vadd.f32 v27, v26;
	v17 =	vmax.f32 v2, v11  }
0x101: {  	v16 =	vadd.f32 v16, v14;
	v11 =	vld [tilespmem:s0+$0x51A0];
	[tilespmem:s0+$0x5110] =	vst v17;
	v20 =	vmul.f32 $9.999999770e-03, v4;
	v17 =	vmax.f32 v3, v12  }
0x102: {  	v2 =	vadd.f32 v29, v28;
	v21 =	vmax.f32 v19, v21;
	v12 =	vld [tilespmem:s0+$0x51B0];
	[tilespmem:s0+$0x5120] =	vst v17;
	v17 =	vadd.f32 v15, v13  }
0x103: {  	v3 =	vadd.f32 v31, v30;
	v13 =	vld [tilespmem:s0+$0x51C0];
	v15 =	vmax.f32 v4, v20;
	v20 =	vmul.f32 $9.999999770e-03, v18  }
0x104: {  	s4 =	simm.s32 $0x7C0;
	v14 =	vld [tilespmem:s0+$0x51D0];
	v4 =	vadd.f32 v33, v32;
	[tilespmem:s0+$0x5130] =	vst v15;
	v19 =	vmul.f32 $9.999999770e-03, v17;
	v15 =	vadd.f32 v63, v62  }
.LBB2_6:
0x105: {  	p0 =	sne.s32 s4, $0x9FC0;
	[tilespmem:s0+$0x5140] =	vst v21;
	v18 =	vmax.f32 v18, v20;
	v20 =	vmul.f32 $9.999999770e-03, v16;
	v9 =	vadd.f32 v10, v9;
	v10 =	vld [tilespmem:s0+$0x51E0]  }
0x106: {  	[tilespmem:s0+$0x5150] =	vst v18;
	v17 =	vmax.f32 v17, v19;
	v18 =	vmul.f32 $9.999999770e-03, v15;
	v8 =	vadd.f32 v11, v8;
	v11 =	vld [tilespmem:s0+$0x51F0]  }
0x107: {  	s6 =	sshra.s32 s4, $0x2;
	[tilespmem:s0+$0x5160] =	vst v17;
	v16 =	vmax.f32 v16, v20;
	v17 =	vmul.f32 $9.999999770e-03, v9;
	v7 =	vadd.f32 v12, v7;
	v12 =	vld [tilespmem:s0+$0x5200]  }
0x108: {  	v19 =	vld [tilespmem:s6+$0x110];
	[tilespmem:s0+$0x5170] =	vst v16;
	v15 =	vmax.f32 v15, v18;
	v16 =	vmul.f32 $9.999999770e-03, v8;
	v5 =	vadd.f32 v13, v5  }
0x109: {  	v13 =	vld [tilespmem:s6+$0x2910];
	[tilespmem:s0+$0x5180] =	vst v15;
	v9 =	vmax.f32 v9, v17;
	v15 =	vmul.f32 $9.999999770e-03, v7;
	v6 =	vadd.f32 v14, v6  }
0x10a: {  	v14 =	vld [tilespmem:s6+$0x120];
	[tilespmem:s0+$0x5190] =	vst v9;
	v8 =	vmax.f32 v8, v16;
	v9 =	vmul.f32 $9.999999770e-03, v5;
	v2 =	vadd.f32 v10, v2  }
0x10b: {  	v10 =	vld [tilespmem:s6+$0x2920];
	[tilespmem:s0+$0x51A0] =	vst v8;
	v7 =	vmax.f32 v7, v15;
	v8 =	vmul.f32 $9.999999770e-03, v6;
	v3 =	vadd.f32 v11, v3  }
0x10c: {  	v11 =	vld [tilespmem:s6+$0x130];
	[tilespmem:s0+$0x51B0] =	vst v7;
	v5 =	vmax.f32 v5, v9;
	v7 =	vmul.f32 $9.999999770e-03, v2;
	v4 =	vadd.f32 v12, v4  }
0x10d: {  	v9 =	vld [tilespmem:s6+$0x2930];
	[tilespmem:s0+$0x51C0] =	vst v5;
	v5 =	vmax.f32 v6, v8;
	v6 =	vmul.f32 $9.999999770e-03, v3  }
0x10e: {  	v8 =	vld [tilespmem:s6+$0x140];
	[tilespmem:s0+$0x51D0] =	vst v5;
	v2 =	vmax.f32 v2, v7;
	v5 =	vmul.f32 $9.999999770e-03, v4  }
0x10f: {  	v7 =	vld [tilespmem:s6+$0x2940];
	[tilespmem:s0+$0x51E0] =	vst v2;
	v2 =	vmax.f32 v3, v6  }
0x110: {  	v3 =	vld [tilespmem:s6+$0x150];
	[tilespmem:s0+$0x51F0] =	vst v2;
	v2 =	vmax.f32 v4, v5  }
0x111: {  	v4 =	vld [tilespmem:s6+$0x2950];
	[tilespmem:s0+$0x5200] =	vst v2;
	s0 =	smov.u32 s6  }
0x112: {  	v2 =	vld [tilespmem:s0+$0x160]  }
0x113: {  	v5 =	vld [tilespmem:s0+$0x2960]  }
0x114: {  	v6 =	vld [tilespmem:s0+$0x170]  }
0x115: {  	v12 =	vld [tilespmem:s0+$0x2970]  }
0x116: {  	v15 =	vld [tilespmem:s0+$0x180]  }
0x117: {  	v16 =	vld [tilespmem:s0+$0x2980]  }
0x118: {  	v17 =	vld [tilespmem:s0+$0x190]  }
0x119: {  	v18 =	vld [tilespmem:s0+$0x2990]  }
0x11a: {  	v20 =	vld [tilespmem:s0+$0x1A0]  }
0x11b: {  	v21 =	vld [tilespmem:s0+$0x29A0]  }
0x11c: {  	v22 =	vld [tilespmem:s0+$0x1B0]  }
0x11d: {  	v23 =	vld [tilespmem:s0+$0x29B0]  }
0x11e: {  	v24 =	vld [tilespmem:s0+$0x1C0]  }
0x11f: {  	v25 =	vld [tilespmem:s0+$0x29C0]  }
0x120: {  	v26 =	vld [tilespmem:s0+$0x1D0]  }
0x121: {  	v27 =	vld [tilespmem:s0+$0x29D0]  }
0x122: {  	v28 =	vld [tilespmem:s0+$0x1E0]  }
0x123: {  	v29 =	vld [tilespmem:s0+$0x29E0]  }
0x124: {  	v30 =	vld [tilespmem:s0+$0x1F0]  }
0x125: {  	v31 =	vld [tilespmem:s0+$0x29F0]  }
0x126: {  	v32 =	vld [tilespmem:s0+$0x200]  }
0x127: {  	v13 =	vadd.f32 v13, v19;
	v10 =	vadd.f32 v10, v14;
	v14 =	vld [tilespmem:s0+$0x2A00]  }
0x128: {  	v11 =	vadd.f32 v9, v11;
	v33 =	vadd.f32 v7, v8;
	v19 =	vld [tilespmem:s0+$0x5110]  }
0x129: {  	v35 =	vadd.f32 v4, v3;
	v36 =	vadd.f32 v5, v2;
	v34 =	vld [tilespmem:s0+$0x5120]  }
0x12a: {  	v37 =	vadd.f32 v12, v6;
	v15 =	vadd.f32 v16, v15;
	v3 =	vld [tilespmem:s0+$0x5130]  }
0x12b: {  	v9 =	vadd.f32 v18, v17;
	v8 =	vadd.f32 v21, v20;
	v4 =	vld [tilespmem:s0+$0x5140]  }
0x12c: {  	v7 =	vadd.f32 v23, v22;
	v5 =	vadd.f32 v25, v24;
	v12 =	vld [tilespmem:s0+$0x5150]  }
0x12d: {  	v6 =	vadd.f32 v27, v26;
	v13 =	vadd.f32 v19, v13;
	v16 =	vld [tilespmem:s0+$0x5160]  }
0x12e: {  	v2 =	vadd.f32 v29, v28;
	v17 =	vadd.f32 v34, v10;
	v19 =	vld [tilespmem:s0+$0x5170]  }
0x12f: {  	v18 =	vmul.f32 $9.999999770e-03, v13;
	v20 =	vadd.f32 v3, v11;
	v22 =	vld [tilespmem:s0+$0x5180];
	v3 =	vadd.f32 v31, v30  }
.Ltmp4:
0x130: {  	v21 =	vmul.f32 $9.999999770e-03, v17;
	v23 =	vadd.f32 v4, v33;
	v10 =	vld [tilespmem:s0+$0x5190];
	v4 =	vadd.f32 v14, v32;
	(pc) =	sbr.rel @p0 .LBB2_6-.Ltmp4, $4  }
0x131: {  	v13 =	vmax.f32 v13, v18;
	v14 =	vmul.f32 $9.999999770e-03, v20;
	v18 =	vadd.f32 v12, v35;
	v11 =	vld [tilespmem:s0+$0x51A0]  }
0x132: {  	[tilespmem:s0+$0x5110] =	vst v13;
	v13 =	vmax.f32 v17, v21;
	v21 =	vmul.f32 $9.999999770e-03, v23;
	v17 =	vadd.f32 v16, v36;
	v12 =	vld [tilespmem:s0+$0x51B0]  }
0x133: {  	[tilespmem:s0+$0x5120] =	vst v13;
	v14 =	vmax.f32 v20, v14;
	v20 =	vmul.f32 $9.999999770e-03, v18;
	v16 =	vadd.f32 v19, v37;
	v13 =	vld [tilespmem:s0+$0x51C0]  }
0x134: {  	s4 =	sadd.s32 $0x400, s4;
	[tilespmem:s0+$0x5130] =	vst v14;
	v21 =	vmax.f32 v23, v21;
	v19 =	vmul.f32 $9.999999770e-03, v17;
	v15 =	vadd.f32 v22, v15;
	v14 =	vld [tilespmem:s0+$0x51D0]  }
0x135: {  	[tilespmem:s0+$0x5140] =	vst v21;
	v18 =	vmax.f32 v18, v20;
	v47 =	vld [tilespmem:s0+$0x51E0];
	v48 =	vmul.f32 $9.999999770e-03, v16;
	v9 =	vadd.f32 v10, v9  }
0x136: {  	v50 =	vld [tilespmem:s0+$0x51F0];
	[tilespmem:s0+$0x5150] =	vst v18;
	v49 =	vmax.f32 v17, v19;
	v51 =	vmul.f32 $9.999999770e-03, v15;
	v8 =	vadd.f32 v11, v8  }
0x137: {  	v54 =	vld [tilespmem:s0+$0x5200];
	[tilespmem:s0+$0x5160] =	vst v49;
	v52 =	vmax.f32 v16, v48;
	v53 =	vmul.f32 $9.999999770e-03, v9;
	v7 =	vadd.f32 v12, v7  }
0x138: {  	[tilespmem:s0+$0x5170] =	vst v52;
	v55 =	vmax.f32 v15, v51;
	v56 =	vmul.f32 $9.999999770e-03, v8;
	v5 =	vadd.f32 v13, v5  }
0x139: {  	[tilespmem:s0+$0x5180] =	vst v55;
	v9 =	vmax.f32 v9, v53;
	v57 =	vmul.f32 $9.999999770e-03, v7;
	v6 =	vadd.f32 v14, v6  }
0x13a: {  	[tilespmem:s0+$0x5190] =	vst v9;
	v8 =	vmax.f32 v8, v56;
	v58 =	vmul.f32 $9.999999770e-03, v5;
	v2 =	vadd.f32 v47, v2  }
0x13b: {  	v3 =	vadd.f32 v50, v3;
	[tilespmem:s0+$0x51A0] =	vst v8;
	v7 =	vmax.f32 v7, v57;
	v59 =	vmul.f32 $9.999999770e-03, v6  }
0x13c: {  	v4 =	vadd.f32 v54, v4;
	[tilespmem:s0+$0x51B0] =	vst v7;
	v5 =	vmax.f32 v5, v58;
	v60 =	vmul.f32 $9.999999770e-03, v2  }
0x13d: {  	v62 =	vmul.f32 $9.999999770e-03, v3;
	[tilespmem:s0+$0x51C0] =	vst v5;
	v61 =	vmax.f32 v6, v59  }
0x13e: {  	v63 =	vmul.f32 $9.999999770e-03, v4;
	[tilespmem:s0+$0x51D0] =	vst v61;
	v2 =	vmax.f32 v2, v60  }
0x13f: {  	[tilespmem:s0+$0x51E0] =	vst v2;
	v2 =	vmax.f32 v3, v62  }
0x140: {  	[tilespmem:s0+$0x51F0] =	vst v2;
	v2 =	vmax.f32 v4, v63  }
0x141: {  	s7 =	simm.s32 $0x100;
	[tilespmem:s0+$0x5200] =	vst v2  }
0x142: {  	[tilespmem:s11], [sflag:$0x2] =	stream.indirect.gather [hbm4b:s1+s17], $0x80, s7, s17, $0xb8;
	[tilespmem:$0x1E200] =	vst v63  }
0x143: {  	_ = 	snop  }
0x144: {  	[tilespmem:s18], [sflag:$0x3] =	stream.indirect.gather [hbm4b:s15+s17], $0x80, s22, s17, $0xb8;
	[tilespmem:$0x1E200] =	vst v63  }
0x145: {  	_ = 	snop  }
0x146: {  	[spmem:s2] =	stream.indirect.scatter.add.f32 [tilespmem:s19], [sflag:$0x5], $0x80, s13, s17, $0xb8;
	[tilespmem:$0x1E200] =	vst v63  }
0x147: {  	v2 =	vld [tilespmem:$0x80];
	_ =	sdelay $0x7  }
0x148: {  	[tilespmem:v2+s29+$0x0] =	vst.idx.add.f32.msk $0xffff, v1  }
0x149: {  	v2 =	vld [tilespmem:$0x90];
	_ =	sdelay $0x7  }
0x14a: {  	[tilespmem:v2+s29+$0x0] =	vst.idx.add.f32.msk $0xffff, v1  }
0x14b: {  	v2 =	vld [tilespmem:$0xA0];
	_ =	sdelay $0x7  }
0x14c: {  	[tilespmem:v2+s29+$0x0] =	vst.idx.add.f32.msk $0xffff, v1  }
0x14d: {  	v2 =	vld [tilespmem:$0xB0];
	_ =	sdelay $0x7  }
0x14e: {  	[tilespmem:v2+s29+$0x0] =	vst.idx.add.f32.msk $0xffff, v1  }
0x14f: {  	v2 =	vld [tilespmem:$0xC0];
	_ =	sdelay $0x7  }
0x150: {  	[tilespmem:v2+s29+$0x0] =	vst.idx.add.f32.msk $0xffff, v1  }
0x151: {  	_ =	swait.ge [sflag:s31], $0x2800  }
0x152: {  	[sflag:s31] =	ssyncset.done $0x0  }
0x153: {  	s0 =	simm.s32 $0x0;
	s4 =	rddreg [dreg:$0x11];
	[sflag:s31] =	ssyncadd.s32 $0xFFFFD800  }
0x154: {  	[tilespmem:s0], [sflag:$0x1] =	stream.linear.gather [hbm4b:s4+s0], $0x50, $0x38;
	[tilespmem:$0x1E200] =	vst v63  }
0x155: {  	s8 =	rddreg [dreg:$0x12]  }
0x156: {  	[tilespmem:s13], [sflag:$0x1] =	stream.linear.gather [hbm4b:s8+s0], $0x50, $0x38;
	[tilespmem:$0x1E200] =	vst v63  }
0x157: {  	s9 =	rddreg [dreg:$0x13]  }
0x158: {  	[tilespmem:s19], [sflag:$0x4] =	stream.linear.gather [hbm4b:s9+s0], $0x2800, $0x38;
	[tilespmem:$0x1E200] =	vst v63  }
.LBB2_8:
0x159: {  	_ =	swait.ge [sflag:s23], $0x2800  }
0x15a: {  	[sflag:s23] =	ssyncset.done $0x0  }
0x15b: {  	[sflag:s23] =	ssyncadd.s32 $0xFFFFD800  }
0x15c: {  	_ =	swait.ge [sflag:s24], $0x2800  }
0x15d: {  	[sflag:s24] =	ssyncset.done $0x0  }
0x15e: {  	[sflag:s24] =	ssyncadd.s32 $0xFFFFD800  }
0x15f: {  	_ =	swait.ge [sflag:s25], $0x2800  }
0x160: {  	[sflag:s25] =	ssyncset.done $0x0  }
0x161: {  	[sflag:s25] =	ssyncadd.s32 $0xFFFFD800  }
0x162: {  	_ =	swait.ge [sflag:s21], $0x50  }
0x163: {  	[sflag:s21] =	ssyncset.done $0x0  }
0x164: {  	[sflag:s21] =	ssyncadd.s32 $0xFFFFFFB0  }
0x165: {  	_ =	swait.ge [sflag:s21], $0x50  }
0x166: {  	[sflag:s21] =	ssyncset.done $0x0  }
0x167: {  	s4 =	simm.s32 $0xF0;
	[sflag:s21] =	ssyncadd.s32 $0xFFFFFFB0  }
0x168: {  	v2 =	vld [tilespmem:s4+$0x110]  }
0x169: {  	v3 =	vld [tilespmem:s4+$0x2910]  }
0x16a: {  	v4 =	vld [tilespmem:s4+$0x120]  }
0x16b: {  	v5 =	vld [tilespmem:s4+$0x2920]  }
0x16c: {  	v6 =	vld [tilespmem:s4+$0x130]  }
0x16d: {  	v7 =	vld [tilespmem:s4+$0x2930]  }
0x16e: {  	v8 =	vld [tilespmem:s4+$0x140]  }
0x16f: {  	v9 =	vld [tilespmem:s4+$0x2940]  }
0x170: {  	v10 =	vld [tilespmem:s4+$0x150]  }
0x171: {  	v11 =	vld [tilespmem:s4+$0x2950]  }
0x172: {  	v12 =	vld [tilespmem:s4+$0x160]  }
0x173: {  	v13 =	vld [tilespmem:s4+$0x2960]  }
0x174: {  	v14 =	vld [tilespmem:s4+$0x170]  }
0x175: {  	v15 =	vld [tilespmem:s4+$0x2970]  }
0x176: {  	v16 =	vld [tilespmem:s4+$0x180]  }
0x177: {  	v17 =	vld [tilespmem:s4+$0x2980]  }
0x178: {  	v18 =	vld [tilespmem:s4+$0x190]  }
0x179: {  	v19 =	vld [tilespmem:s4+$0x2990]  }
0x17a: {  	v20 =	vld [tilespmem:s4+$0x1A0]  }
0x17b: {  	v21 =	vld [tilespmem:s4+$0x29A0]  }
0x17c: {  	v22 =	vld [tilespmem:s4+$0x1B0]  }
0x17d: {  	v23 =	vld [tilespmem:s4+$0x29B0]  }
0x17e: {  	v24 =	vld [tilespmem:s4+$0x1C0]  }
0x17f: {  	v25 =	vld [tilespmem:s4+$0x29C0]  }
0x180: {  	v26 =	vld [tilespmem:s4+$0x1D0]  }
0x181: {  	v27 =	vld [tilespmem:s4+$0x29D0]  }
0x182: {  	v28 =	vld [tilespmem:s4+$0x1E0]  }
0x183: {  	v29 =	vld [tilespmem:s4+$0x29E0]  }
0x184: {  	v30 =	vld [tilespmem:s4+$0x1F0]  }
0x185: {  	v31 =	vld [tilespmem:s4+$0x29F0]  }
0x186: {  	v34 =	vld [tilespmem:s4+$0x5110]  }
0x187: {  	v35 =	vld [tilespmem:s4+$0x5120];
	v2 =	vadd.f32 v3, v2  }
0x188: {  	v37 =	vld [tilespmem:s4+$0x5140];
	v3 =	vadd.f32 v5, v4;
	v6 =	vadd.f32 v7, v6  }
0x189: {  	v39 =	vld [tilespmem:s4+$0x5150];
	v36 =	vadd.f32 v9, v8;
	v38 =	vadd.f32 v11, v10  }
0x18a: {  	v4 =	vld [tilespmem:s4+$0x5130];
	v13 =	vadd.f32 v13, v12;
	v14 =	vadd.f32 v15, v14  }
0x18b: {  	v32 =	vld [tilespmem:s4+$0x200];
	v62 =	vadd.f32 v17, v16;
	v9 =	vadd.f32 v19, v18  }
0x18c: {  	v16 =	vld [tilespmem:s4+$0x5170];
	v8 =	vadd.f32 v21, v20;
	v2 =	vadd.f32 v34, v2  }
0x18d: {  	v15 =	vld [tilespmem:s4+$0x5160];
	v7 =	vadd.f32 v23, v22;
	v3 =	vadd.f32 v35, v3  }
0x18e: {  	v33 =	vld [tilespmem:s4+$0x2A00];
	v5 =	vadd.f32 v25, v24;
	v19 =	vadd.f32 v37, v36;
	v11 =	vmul.f32 $9.999999770e-03, v2  }
0x18f: {  	v63 =	vld [tilespmem:s4+$0x5180];
	v18 =	vadd.f32 v39, v38;
	v12 =	vmul.f32 $9.999999770e-03, v3;
	v4 =	vadd.f32 v4, v6  }
0x190: {  	v10 =	vld [tilespmem:s4+$0x5190];
	v21 =	vmul.f32 $9.999999770e-03, v19;
	v6 =	vadd.f32 v27, v26;
	v17 =	vmax.f32 v2, v11  }
0x191: {  	v16 =	vadd.f32 v16, v14;
	v11 =	vld [tilespmem:s4+$0x51A0];
	[tilespmem:s4+$0x5110] =	vst v17;
	v20 =	vmul.f32 $9.999999770e-03, v4;
	v17 =	vmax.f32 v3, v12  }
0x192: {  	v2 =	vadd.f32 v29, v28;
	v21 =	vmax.f32 v19, v21;
	v12 =	vld [tilespmem:s4+$0x51B0];
	[tilespmem:s4+$0x5120] =	vst v17;
	v17 =	vadd.f32 v15, v13  }
0x193: {  	v3 =	vadd.f32 v31, v30;
	v13 =	vld [tilespmem:s4+$0x51C0];
	v15 =	vmax.f32 v4, v20;
	v20 =	vmul.f32 $9.999999770e-03, v18  }
0x194: {  	s6 =	simm.s32 $0x7C0;
	v14 =	vld [tilespmem:s4+$0x51D0];
	v4 =	vadd.f32 v33, v32;
	[tilespmem:s4+$0x5130] =	vst v15;
	v19 =	vmul.f32 $9.999999770e-03, v17;
	v15 =	vadd.f32 v63, v62  }
.LBB2_9:
0x195: {  	p0 =	sne.s32 s6, $0x9FC0;
	[tilespmem:s4+$0x5140] =	vst v21;
	v18 =	vmax.f32 v18, v20;
	v20 =	vmul.f32 $9.999999770e-03, v16;
	v9 =	vadd.f32 v10, v9;
	v10 =	vld [tilespmem:s4+$0x51E0]  }
0x196: {  	[tilespmem:s4+$0x5150] =	vst v18;
	v17 =	vmax.f32 v17, v19;
	v18 =	vmul.f32 $9.999999770e-03, v15;
	v8 =	vadd.f32 v11, v8;
	v11 =	vld [tilespmem:s4+$0x51F0]  }
0x197: {  	s7 =	sshra.s32 s6, $0x2;
	[tilespmem:s4+$0x5160] =	vst v17;
	v16 =	vmax.f32 v16, v20;
	v17 =	vmul.f32 $9.999999770e-03, v9;
	v7 =	vadd.f32 v12, v7;
	v12 =	vld [tilespmem:s4+$0x5200]  }
0x198: {  	v19 =	vld [tilespmem:s7+$0x110];
	[tilespmem:s4+$0x5170] =	vst v16;
	v15 =	vmax.f32 v15, v18;
	v16 =	vmul.f32 $9.999999770e-03, v8;
	v5 =	vadd.f32 v13, v5  }
0x199: {  	v13 =	vld [tilespmem:s7+$0x2910];
	[tilespmem:s4+$0x5180] =	vst v15;
	v9 =	vmax.f32 v9, v17;
	v15 =	vmul.f32 $9.999999770e-03, v7;
	v6 =	vadd.f32 v14, v6  }
0x19a: {  	v14 =	vld [tilespmem:s7+$0x120];
	[tilespmem:s4+$0x5190] =	vst v9;
	v8 =	vmax.f32 v8, v16;
	v9 =	vmul.f32 $9.999999770e-03, v5;
	v2 =	vadd.f32 v10, v2  }
0x19b: {  	v10 =	vld [tilespmem:s7+$0x2920];
	[tilespmem:s4+$0x51A0] =	vst v8;
	v7 =	vmax.f32 v7, v15;
	v8 =	vmul.f32 $9.999999770e-03, v6;
	v3 =	vadd.f32 v11, v3  }
0x19c: {  	v11 =	vld [tilespmem:s7+$0x130];
	[tilespmem:s4+$0x51B0] =	vst v7;
	v5 =	vmax.f32 v5, v9;
	v7 =	vmul.f32 $9.999999770e-03, v2;
	v4 =	vadd.f32 v12, v4  }
0x19d: {  	v9 =	vld [tilespmem:s7+$0x2930];
	[tilespmem:s4+$0x51C0] =	vst v5;
	v5 =	vmax.f32 v6, v8;
	v6 =	vmul.f32 $9.999999770e-03, v3  }
0x19e: {  	v8 =	vld [tilespmem:s7+$0x140];
	[tilespmem:s4+$0x51D0] =	vst v5;
	v2 =	vmax.f32 v2, v7;
	v5 =	vmul.f32 $9.999999770e-03, v4  }
0x19f: {  	v7 =	vld [tilespmem:s7+$0x2940];
	[tilespmem:s4+$0x51E0] =	vst v2;
	v2 =	vmax.f32 v3, v6  }
0x1a0: {  	v3 =	vld [tilespmem:s7+$0x150];
	[tilespmem:s4+$0x51F0] =	vst v2;
	v2 =	vmax.f32 v4, v5  }
0x1a1: {  	v4 =	vld [tilespmem:s7+$0x2950];
	[tilespmem:s4+$0x5200] =	vst v2;
	s4 =	smov.u32 s7  }
0x1a2: {  	v2 =	vld [tilespmem:s4+$0x160]  }
0x1a3: {  	v5 =	vld [tilespmem:s4+$0x2960]  }
0x1a4: {  	v6 =	vld [tilespmem:s4+$0x170]  }
0x1a5: {  	v12 =	vld [tilespmem:s4+$0x2970]  }
0x1a6: {  	v15 =	vld [tilespmem:s4+$0x180]  }
0x1a7: {  	v16 =	vld [tilespmem:s4+$0x2980]  }
0x1a8: {  	v17 =	vld [tilespmem:s4+$0x190]  }
0x1a9: {  	v18 =	vld [tilespmem:s4+$0x2990]  }
0x1aa: {  	v20 =	vld [tilespmem:s4+$0x1A0]  }
0x1ab: {  	v21 =	vld [tilespmem:s4+$0x29A0]  }
0x1ac: {  	v22 =	vld [tilespmem:s4+$0x1B0]  }
0x1ad: {  	v23 =	vld [tilespmem:s4+$0x29B0]  }
0x1ae: {  	v24 =	vld [tilespmem:s4+$0x1C0]  }
0x1af: {  	v25 =	vld [tilespmem:s4+$0x29C0]  }
0x1b0: {  	v26 =	vld [tilespmem:s4+$0x1D0]  }
0x1b1: {  	v27 =	vld [tilespmem:s4+$0x29D0]  }
0x1b2: {  	v28 =	vld [tilespmem:s4+$0x1E0]  }
0x1b3: {  	v29 =	vld [tilespmem:s4+$0x29E0]  }
0x1b4: {  	v30 =	vld [tilespmem:s4+$0x1F0]  }
0x1b5: {  	v31 =	vld [tilespmem:s4+$0x29F0]  }
0x1b6: {  	v32 =	vld [tilespmem:s4+$0x200]  }
0x1b7: {  	v13 =	vadd.f32 v13, v19;
	v10 =	vadd.f32 v10, v14;
	v14 =	vld [tilespmem:s4+$0x2A00]  }
0x1b8: {  	v11 =	vadd.f32 v9, v11;
	v33 =	vadd.f32 v7, v8;
	v19 =	vld [tilespmem:s4+$0x5110]  }
0x1b9: {  	v35 =	vadd.f32 v4, v3;
	v36 =	vadd.f32 v5, v2;
	v34 =	vld [tilespmem:s4+$0x5120]  }
0x1ba: {  	v37 =	vadd.f32 v12, v6;
	v15 =	vadd.f32 v16, v15;
	v3 =	vld [tilespmem:s4+$0x5130]  }
0x1bb: {  	v9 =	vadd.f32 v18, v17;
	v8 =	vadd.f32 v21, v20;
	v4 =	vld [tilespmem:s4+$0x5140]  }
0x1bc: {  	v7 =	vadd.f32 v23, v22;
	v5 =	vadd.f32 v25, v24;
	v12 =	vld [tilespmem:s4+$0x5150]  }
0x1bd: {  	v6 =	vadd.f32 v27, v26;
	v13 =	vadd.f32 v19, v13;
	v16 =	vld [tilespmem:s4+$0x5160]  }
0x1be: {  	v2 =	vadd.f32 v29, v28;
	v17 =	vadd.f32 v34, v10;
	v19 =	vld [tilespmem:s4+$0x5170]  }
0x1bf: {  	v18 =	vmul.f32 $9.999999770e-03, v13;
	v20 =	vadd.f32 v3, v11;
	v22 =	vld [tilespmem:s4+$0x5180];
	v3 =	vadd.f32 v31, v30  }
.Ltmp5:
0x1c0: {  	v21 =	vmul.f32 $9.999999770e-03, v17;
	v23 =	vadd.f32 v4, v33;
	v10 =	vld [tilespmem:s4+$0x5190];
	v4 =	vadd.f32 v14, v32;
	(pc) =	sbr.rel @p0 .LBB2_9-.Ltmp5, $4  }
0x1c1: {  	v13 =	vmax.f32 v13, v18;
	v14 =	vmul.f32 $9.999999770e-03, v20;
	v18 =	vadd.f32 v12, v35;
	v11 =	vld [tilespmem:s4+$0x51A0]  }
0x1c2: {  	[tilespmem:s4+$0x5110] =	vst v13;
	v13 =	vmax.f32 v17, v21;
	v21 =	vmul.f32 $9.999999770e-03, v23;
	v17 =	vadd.f32 v16, v36;
	v12 =	vld [tilespmem:s4+$0x51B0]  }
0x1c3: {  	[tilespmem:s4+$0x5120] =	vst v13;
	v14 =	vmax.f32 v20, v14;
	v20 =	vmul.f32 $9.999999770e-03, v18;
	v16 =	vadd.f32 v19, v37;
	v13 =	vld [tilespmem:s4+$0x51C0]  }
0x1c4: {  	s6 =	sadd.s32 $0x400, s6;
	[tilespmem:s4+$0x5130] =	vst v14;
	v21 =	vmax.f32 v23, v21;
	v19 =	vmul.f32 $9.999999770e-03, v17;
	v15 =	vadd.f32 v22, v15;
	v14 =	vld [tilespmem:s4+$0x51D0]  }
0x1c5: {  	v18 =	vmax.f32 v18, v20  }
0x1c6: {  	v20 =	vld [tilespmem:s4+$0x51E0];
	v9 =	vadd.f32 v10, v9;
	[tilespmem:s4+$0x5150] =	vst v18;
	v18 =	vmul.f32 $9.999999770e-03, v16  }
0x1c7: {  	[tilespmem:s4+$0x5140] =	vst v21;
	v10 =	vmax.f32 v17, v19;
	v17 =	vld [tilespmem:s4+$0x51F0];
	v19 =	vmul.f32 $9.999999770e-03, v15;
	v8 =	vadd.f32 v11, v8  }
0x1c8: {  	[tilespmem:s4+$0x5160] =	vst v10;
	v11 =	vmul.f32 $9.999999770e-03, v9;
	v7 =	vadd.f32 v12, v7;
	v12 =	vld [tilespmem:s4+$0x5200];
	v10 =	vmax.f32 v16, v18  }
0x1c9: {  	v5 =	vadd.f32 v13, v5;
	[tilespmem:s4+$0x5170] =	vst v10;
	v10 =	vmax.f32 v15, v19;
	v15 =	vmul.f32 $9.999999770e-03, v8  }
0x1ca: {  	v9 =	vmax.f32 v9, v11;
	v6 =	vadd.f32 v14, v6;
	[tilespmem:s4+$0x5180] =	vst v10;
	v10 =	vmul.f32 $9.999999770e-03, v7  }
0x1cb: {  	[tilespmem:s4+$0x5190] =	vst v9;
	v9 =	vmul.f32 $9.999999770e-03, v5;
	v2 =	vadd.f32 v20, v2;
	v8 =	vmax.f32 v8, v15  }
0x1cc: {  	v3 =	vadd.f32 v17, v3;
	[tilespmem:s4+$0x51A0] =	vst v8;
	v7 =	vmax.f32 v7, v10;
	v8 =	vmul.f32 $9.999999770e-03, v6  }
0x1cd: {  	v5 =	vmax.f32 v5, v9;
	v4 =	vadd.f32 v12, v4;
	[tilespmem:s4+$0x51B0] =	vst v7;
	v7 =	vmul.f32 $9.999999770e-03, v2  }
0x1ce: {  	[tilespmem:s4+$0x51C0] =	vst v5;
	v5 =	vmax.f32 v6, v8;
	v6 =	vmul.f32 $9.999999770e-03, v3  }
0x1cf: {  	[tilespmem:s4+$0x51D0] =	vst v5;
	v2 =	vmax.f32 v2, v7;
	v5 =	vmul.f32 $9.999999770e-03, v4  }
0x1d0: {  	[tilespmem:s4+$0x51E0] =	vst v2;
	v2 =	vmax.f32 v3, v6  }
0x1d1: {  	[tilespmem:s4+$0x51F0] =	vst v2;
	v2 =	vmax.f32 v4, v5  }
0x1d2: {  	[tilespmem:s4+$0x5200] =	vst v2  }
0x1d3: {  	[tilespmem:s11], [sflag:$0x2] =	stream.indirect.gather [hbm4b:s1+s17], $0x80, s3, s17, $0xb8;
	[tilespmem:$0x1E200] =	vst v63  }
0x1d4: {  	_ = 	snop  }
0x1d5: {  	[tilespmem:s18], [sflag:$0x3] =	stream.indirect.gather [hbm4b:s15+s17], $0x80, s13, s17, $0xb8;
	[tilespmem:$0x1E200] =	vst v63  }
0x1d6: {  	_ = 	snop  }
0x1d7: {  	[spmem:s2] =	stream.indirect.scatter.add.f32 [tilespmem:s19], [sflag:$0x5], $0x80, s22, s17, $0xb8;
	[tilespmem:$0x1E200] =	vst v63  }
0x1d8: {  	v2 =	vld [tilespmem:$0x180];
	_ =	sdelay $0x7  }
0x1d9: {  	[tilespmem:v2+s29+$0x0] =	vst.idx.add.f32.msk $0xffff, v1  }
0x1da: {  	v2 =	vld [tilespmem:$0x190];
	_ =	sdelay $0x7  }
0x1db: {  	[tilespmem:v2+s29+$0x0] =	vst.idx.add.f32.msk $0xffff, v1  }
0x1dc: {  	v2 =	vld [tilespmem:$0x1A0];
	_ =	sdelay $0x7  }
0x1dd: {  	[tilespmem:v2+s29+$0x0] =	vst.idx.add.f32.msk $0xffff, v1  }
0x1de: {  	v2 =	vld [tilespmem:$0x1B0];
	_ =	sdelay $0x7  }
0x1df: {  	[tilespmem:v2+s29+$0x0] =	vst.idx.add.f32.msk $0xffff, v1  }
0x1e0: {  	v2 =	vld [tilespmem:$0x1C0];
	_ =	sdelay $0x5  }
0x1e1: {  	p0 =	seq.s32 s0, $0x3D  }
0x1e2: {  	s4 =	smul.u32 @!p0 $0xA0, s0  }
0x1e3: {  	[tilespmem:v2+s29+$0x0] =	vst.idx.add.f32.msk $0xffff, v1  }
0x1e4: {  	s8 =	simm.s32 @!p0 $0x0;
	s6 =	sadd.s32 @!p0 s4, s26;
	_ =	swait.ge [sflag:s31], $0x2800  }
0x1e5: {  	s9 =	simm.s32 @!p0 $0x100;
	s6 =	sshrl.u32 @!p0 s6, $0x3;
	[sflag:s31] =	ssyncset.done $0x0  }
0x1e6: {  	s4 =	simm.s32 @p0 $0x2620;
	s7 =	sadd.s32 @!p0 s5, s6;
	[sflag:s31] =	ssyncadd.s32 $0xFFFFD800  }
0x1e7: {  	[tilespmem:s9], [sflag:$0x1] =	stream.linear.gather @!p0 [hbm4b:s7+s8], $0x50, $0x38;
	[tilespmem:$0x1E200] =	vst v63  }
0x1e8: {  	s6 =	sadd.s32 @!p0 s14, s6;
	s7 =	simm.s32 @!p0 $0x180;
	s9 =	sadd.s32 s4, s20  }
0x1e9: {  	[tilespmem:s7], [sflag:$0x1] =	stream.linear.gather @!p0 [hbm4b:s6+s8], $0x50, $0x38;
	[tilespmem:$0x1E200] =	vst v63  }
0x1ea: {  	s6 =	sshll.u32 s9, $0x4  }
0x1eb: {  	s6 =	sadd.s32 s16, s6  }
0x1ec: {  	[tilespmem:s19], [sflag:$0x4] =	stream.linear.gather [hbm4b:s6+s3], $0x2800, $0x38;
	[tilespmem:$0x1E200] =	vst v63  }
0x1ed: {  	_ =	swait.ge [sflag:s23], $0x2800  }
0x1ee: {  	[sflag:s23] =	ssyncset.done $0x0  }
0x1ef: {  	[sflag:s23] =	ssyncadd.s32 $0xFFFFD800  }
0x1f0: {  	_ =	swait.ge [sflag:s24], $0x2800  }
0x1f1: {  	[sflag:s24] =	ssyncset.done $0x0  }
0x1f2: {  	[sflag:s24] =	ssyncadd.s32 $0xFFFFD800  }
0x1f3: {  	_ =	swait.ge [sflag:s25], $0x2800  }
0x1f4: {  	[sflag:s25] =	ssyncset.done $0x0  }
0x1f5: {  	s6 =	simm.s32 @!p0 $0x1;
	[sflag:s25] =	ssyncadd.s32 $0xFFFFD800  }
0x1f6: {  	_ =	swait.ge @!p0 [sflag:s6], $0x50  }
0x1f7: {  	[sflag:s6] =	ssyncset.done @!p0 $0x0  }
0x1f8: {  	[sflag:s6] =	ssyncadd.s32 @!p0 $0xFFFFFFB0  }
0x1f9: {  	_ =	swait.ge @!p0 [sflag:s6], $0x50  }
0x1fa: {  	[sflag:s6] =	ssyncset.done @!p0 $0x0  }
0x1fb: {  	[sflag:s6] =	ssyncadd.s32 @!p0 $0xFFFFFFB0;
	s6 =	simm.s32 $0xF0  }
0x1fc: {  	v2 =	vld [tilespmem:s6+$0x110]  }
0x1fd: {  	v3 =	vld [tilespmem:s6+$0x2910]  }
0x1fe: {  	v4 =	vld [tilespmem:s6+$0x120]  }
0x1ff: {  	v5 =	vld [tilespmem:s6+$0x2920]  }
0x200: {  	v6 =	vld [tilespmem:s6+$0x130]  }
0x201: {  	v7 =	vld [tilespmem:s6+$0x2930]  }
0x202: {  	v8 =	vld [tilespmem:s6+$0x140]  }
0x203: {  	v9 =	vld [tilespmem:s6+$0x2940]  }
0x204: {  	v10 =	vld [tilespmem:s6+$0x150]  }
0x205: {  	v11 =	vld [tilespmem:s6+$0x2950]  }
0x206: {  	v12 =	vld [tilespmem:s6+$0x160]  }
0x207: {  	v13 =	vld [tilespmem:s6+$0x2960]  }
0x208: {  	v14 =	vld [tilespmem:s6+$0x170]  }
0x209: {  	v15 =	vld [tilespmem:s6+$0x2970]  }
0x20a: {  	v16 =	vld [tilespmem:s6+$0x180]  }
0x20b: {  	v17 =	vld [tilespmem:s6+$0x2980]  }
0x20c: {  	v18 =	vld [tilespmem:s6+$0x190]  }
0x20d: {  	v19 =	vld [tilespmem:s6+$0x2990]  }
0x20e: {  	v20 =	vld [tilespmem:s6+$0x1A0]  }
0x20f: {  	v21 =	vld [tilespmem:s6+$0x29A0]  }
0x210: {  	v22 =	vld [tilespmem:s6+$0x1B0]  }
0x211: {  	v23 =	vld [tilespmem:s6+$0x29B0]  }
0x212: {  	v24 =	vld [tilespmem:s6+$0x1C0]  }
0x213: {  	v25 =	vld [tilespmem:s6+$0x29C0]  }
0x214: {  	v26 =	vld [tilespmem:s6+$0x1D0]  }
0x215: {  	v27 =	vld [tilespmem:s6+$0x29D0]  }
0x216: {  	v28 =	vld [tilespmem:s6+$0x1E0]  }
0x217: {  	v29 =	vld [tilespmem:s6+$0x29E0]  }
0x218: {  	v30 =	vld [tilespmem:s6+$0x1F0]  }
0x219: {  	v31 =	vld [tilespmem:s6+$0x29F0]  }
0x21a: {  	v34 =	vld [tilespmem:s6+$0x5110]  }
0x21b: {  	v35 =	vld [tilespmem:s6+$0x5120];
	v2 =	vadd.f32 v3, v2  }
0x21c: {  	v37 =	vld [tilespmem:s6+$0x5140];
	v3 =	vadd.f32 v5, v4;
	v6 =	vadd.f32 v7, v6  }
0x21d: {  	v39 =	vld [tilespmem:s6+$0x5150];
	v36 =	vadd.f32 v9, v8;
	v38 =	vadd.f32 v11, v10  }
0x21e: {  	v4 =	vld [tilespmem:s6+$0x5130];
	v13 =	vadd.f32 v13, v12;
	v14 =	vadd.f32 v15, v14  }
0x21f: {  	v32 =	vld [tilespmem:s6+$0x200];
	v62 =	vadd.f32 v17, v16;
	v9 =	vadd.f32 v19, v18  }
0x220: {  	v16 =	vld [tilespmem:s6+$0x5170];
	v8 =	vadd.f32 v21, v20;
	v2 =	vadd.f32 v34, v2  }
0x221: {  	v15 =	vld [tilespmem:s6+$0x5160];
	v7 =	vadd.f32 v23, v22;
	v3 =	vadd.f32 v35, v3  }
0x222: {  	v33 =	vld [tilespmem:s6+$0x2A00];
	v5 =	vadd.f32 v25, v24;
	v19 =	vadd.f32 v37, v36;
	v11 =	vmul.f32 $9.999999770e-03, v2  }
0x223: {  	v63 =	vld [tilespmem:s6+$0x5180];
	v18 =	vadd.f32 v39, v38;
	v12 =	vmul.f32 $9.999999770e-03, v3;
	v4 =	vadd.f32 v4, v6  }
0x224: {  	v10 =	vld [tilespmem:s6+$0x5190];
	v21 =	vmul.f32 $9.999999770e-03, v19;
	v6 =	vadd.f32 v27, v26;
	v17 =	vmax.f32 v2, v11  }
0x225: {  	v16 =	vadd.f32 v16, v14;
	v11 =	vld [tilespmem:s6+$0x51A0];
	[tilespmem:s6+$0x5110] =	vst v17;
	v20 =	vmul.f32 $9.999999770e-03, v4;
	v17 =	vmax.f32 v3, v12  }
0x226: {  	v2 =	vadd.f32 v29, v28;
	v21 =	vmax.f32 v19, v21;
	v12 =	vld [tilespmem:s6+$0x51B0];
	[tilespmem:s6+$0x5120] =	vst v17;
	v17 =	vadd.f32 v15, v13  }
0x227: {  	v3 =	vadd.f32 v31, v30;
	v13 =	vld [tilespmem:s6+$0x51C0];
	v15 =	vmax.f32 v4, v20;
	v20 =	vmul.f32 $9.999999770e-03, v18  }
0x228: {  	s7 =	simm.s32 $0x7C0;
	v14 =	vld [tilespmem:s6+$0x51D0];
	v4 =	vadd.f32 v33, v32;
	[tilespmem:s6+$0x5130] =	vst v15;
	v19 =	vmul.f32 $9.999999770e-03, v17;
	v15 =	vadd.f32 v63, v62  }
.LBB2_11:
0x229: {  	p1 =	sne.s32 s7, $0x9FC0;
	[tilespmem:s6+$0x5140] =	vst v21;
	v18 =	vmax.f32 v18, v20;
	v20 =	vmul.f32 $9.999999770e-03, v16;
	v9 =	vadd.f32 v10, v9;
	v10 =	vld [tilespmem:s6+$0x51E0]  }
0x22a: {  	[tilespmem:s6+$0x5150] =	vst v18;
	v17 =	vmax.f32 v17, v19;
	v18 =	vmul.f32 $9.999999770e-03, v15;
	v8 =	vadd.f32 v11, v8;
	v11 =	vld [tilespmem:s6+$0x51F0]  }
0x22b: {  	s8 =	sshra.s32 s7, $0x2;
	[tilespmem:s6+$0x5160] =	vst v17;
	v16 =	vmax.f32 v16, v20;
	v17 =	vmul.f32 $9.999999770e-03, v9;
	v7 =	vadd.f32 v12, v7;
	v12 =	vld [tilespmem:s6+$0x5200]  }
0x22c: {  	v19 =	vld [tilespmem:s8+$0x110];
	[tilespmem:s6+$0x5170] =	vst v16;
	v15 =	vmax.f32 v15, v18;
	v16 =	vmul.f32 $9.999999770e-03, v8;
	v5 =	vadd.f32 v13, v5  }
0x22d: {  	v13 =	vld [tilespmem:s8+$0x2910];
	[tilespmem:s6+$0x5180] =	vst v15;
	v9 =	vmax.f32 v9, v17;
	v15 =	vmul.f32 $9.999999770e-03, v7;
	v6 =	vadd.f32 v14, v6  }
0x22e: {  	v14 =	vld [tilespmem:s8+$0x120];
	[tilespmem:s6+$0x5190] =	vst v9;
	v8 =	vmax.f32 v8, v16;
	v9 =	vmul.f32 $9.999999770e-03, v5;
	v2 =	vadd.f32 v10, v2  }
0x22f: {  	v10 =	vld [tilespmem:s8+$0x2920];
	[tilespmem:s6+$0x51A0] =	vst v8;
	v7 =	vmax.f32 v7, v15;
	v8 =	vmul.f32 $9.999999770e-03, v6;
	v3 =	vadd.f32 v11, v3  }
0x230: {  	v11 =	vld [tilespmem:s8+$0x130];
	[tilespmem:s6+$0x51B0] =	vst v7;
	v5 =	vmax.f32 v5, v9;
	v7 =	vmul.f32 $9.999999770e-03, v2;
	v4 =	vadd.f32 v12, v4  }
0x231: {  	v9 =	vld [tilespmem:s8+$0x2930];
	[tilespmem:s6+$0x51C0] =	vst v5;
	v5 =	vmax.f32 v6, v8;
	v6 =	vmul.f32 $9.999999770e-03, v3  }
0x232: {  	v8 =	vld [tilespmem:s8+$0x140];
	[tilespmem:s6+$0x51D0] =	vst v5;
	v2 =	vmax.f32 v2, v7;
	v5 =	vmul.f32 $9.999999770e-03, v4  }
0x233: {  	v7 =	vld [tilespmem:s8+$0x2940];
	[tilespmem:s6+$0x51E0] =	vst v2;
	v2 =	vmax.f32 v3, v6  }
0x234: {  	v3 =	vld [tilespmem:s8+$0x150];
	[tilespmem:s6+$0x51F0] =	vst v2;
	v2 =	vmax.f32 v4, v5  }
0x235: {  	v4 =	vld [tilespmem:s8+$0x2950];
	[tilespmem:s6+$0x5200] =	vst v2;
	s6 =	smov.u32 s8  }
0x236: {  	v2 =	vld [tilespmem:s6+$0x160]  }
0x237: {  	v5 =	vld [tilespmem:s6+$0x2960]  }
0x238: {  	v6 =	vld [tilespmem:s6+$0x170]  }
0x239: {  	v12 =	vld [tilespmem:s6+$0x2970]  }
0x23a: {  	v15 =	vld [tilespmem:s6+$0x180]  }
0x23b: {  	v16 =	vld [tilespmem:s6+$0x2980]  }
0x23c: {  	v17 =	vld [tilespmem:s6+$0x190]  }
0x23d: {  	v18 =	vld [tilespmem:s6+$0x2990]  }
0x23e: {  	v20 =	vld [tilespmem:s6+$0x1A0]  }
0x23f: {  	v21 =	vld [tilespmem:s6+$0x29A0]  }
0x240: {  	v22 =	vld [tilespmem:s6+$0x1B0]  }
0x241: {  	v23 =	vld [tilespmem:s6+$0x29B0]  }
0x242: {  	v24 =	vld [tilespmem:s6+$0x1C0]  }
0x243: {  	v25 =	vld [tilespmem:s6+$0x29C0]  }
0x244: {  	v26 =	vld [tilespmem:s6+$0x1D0]  }
0x245: {  	v27 =	vld [tilespmem:s6+$0x29D0]  }
0x246: {  	v28 =	vld [tilespmem:s6+$0x1E0]  }
0x247: {  	v29 =	vld [tilespmem:s6+$0x29E0]  }
0x248: {  	v30 =	vld [tilespmem:s6+$0x1F0]  }
0x249: {  	v31 =	vld [tilespmem:s6+$0x29F0]  }
0x24a: {  	v32 =	vld [tilespmem:s6+$0x200]  }
0x24b: {  	v13 =	vadd.f32 v13, v19;
	v10 =	vadd.f32 v10, v14;
	v14 =	vld [tilespmem:s6+$0x2A00]  }
0x24c: {  	v11 =	vadd.f32 v9, v11;
	v33 =	vadd.f32 v7, v8;
	v19 =	vld [tilespmem:s6+$0x5110]  }
0x24d: {  	v35 =	vadd.f32 v4, v3;
	v36 =	vadd.f32 v5, v2;
	v34 =	vld [tilespmem:s6+$0x5120]  }
0x24e: {  	v37 =	vadd.f32 v12, v6;
	v15 =	vadd.f32 v16, v15;
	v3 =	vld [tilespmem:s6+$0x5130]  }
0x24f: {  	v9 =	vadd.f32 v18, v17;
	v8 =	vadd.f32 v21, v20;
	v4 =	vld [tilespmem:s6+$0x5140]  }
0x250: {  	v7 =	vadd.f32 v23, v22;
	v5 =	vadd.f32 v25, v24;
	v12 =	vld [tilespmem:s6+$0x5150]  }
0x251: {  	v6 =	vadd.f32 v27, v26;
	v13 =	vadd.f32 v19, v13;
	v16 =	vld [tilespmem:s6+$0x5160]  }
0x252: {  	v2 =	vadd.f32 v29, v28;
	v17 =	vadd.f32 v34, v10;
	v19 =	vld [tilespmem:s6+$0x5170]  }
0x253: {  	v18 =	vmul.f32 $9.999999770e-03, v13;
	v20 =	vadd.f32 v3, v11;
	v22 =	vld [tilespmem:s6+$0x5180];
	v3 =	vadd.f32 v31, v30  }
.Ltmp6:
0x254: {  	v21 =	vmul.f32 $9.999999770e-03, v17;
	v23 =	vadd.f32 v4, v33;
	v10 =	vld [tilespmem:s6+$0x5190];
	v4 =	vadd.f32 v14, v32;
	(pc) =	sbr.rel @p1 .LBB2_11-.Ltmp6, $4  }
0x255: {  	v13 =	vmax.f32 v13, v18;
	v14 =	vmul.f32 $9.999999770e-03, v20;
	v18 =	vadd.f32 v12, v35;
	v11 =	vld [tilespmem:s6+$0x51A0]  }
0x256: {  	[tilespmem:s6+$0x5110] =	vst v13;
	v13 =	vmax.f32 v17, v21;
	v21 =	vmul.f32 $9.999999770e-03, v23;
	v17 =	vadd.f32 v16, v36;
	v12 =	vld [tilespmem:s6+$0x51B0]  }
0x257: {  	[tilespmem:s6+$0x5120] =	vst v13;
	v14 =	vmax.f32 v20, v14;
	v20 =	vmul.f32 $9.999999770e-03, v18;
	v16 =	vadd.f32 v19, v37;
	v13 =	vld [tilespmem:s6+$0x51C0]  }
0x258: {  	s7 =	sadd.s32 $0x400, s7;
	[tilespmem:s6+$0x5130] =	vst v14;
	v21 =	vmax.f32 v23, v21;
	v19 =	vmul.f32 $9.999999770e-03, v17;
	v15 =	vadd.f32 v22, v15;
	v14 =	vld [tilespmem:s6+$0x51D0]  }
0x259: {  	[tilespmem:s6+$0x5140] =	vst v21;
	v18 =	vmax.f32 v18, v20;
	v47 =	vld [tilespmem:s6+$0x51E0];
	v48 =	vmul.f32 $9.999999770e-03, v16;
	v9 =	vadd.f32 v10, v9  }
0x25a: {  	v50 =	vld [tilespmem:s6+$0x51F0];
	[tilespmem:s6+$0x5150] =	vst v18;
	v49 =	vmax.f32 v17, v19;
	v51 =	vmul.f32 $9.999999770e-03, v15;
	v8 =	vadd.f32 v11, v8  }
0x25b: {  	v54 =	vld [tilespmem:s6+$0x5200];
	[tilespmem:s6+$0x5160] =	vst v49;
	v52 =	vmax.f32 v16, v48;
	v53 =	vmul.f32 $9.999999770e-03, v9;
	v7 =	vadd.f32 v12, v7  }
0x25c: {  	[tilespmem:s6+$0x5170] =	vst v52;
	v55 =	vmax.f32 v15, v51;
	v56 =	vmul.f32 $9.999999770e-03, v8;
	v5 =	vadd.f32 v13, v5  }
0x25d: {  	[tilespmem:s6+$0x5180] =	vst v55;
	v9 =	vmax.f32 v9, v53;
	v57 =	vmul.f32 $9.999999770e-03, v7;
	v6 =	vadd.f32 v14, v6  }
0x25e: {  	[tilespmem:s6+$0x5190] =	vst v9;
	v8 =	vmax.f32 v8, v56;
	v58 =	vmul.f32 $9.999999770e-03, v5;
	v2 =	vadd.f32 v47, v2  }
0x25f: {  	v3 =	vadd.f32 v50, v3;
	[tilespmem:s6+$0x51A0] =	vst v8;
	v7 =	vmax.f32 v7, v57;
	v59 =	vmul.f32 $9.999999770e-03, v6  }
0x260: {  	v4 =	vadd.f32 v54, v4;
	[tilespmem:s6+$0x51B0] =	vst v7;
	v5 =	vmax.f32 v5, v58;
	v60 =	vmul.f32 $9.999999770e-03, v2  }
0x261: {  	v62 =	vmul.f32 $9.999999770e-03, v3;
	[tilespmem:s6+$0x51C0] =	vst v5;
	v61 =	vmax.f32 v6, v59  }
0x262: {  	v63 =	vmul.f32 $9.999999770e-03, v4;
	[tilespmem:s6+$0x51D0] =	vst v61;
	v2 =	vmax.f32 v2, v60  }
0x263: {  	[tilespmem:s6+$0x51E0] =	vst v2;
	v2 =	vmax.f32 v3, v62  }
0x264: {  	[tilespmem:s6+$0x51F0] =	vst v2;
	v2 =	vmax.f32 v4, v63  }
0x265: {  	s7 =	simm.s32 @!p0 $0x100;
	s8 =	simm.s32 @!p0 $0x200;
	[tilespmem:s6+$0x5200] =	vst v2;
	s6 =	simm.s32 @!p0 $0x50  }
0x266: {  	[tilespmem:s8], [sflag:$0x2] =	stream.indirect.gather @!p0 [hbm4b:s1+s6], $0x80, s7, s6, $0xb8;
	[tilespmem:$0x1E200] =	vst v63  }
0x267: {  	s7 =	simm.s32 @!p0 $0x180;
	s8 =	simm.s32 @!p0 $0x2A00  }
0x268: {  	[tilespmem:s8], [sflag:$0x3] =	stream.indirect.gather @!p0 [hbm4b:s15+s6], $0x80, s7, s6, $0xb8;
	[tilespmem:$0x1E200] =	vst v63  }
0x269: {  	_ = 	snop  }
0x26a: {  	[spmem:s2] =	stream.indirect.scatter.add.f32 [tilespmem:s19], [sflag:$0x5], $0x80, s13, s17, $0xb8;
	[tilespmem:$0x1E200] =	vst v63  }
0x26b: {  	v2 =	vld [tilespmem:$0x80];
	_ =	sdelay $0x7  }
0x26c: {  	[tilespmem:v2+s29+$0x0] =	vst.idx.add.f32.msk $0xffff, v1  }
0x26d: {  	v2 =	vld [tilespmem:$0x90];
	_ =	sdelay $0x7  }
0x26e: {  	[tilespmem:v2+s29+$0x0] =	vst.idx.add.f32.msk $0xffff, v1  }
0x26f: {  	v2 =	vld [tilespmem:$0xA0];
	_ =	sdelay $0x7  }
0x270: {  	[tilespmem:v2+s29+$0x0] =	vst.idx.add.f32.msk $0xffff, v1  }
0x271: {  	v2 =	vld [tilespmem:$0xB0];
	_ =	sdelay $0x7  }
0x272: {  	[tilespmem:v2+s29+$0x0] =	vst.idx.add.f32.msk $0xffff, v1  }
0x273: {  	v2 =	vld [tilespmem:$0xC0];
	_ =	sdelay $0x6  }
.Ltmp7:
0x274: {  	_ = 	snop;
	(pc) =	sbr.rel @p0 .LBB2_14-.Ltmp7, $4  }
0x275: {  	[tilespmem:v2+s29+$0x0] =	vst.idx.add.f32.msk $0xffff, v1  }
0x276: {  	_ =	swait.ge [sflag:s31], $0x2800  }
0x277: {  	[sflag:s31] =	ssyncset.done $0x0  }
0x278: {  	[sflag:s31] =	ssyncadd.s32 $0xFFFFD800  }
0x279: {  	s6 =	sadd.s32 s4, s28  }
0x27a: {  	s6 =	sshrl.u32 s6, $0x3  }
0x27b: {  	s7 =	sadd.s32 s5, s6  }
0x27c: {  	[tilespmem:s3], [sflag:$0x1] =	stream.linear.gather [hbm4b:s7+s3], $0x50, $0x38;
	[tilespmem:$0x1E200] =	vst v63  }
.Ltmp8:
0x27d: {  	s9 =	sadd.s32 s4, s26;
	(pc) =	sbr.rel .LBB2_8-.Ltmp8, $4  }
0x27e: {  	s4 =	sshll.u32 s9, $0x4;
	s6 =	sadd.s32 s14, s6  }
0x27f: {  	[tilespmem:s13], [sflag:$0x1] =	stream.linear.gather [hbm4b:s6+s3], $0x50, $0x38;
	[tilespmem:$0x1E200] =	vst v63  }
0x280: {  	s0 =	sadd.s32 $0x1, s0;
	s4 =	sadd.s32 s16, s4  }
0x281: {  	[tilespmem:s19], [sflag:$0x4] =	stream.linear.gather [hbm4b:s4+s3], $0x2800, $0x38;
	[tilespmem:$0x1E200] =	vst v63  }
.LBB2_15:
0x282: {  	_ =	sfence.sel $0x180000  }
0x283: {  	[bflag:$0x0] =	sbarrier.arrive $0xFFFF  }
0x284: {  	_ =	strace $0x90000047  }
0x285: {  	s0 =	stileid.u32;
	[bflag:$0x2] =	sbarrier.arrive $0xFFFF  }
0x286: {  	p0 =	sne.s32 s0, $0x0;
	s0 =	rddreg [dreg:$0x3]  }
0x287: {  	s0 =	sadd.s32 @!p0 $0x100000, s0  }
0x288: {  	[sflag:s0] =	ssyncadd.tile.s32 @!p0 $0x1;
	_ =	shalt  }
.Lfunc_end2:
_tile_overlayer_lowered:
.L_overlay_start_2:
0x289: {  	(tag) =	ssettag $0x2  }
0x28a: {  	s0 =	rddreg [dreg:$0x0];
	s2 =	stileid.u32  }
0x28b: {  	s1 =	rddreg [dreg:$0x1];
	p0 =	sne.s32 s2, $0x0  }
0x28c: {  	s3 =	rddreg [dreg:$0x2];
	[bflag:$0x3] =	sbarrier.arrive $0xFFFF;
	s2 =	simm.s32 @!p0 $0x1C06  }
0x28d: {  	[timem:s3], [sflag:s2] =	dma.local @!p0 [hbm:s0], s1  }
0x28e: {  	s0 =	simm.s32 @!p0 $0x6  }
0x28f: {  	_ =	swait.ge @!p0 [sflag:s0], s1  }
0x290: {  	s1 =	ssub.s32 @!p0 $0x0, s1;
	[sflag:s0] =	ssyncset.done @!p0 $0x0  }
0x291: {  	[sflag:s0] =	ssyncadd.s32 @!p0 s1  }
0x292: {  	[bflag:$0x3] =	sbarrier.arrive $0xFFFF  }
0x293: {  	_ =	shalt  }

</sc_bundles>
